<compile_context>
chip_gen: v7x
topology: tpu7x:2x2x1
jax: 0.10.2.dev20260603
libtpu: 0.0.44.dev20260713+nightly
codegen_flags: <defaults>
</compile_context>

<pallas_src>
import functools

import jax
import jax.numpy as jnp
from jax import lax
from jax.experimental import pallas as pl
from jax.experimental.pallas import tpu as pltpu
from jax.experimental.pallas import tpu_sc as plsc

_K = 50
_B = 128
_N = 32768
_L = 16
_NVEC = _N // _L
_BSHIFT = 23
_NBKT = 1 << (31 - _BSHIFT)
_CAP = _NVEC
_ROWS_PER_W = 4
_FAST_VECS = 12
_INF_BITS = 0x7F800000


def _row_bottom_k(base, row2_v, cand_v, counts_v, totals_v):
    lanes = lax.iota(jnp.int32, _L)
    ones_i = jnp.ones((_L,), jnp.int32)
    zeros_i = jnp.zeros((_L,), jnp.int32)
    zeros_f = jnp.zeros((_L,), jnp.float32)
    lane_cap = lanes * _CAP

    @plsc.parallel_loop(0, _NVEC, unroll=16)
    def _hist(j):
        x = row2_v[pl.ds(base + j * _L, _L)]
        a = lax.bitcast_convert_type(jnp.abs(x), jnp.int32)
        e = lax.shift_right_logical(a, _BSHIFT)
        idx = e * _L + lanes
        plsc.addupdate_scatter(counts_v, [idx], ones_i)

    lane0 = lanes == 0

    @plsc.parallel_loop(0, _NBKT, unroll=8)
    def _tot(b):
        s = jnp.sum(counts_v[pl.ds(b * _L, _L)])
        counts_v[pl.ds(b * _L, _L)] = zeros_i
        bvec = jnp.full((_L,), b, jnp.int32)
        plsc.store_scatter(totals_v, [bvec], jnp.full((_L,), s, jnp.int32),
                           mask=lane0)

    def _scan(g, carry):
        cum, found, m = carry
        v = totals_v[pl.ds(g * _L, _L)]
        cs = plsc.cumsum(v) + cum
        hit = cs >= _K
        any_hit = jnp.any(hit)
        f = jnp.max(plsc.all_reduce_ffs(hit))
        take = jnp.logical_and(any_hit, jnp.logical_not(found))
        m = jnp.where(take, g * _L + f, m)
        found = jnp.logical_or(found, any_hit)
        cum = cum + jnp.sum(v)
        return cum, found, m

    _, _, m = lax.fori_loop(
        0, _NBKT // _L, _scan, (jnp.int32(0), False, jnp.int32(0)))

    m_hi = lax.shift_left(m + 1, _BSHIFT)

    def _compact(j, off):
        x = row2_v[pl.ds(base + j * _L, _L)]
        xa = jnp.abs(x)
        a = lax.bitcast_convert_type(xa, jnp.int32)
        le = a < m_hi
        idx = lane_cap + off
        plsc.store_scatter(cand_v, [idx], xa, mask=le)
        return off + le.astype(jnp.int32)

    off = plsc.parallel_loop(0, _NVEC, unroll=8, carry=zeros_i)(_compact)
    lmax = jnp.max(off)
    r = jnp.int32(_K)

    prefix0 = lax.shift_left(m, _BSHIFT)

    prefix0_v = jnp.full((_L,), 1, jnp.int32) * prefix0

    def _fast(off, r, prefix):
        cbs = []
        for j in range(_FAST_VECS):
            c = plsc.load_gather(cand_v, [lane_cap + j])
            cb = lax.bitcast_convert_type(c, jnp.int32)
            cbs.append(jnp.where(off > j, cb, jnp.int32(_INF_BITS)))
        for bit in range(_BSHIFT - 1, -1, -1):
            t = prefix | (1 << bit)
            cnt = zeros_i
            for cb in cbs:
                cnt = cnt + plsc.all_reduce_population_count(cb < t)
            prefix = jnp.where(cnt >= r, prefix, t)
        s_lt = zeros_f
        c_lt = zeros_i
        for cb in cbs:
            lt = cb < prefix
            s_lt = s_lt + jnp.where(
                lt, lax.bitcast_convert_type(cb, jnp.float32), zeros_f)
            c_lt = c_lt + plsc.all_reduce_population_count(lt)
        return jnp.sum(s_lt), c_lt, prefix

    def _slow(off, r, prefix):
        lm = jnp.max(off)

        def _bit(ii, prefix):
            t = prefix | lax.shift_left(jnp.int32(1), _BSHIFT - 1 - ii)

            def _cnt(j, cnt):
                c = plsc.load_gather(cand_v, [lane_cap + j])
                cb = lax.bitcast_convert_type(c, jnp.int32)
                ok = jnp.logical_and(j < off, cb < t)
                return cnt + plsc.all_reduce_population_count(ok)

            cnt = lax.fori_loop(0, lm, _cnt, zeros_i)
            return jnp.where(cnt >= r, prefix, t)

        prefix = lax.fori_loop(0, _BSHIFT, _bit, prefix)

        def _fin(j, carry):
            s_lt, c_lt = carry
            c = plsc.load_gather(cand_v, [lane_cap + j])
            cb = lax.bitcast_convert_type(c, jnp.int32)
            ok = jnp.logical_and(j < off, cb < prefix)
            s_lt = s_lt + jnp.where(ok, c, zeros_f)
            c_lt = c_lt + plsc.all_reduce_population_count(ok)
            return s_lt, c_lt

        s_lt, c_lt = lax.fori_loop(0, lm, _fin, (zeros_f, zeros_i))
        return jnp.sum(s_lt), c_lt, prefix

    s_lt, c_lt, prefix = lax.cond(
        lmax <= _FAST_VECS, _fast, _slow, off, r, prefix0_v)

    t_val = lax.bitcast_convert_type(prefix, jnp.float32)
    ties = (r - c_lt).astype(jnp.float32)
    return s_lt + ties * t_val


@functools.partial(
    pl.kernel,
    out_type=jax.ShapeDtypeStruct((_B // _ROWS_PER_W, _L), jnp.float32),
    mesh=plsc.VectorSubcoreMesh(core_axis_name="c", subcore_axis_name="s"),
    compiler_params=pltpu.CompilerParams(
        needs_layout_passes=False,
        skip_device_barrier=True,
        disable_bounds_checks=True,
        disable_semaphore_checks=True,
    ),
    scratch_types=[
        pltpu.VMEM((2 * _N,), jnp.float32),
        pltpu.VMEM((_N,), jnp.float32),
        pltpu.VMEM((_NBKT * _L,), jnp.int32),
        pltpu.VMEM((_NBKT,), jnp.int32),
        pltpu.VMEM((_L,), jnp.float32),
        pltpu.SemaphoreType.DMA,
        pltpu.SemaphoreType.DMA,
    ],
)
def _sc_bottom_k(scores_hbm, out_hbm, row2_v, cand_v, counts_v,
                 totals_v, stage_v, sem_a, sem_b):
    wid = lax.axis_index("s") * 2 + lax.axis_index("c")
    row0 = wid * _ROWS_PER_W

    @plsc.parallel_loop(0, _NBKT, unroll=8)
    def _zero(b):
        counts_v[pl.ds(b * _L, _L)] = jnp.zeros((_L,), jnp.int32)

    pltpu.async_copy(scores_hbm.at[row0], row2_v.at[pl.ds(0, _N)], sem_a)
    pltpu.async_copy(scores_hbm.at[row0 + 1], row2_v.at[pl.ds(_N, _N)],
                     sem_b)

    lanes = lax.iota(jnp.int32, _L)

    def _row(i, acc):
        row = row0 + i
        parity = i & 1
        base = parity * _N

        @pl.when(parity == 0)
        def _wait_a():
            pltpu.make_async_copy(
                scores_hbm.at[row], row2_v.at[pl.ds(0, _N)], sem_a).wait()

        @pl.when(parity == 1)
        def _wait_b():
            pltpu.make_async_copy(
                scores_hbm.at[row], row2_v.at[pl.ds(_N, _N)], sem_b).wait()

        row_sum = _row_bottom_k(base, row2_v, cand_v, counts_v, totals_v)

        @pl.when(jnp.logical_and(i < _ROWS_PER_W - 2, parity == 0))
        def _pre_a():
            pltpu.async_copy(scores_hbm.at[row + 2],
                             row2_v.at[pl.ds(0, _N)], sem_a)

        @pl.when(jnp.logical_and(i < _ROWS_PER_W - 2, parity == 1))
        def _pre_b():
            pltpu.async_copy(scores_hbm.at[row + 2],
                             row2_v.at[pl.ds(_N, _N)], sem_b)

        return jnp.where(lanes == i, row_sum, acc)

    acc = lax.fori_loop(0, _ROWS_PER_W, _row, jnp.zeros((_L,), jnp.float32))
    stage_v[...] = acc
    pltpu.sync_copy(stage_v, out_hbm.at[wid])


def kernel(scores):
    out = _sc_bottom_k(scores)
    return jnp.mean(out[:, :_ROWS_PER_W])

# --- scband reference (transcript-rebuilt; emitter-appended) ---
"""Pipeline reference for scband-smallest-k-dist-loss-52664888984155 (READ-ONLY COPY).

The authoritative reference and input builder live on the scoring server;
editing this copy changes nothing except your own understanding.
"""

import jax, jax.numpy as jnp
import numpy as np

K = 50

def setup_inputs(seed: int = 0) -> dict:
    key = jax.random.key(seed)
    scores = jax.random.normal(key, (128, 32768), dtype=jnp.float32)
    return {"scores": scores}

def reference(scores):
    # smallest_k_dist_loss: per instance, take the k smallest absolute
    # distances (|pre-activation| distances to ReLU decision boundaries)
    # and penalize their sum; implemented as top_k on negated |scores|.
    dists = jnp.abs(scores)
    neg_topk_vals, _ = jax.lax.top_k(-dists, K)
    smallest_k = -neg_topk_vals  # [B, K], the K smallest distances per row
    loss = smallest_k.sum(axis=-1).mean()
    return loss

if __name__ == "__main__":
    import jax
    _d = setup_inputs()
    print(jax.jit(kernel)(*tuple(_d.values())))

</pallas_src>

<mosaic_0001>
#map = affine_map<(d0, d1) -> (0, 0)>
module attributes {stable_mosaic.version = 14 : i64} {
  func.func @_sc_bottom_k(%arg0: i32, %arg1: i32, %arg2: memref<128x32768xf32, #tpu.memory_space<hbm>>, %arg3: memref<32x16xf32, #tpu.memory_space<hbm>>, %arg4: memref<65536xf32, #tpu.memory_space<vmem>>, %arg5: memref<32768xf32, #tpu.memory_space<vmem>>, %arg6: memref<4096xi32, #tpu.memory_space<vmem>>, %arg7: memref<256xi32, #tpu.memory_space<vmem>>, %arg8: memref<16xf32, #tpu.memory_space<vmem>>, %arg9: memref<!tpu.dma_semaphore, #tpu.memory_space<semaphore_mem>>, %arg10: memref<!tpu.dma_semaphore, #tpu.memory_space<semaphore_mem>>) attributes {dimension_semantics = [#tpu.dimension_semantics<core_parallel>, #tpu.dimension_semantics<subcore_parallel>], iteration_bounds = array<i64: 2, 16>, scalar_prefetch = 0 : i64, scratch_operands = 7 : i64, tpu.core_type = #tpu.core_type<sc_vector_subcore>, window_params = [{transform_indices = #map}, {transform_indices = #map}]} {
    %mul3A = arith.constant 2 : i32
    %mul3A_0 = arith.muli %arg1, %mul3A : i32
    %add3A = arith.addi %mul3A_0, %arg0 : i32
    %mul3A_1 = arith.constant 4 : i32
    %mul3A_2 = arith.muli %add3A, %mul3A_1 : i32
    %parallel_loop3A = arith.constant 0 : i32
    %parallel_loop3A_3 = arith.constant 256 : i32
    %parallel_loop3A_4 = arith.constant 1 : i32
    scf.for %parallel_loop3A_33 = %parallel_loop3A to %parallel_loop3A_3 step %parallel_loop3A_4  : i32 {
      %parallel_loop3A_34 = arith.constant 0 : i32
      %parallel_loop3A_35 = vector.broadcast %parallel_loop3A_34 : i32 to vector<16xi32>
      %parallel_loop3A_36 = arith.constant 16 : i32
      %parallel_loop3A_37 = arith.muli %parallel_loop3A_33, %parallel_loop3A_36 : i32
      %parallel_loop3A_38 = arith.index_cast %parallel_loop3A_37 : i32 to index
      %parallel_loop3A_39 = tpu.vector_load %arg6[%parallel_loop3A_38] {strides = array<i32>} : memref<4096xi32, #tpu.memory_space<vmem>>, vector<16xi32>,
      tpu.vector_store %arg6[%parallel_loop3A_38], %parallel_loop3A_35 {strides = array<i32>} : memref<4096xi32, #tpu.memory_space<vmem>>, vector<16xi32>,
    } {sc.loop_unroll_factor = 8 : i64, sc.parallel_access}
    %dma_start3A = arith.constant 0 : i32
    %dma_start3A_5 = tpu.memref_slice %arg4[%dma_start3A] : memref<65536xf32, #tpu.memory_space<vmem>> -> memref<32768xf32, #tpu.memory_space<vmem>>
    %dma_start3A_6 = arith.constant 0 : i32
    %dma_start3A_7 = tpu.memref_slice %arg2[%mul3A_2, %dma_start3A_6] : memref<128x32768xf32, #tpu.memory_space<hbm>> -> memref<1x32768xf32, #tpu.memory_space<hbm>>
    %dma_start3A_8 = tpu.memref_squeeze %dma_start3A_7 : memref<1x32768xf32, #tpu.memory_space<hbm>> -> memref<32768xf32, #tpu.memory_space<hbm>>
    %dma_start3A_9 = arith.constant 0 : i32
    %dma_start3A_10 = tpu.memref_slice %arg4[%dma_start3A_9] : memref<65536xf32, #tpu.memory_space<vmem>> -> memref<32768xf32, #tpu.memory_space<vmem>>
    %dma_start3A_11 = arith.constant 0 : i32
    %dma_start3A_12 = tpu.memref_slice %arg2[%mul3A_2, %dma_start3A_11] : memref<128x32768xf32, #tpu.memory_space<hbm>> -> memref<1x32768xf32, #tpu.memory_space<hbm>>
    %dma_start3A_13 = tpu.memref_squeeze %dma_start3A_12 : memref<1x32768xf32, #tpu.memory_space<hbm>> -> memref<32768xf32, #tpu.memory_space<hbm>>
    tpu.enqueue_dma source(%dma_start3A_13 : memref<32768xf32, #tpu.memory_space<hbm>>) target(%dma_start3A_10 : memref<32768xf32, #tpu.memory_space<vmem>>) target_semaphore(%arg9 : memref<!tpu.dma_semaphore, #tpu.memory_space<semaphore_mem>>)
    %add3A_14 = arith.constant 1 : i32
    %add3A_15 = arith.addi %mul3A_2, %add3A_14 : i32
    %dma_start3A_16 = arith.constant 32768 : i32
    %dma_start3A_17 = tpu.memref_slice %arg4[%dma_start3A_16] : memref<65536xf32, #tpu.memory_space<vmem>> -> memref<32768xf32, #tpu.memory_space<vmem>>
    %dma_start3A_18 = arith.constant 0 : i32
    %dma_start3A_19 = tpu.memref_slice %arg2[%add3A_15, %dma_start3A_18] : memref<128x32768xf32, #tpu.memory_space<hbm>> -> memref<1x32768xf32, #tpu.memory_space<hbm>>
    %dma_start3A_20 = tpu.memref_squeeze %dma_start3A_19 : memref<1x32768xf32, #tpu.memory_space<hbm>> -> memref<32768xf32, #tpu.memory_space<hbm>>
    %dma_start3A_21 = arith.constant 32768 : i32
    %dma_start3A_22 = tpu.memref_slice %arg4[%dma_start3A_21] : memref<65536xf32, #tpu.memory_space<vmem>> -> memref<32768xf32, #tpu.memory_space<vmem>>
    %dma_start3A_23 = arith.constant 0 : i32
    %dma_start3A_24 = tpu.memref_slice %arg2[%add3A_15, %dma_start3A_23] : memref<128x32768xf32, #tpu.memory_space<hbm>> -> memref<1x32768xf32, #tpu.memory_space<hbm>>
    %dma_start3A_25 = tpu.memref_squeeze %dma_start3A_24 : memref<1x32768xf32, #tpu.memory_space<hbm>> -> memref<32768xf32, #tpu.memory_space<hbm>>
    tpu.enqueue_dma source(%dma_start3A_25 : memref<32768xf32, #tpu.memory_space<hbm>>) target(%dma_start3A_22 : memref<32768xf32, #tpu.memory_space<vmem>>) target_semaphore(%arg10 : memref<!tpu.dma_semaphore, #tpu.memory_space<semaphore_mem>>)
    %iota3A = tpu.iota {dimensions = array<i32: 0>} : vector<16xi32>
    %broadcast_in_dim3A = arith.constant 0.000000e+00 : f32
    %broadcast_in_dim3A_26 = vector.broadcast %broadcast_in_dim3A : f32 to vector<16xf32>
    %scan3A = arith.constant 0 : i32
    %scan3A_27 = arith.constant 4 : i32
    %scan3A_28 = arith.addi %scan3A, %scan3A_27 : i32
    %scan3A_29 = arith.constant 1 : i32
    %scan3A_30 = scf.for %scan3A_33 = %scan3A to %scan3A_28 step %scan3A_29 iter_args(%scan3A_34 = %broadcast_in_dim3A_26) -> (vector<16xf32>)  : i32 {
      %add3A_35 = arith.addi %mul3A_2, %scan3A_33 : i32
      %and3A = arith.constant 1 : i32
      %and3A_36 = arith.andi %scan3A_33, %and3A : i32
      %mul3A_37 = arith.constant 32768 : i32
      %mul3A_38 = arith.muli %and3A_36, %mul3A_37 : i32
      %eq3A = arith.constant 0 : i32
      %eq3A_39 = arith.cmpi eq, %and3A_36, %eq3A : i32
      %convert_element_type3A = arith.extui %eq3A_39 : i1 to i32
      %cond3A = arith.constant 0 : i32
      %cond3A_40 = arith.cmpi ne, %convert_element_type3A, %cond3A : i32
      scf.if %cond3A_40 {
        %dma_wait3A = arith.constant 0 : i32
        %dma_wait3A_123 = tpu.memref_slice %arg4[%dma_wait3A] : memref<65536xf32, #tpu.memory_space<vmem>> -> memref<32768xf32, #tpu.memory_space<vmem>>
        %dma_wait3A_124 = arith.constant 0 : i32
        %dma_wait3A_125 = tpu.memref_slice %arg2[%add3A_35, %dma_wait3A_124] : memref<128x32768xf32, #tpu.memory_space<hbm>> -> memref<1x32768xf32, #tpu.memory_space<hbm>>
        %dma_wait3A_126 = tpu.memref_squeeze %dma_wait3A_125 : memref<1x32768xf32, #tpu.memory_space<hbm>> -> memref<32768xf32, #tpu.memory_space<hbm>>
        %dma_wait3A_127 = arith.constant 0 : i32
        %dma_wait3A_128 = tpu.memref_slice %arg4[%dma_wait3A_127] : memref<65536xf32, #tpu.memory_space<vmem>> -> memref<32768xf32, #tpu.memory_space<vmem>>
        %dma_wait3A_129 = arith.constant 0 : i32
        %dma_wait3A_130 = tpu.memref_slice %arg2[%add3A_35, %dma_wait3A_129] : memref<128x32768xf32, #tpu.memory_space<hbm>> -> memref<1x32768xf32, #tpu.memory_space<hbm>>
        %dma_wait3A_131 = tpu.memref_squeeze %dma_wait3A_130 : memref<1x32768xf32, #tpu.memory_space<hbm>> -> memref<32768xf32, #tpu.memory_space<hbm>>
        tpu.wait_dma2 semaphore(%arg9 : memref<!tpu.dma_semaphore, #tpu.memory_space<semaphore_mem>>) src(%dma_wait3A_131 : memref<32768xf32, #tpu.memory_space<hbm>>) dst(%dma_wait3A_128 : memref<32768xf32, #tpu.memory_space<vmem>>)
      } else {
      }
      %eq3A_41 = arith.constant 1 : i32
      %eq3A_42 = arith.cmpi eq, %and3A_36, %eq3A_41 : i32
      %convert_element_type3A_43 = arith.extui %eq3A_42 : i1 to i32
      %cond3A_44 = arith.constant 0 : i32
      %cond3A_45 = arith.cmpi ne, %convert_element_type3A_43, %cond3A_44 : i32
      scf.if %cond3A_45 {
        %dma_wait3A = arith.constant 32768 : i32
        %dma_wait3A_123 = tpu.memref_slice %arg4[%dma_wait3A] : memref<65536xf32, #tpu.memory_space<vmem>> -> memref<32768xf32, #tpu.memory_space<vmem>>
        %dma_wait3A_124 = arith.constant 0 : i32
        %dma_wait3A_125 = tpu.memref_slice %arg2[%add3A_35, %dma_wait3A_124] : memref<128x32768xf32, #tpu.memory_space<hbm>> -> memref<1x32768xf32, #tpu.memory_space<hbm>>
        %dma_wait3A_126 = tpu.memref_squeeze %dma_wait3A_125 : memref<1x32768xf32, #tpu.memory_space<hbm>> -> memref<32768xf32, #tpu.memory_space<hbm>>
        %dma_wait3A_127 = arith.constant 32768 : i32
        %dma_wait3A_128 = tpu.memref_slice %arg4[%dma_wait3A_127] : memref<65536xf32, #tpu.memory_space<vmem>> -> memref<32768xf32, #tpu.memory_space<vmem>>
        %dma_wait3A_129 = arith.constant 0 : i32
        %dma_wait3A_130 = tpu.memref_slice %arg2[%add3A_35, %dma_wait3A_129] : memref<128x32768xf32, #tpu.memory_space<hbm>> -> memref<1x32768xf32, #tpu.memory_space<hbm>>
        %dma_wait3A_131 = tpu.memref_squeeze %dma_wait3A_130 : memref<1x32768xf32, #tpu.memory_space<hbm>> -> memref<32768xf32, #tpu.memory_space<hbm>>
        tpu.wait_dma2 semaphore(%arg10 : memref<!tpu.dma_semaphore, #tpu.memory_space<semaphore_mem>>) src(%dma_wait3A_131 : memref<32768xf32, #tpu.memory_space<hbm>>) dst(%dma_wait3A_128 : memref<32768xf32, #tpu.memory_space<vmem>>)
      } else {
      }
      %iota3A_46 = tpu.iota {dimensions = array<i32: 0>} : vector<16xi32>
      %broadcast_in_dim3A_47 = arith.constant 1 : i32
      %broadcast_in_dim3A_48 = vector.broadcast %broadcast_in_dim3A_47 : i32 to vector<16xi32>
      %broadcast_in_dim3A_49 = arith.constant 0 : i32
      %broadcast_in_dim3A_50 = vector.broadcast %broadcast_in_dim3A_49 : i32 to vector<16xi32>
      %broadcast_in_dim3A_51 = arith.constant 0.000000e+00 : f32
      %broadcast_in_dim3A_52 = vector.broadcast %broadcast_in_dim3A_51 : f32 to vector<16xf32>
      %mul3A_53 = arith.constant 2048 : i32
      %mul3A_54 = vector.broadcast %mul3A_53 : i32 to vector<16xi32>
      %mul3A_55 = arith.muli %iota3A_46, %mul3A_54 : vector<16xi32>
      %parallel_loop3A_56 = arith.constant 0 : i32
      %parallel_loop3A_57 = arith.constant 2048 : i32
      %parallel_loop3A_58 = arith.constant 1 : i32
      scf.for %parallel_loop3A_123 = %parallel_loop3A_56 to %parallel_loop3A_57 step %parallel_loop3A_58  : i32 {
        %parallel_loop3A_124 = arith.constant 16 : i32
        %parallel_loop3A_125 = arith.muli %parallel_loop3A_123, %parallel_loop3A_124 : i32
        %parallel_loop3A_126 = arith.addi %mul3A_38, %parallel_loop3A_125 : i32
        %parallel_loop3A_127 = arith.index_cast %parallel_loop3A_126 : i32 to index
        %parallel_loop3A_128 = tpu.vector_load %arg4[%parallel_loop3A_127] {strides = array<i32>} : memref<65536xf32, #tpu.memory_space<vmem>>, vector<16xf32>,
        %parallel_loop3A_129 = math.absf %parallel_loop3A_128 : vector<16xf32>
        %parallel_loop3A_130 = tpu.bitcast %parallel_loop3A_129 : vector<16xf32> -> vector<16xi32>
        %parallel_loop3A_131 = arith.constant 23 : i32
        %parallel_loop3A_132 = vector.broadcast %parallel_loop3A_131 : i32 to vector<16xi32>
        %parallel_loop3A_133 = arith.shrui %parallel_loop3A_130, %parallel_loop3A_132 : vector<16xi32>
        %parallel_loop3A_134 = arith.constant 16 : i32
        %parallel_loop3A_135 = vector.broadcast %parallel_loop3A_134 : i32 to vector<16xi32>
        %parallel_loop3A_136 = arith.muli %parallel_loop3A_133, %parallel_loop3A_135 : vector<16xi32>
        %parallel_loop3A_137 = arith.addi %parallel_loop3A_136, %iota3A_46 : vector<16xi32>
        tpu.vector_store_idx %arg6[%parallel_loop3A_137], %broadcast_in_dim3A_48 {add = true} : memref<4096xi32, #tpu.memory_space<vmem>>[vector<16xi32>], vector<16xi32>,
      } {sc.loop_unroll_factor = 16 : i64, sc.parallel_access}
      %eq3A_59 = arith.constant 0 : i32
      %eq3A_60 = vector.broadcast %eq3A_59 : i32 to vector<16xi32>
      %eq3A_61 = arith.cmpi eq, %iota3A_46, %eq3A_60 : vector<16xi32>
      %parallel_loop3A_62 = arith.constant 0 : i32
      %parallel_loop3A_63 = arith.constant 256 : i32
      %parallel_loop3A_64 = arith.constant 1 : i32
      scf.for %parallel_loop3A_123 = %parallel_loop3A_62 to %parallel_loop3A_63 step %parallel_loop3A_64  : i32 {
        %parallel_loop3A_124 = arith.constant 16 : i32
        %parallel_loop3A_125 = arith.muli %parallel_loop3A_123, %parallel_loop3A_124 : i32
        %parallel_loop3A_126 = arith.index_cast %parallel_loop3A_125 : i32 to index
        %parallel_loop3A_127 = tpu.vector_load %arg6[%parallel_loop3A_126] {strides = array<i32>} : memref<4096xi32, #tpu.memory_space<vmem>>, vector<16xi32>,
        %parallel_loop3A_128 = arith.constant true
        %parallel_loop3A_129 = vector.broadcast %parallel_loop3A_128 : i1 to vector<16xi1>
        %parallel_loop3A_130 = tpu.scan <sum>, %parallel_loop3A_127 masked %parallel_loop3A_129 : vector<16xi32>, vector<16xi1> -> vector<16xi32>
        %parallel_loop3A_131 = vector.extract %parallel_loop3A_130[15] : i32 from vector<16xi32>
        %parallel_loop3A_132 = arith.constant 16 : i32
        %parallel_loop3A_133 = arith.muli %parallel_loop3A_123, %parallel_loop3A_132 : i32
        %parallel_loop3A_134 = arith.index_cast %parallel_loop3A_133 : i32 to index
        %parallel_loop3A_135 = tpu.vector_load %arg6[%parallel_loop3A_134] {strides = array<i32>} : memref<4096xi32, #tpu.memory_space<vmem>>, vector<16xi32>,
        tpu.vector_store %arg6[%parallel_loop3A_134], %broadcast_in_dim3A_50 {strides = array<i32>} : memref<4096xi32, #tpu.memory_space<vmem>>, vector<16xi32>,
        %parallel_loop3A_136 = vector.broadcast %parallel_loop3A_123 : i32 to vector<16xi32>
        %parallel_loop3A_137 = vector.broadcast %parallel_loop3A_131 : i32 to vector<16xi32>
        tpu.vector_store_idx %arg7[%parallel_loop3A_136], %parallel_loop3A_137 masked %eq3A_61 : memref<256xi32, #tpu.memory_space<vmem>>[vector<16xi32>], vector<16xi32>, vector<16xi1>
      } {sc.loop_unroll_factor = 8 : i64, sc.parallel_access}
      %scan3A_65 = arith.constant 0 : i32
      %scan3A_66 = arith.constant false
      %scan3A_67 = arith.constant 0 : i32
      %scan3A_68 = arith.constant 0 : i32
      %scan3A_69 = arith.constant 16 : i32
      %scan3A_70 = arith.addi %scan3A_68, %scan3A_69 : i32
      %scan3A_71 = arith.constant 1 : i32
      %scan3A_72:3 = scf.for %scan3A_123 = %scan3A_68 to %scan3A_70 step %scan3A_71 iter_args(%scan3A_124 = %scan3A_65, %scan3A_125 = %scan3A_66, %scan3A_126 = %scan3A_67) -> (i32, i1, i32)  : i32 {
        %mul3A_127 = arith.constant 16 : i32
        %mul3A_128 = arith.muli %scan3A_123, %mul3A_127 : i32
        %get3A = arith.index_cast %mul3A_128 : i32 to index
        %get3A_129 = tpu.vector_load %arg7[%get3A] {strides = array<i32>} : memref<256xi32, #tpu.memory_space<vmem>>, vector<16xi32>,
        %broadcast_in_dim3A_130 = arith.constant true
        %broadcast_in_dim3A_131 = vector.broadcast %broadcast_in_dim3A_130 : i1 to vector<16xi1>
        %masked_cumsum3A = tpu.scan <sum>, %get3A_129 masked %broadcast_in_dim3A_131 : vector<16xi32>, vector<16xi1> -> vector<16xi32>
        %add3A_132 = vector.broadcast %scan3A_124 : i32 to vector<16xi32>
        %add3A_133 = arith.addi %masked_cumsum3A, %add3A_132 : vector<16xi32>
        %ge3A = arith.constant 50 : i32
        %ge3A_134 = vector.broadcast %ge3A : i32 to vector<16xi32>
        %ge3A_135 = arith.cmpi sge, %add3A_133, %ge3A_134 : vector<16xi32>
        %reduce_or3A = arith.constant 1.000000e+00 : f32
        %reduce_or3A_136 = arith.constant 0.000000e+00 : f32
        %reduce_or3A_137 = vector.broadcast %reduce_or3A : f32 to vector<16xf32>
        %reduce_or3A_138 = vector.broadcast %reduce_or3A_136 : f32 to vector<16xf32>
        %reduce_or3A_139 = arith.select %ge3A_135, %reduce_or3A_137, %reduce_or3A_138 : vector<16xi1>, vector<16xf32>
        %reduce_or3A_140 = arith.constant true
        %reduce_or3A_141 = vector.broadcast %reduce_or3A_140 : i1 to vector<16xi1>
        %reduce_or3A_142 = tpu.scan <max>, %reduce_or3A_139 masked %reduce_or3A_141 : vector<16xf32>, vector<16xi1> -> vector<16xf32>
        %reduce_or3A_143 = vector.extract %reduce_or3A_142[15] : f32 from vector<16xf32>
        %reduce_or3A_144 = arith.constant 0.000000e+00 : f32
        %reduce_or3A_145 = arith.cmpf ogt, %reduce_or3A_143, %reduce_or3A_144 : f32
        %all_reduce_ffs3A = tpu.all_reduce %ge3A_135 {dim = 0 : i64, kind = #tpu.reduction_kind<find_first_set>} : vector<16xi1> -> vector<16xi32>
        %reduce_max3A_146 = arith.constant true
        %reduce_max3A_147 = vector.broadcast %reduce_max3A_146 : i1 to vector<16xi1>
        %reduce_max3A_148 = arith.constant -2147483648 : i32
        %reduce_max3A_149 = vector.broadcast %reduce_max3A_148 : i32 to vector<16xi32>
        %reduce_max3A_150 = arith.xori %all_reduce_ffs3A, %reduce_max3A_149 : vector<16xi32>
        %reduce_max3A_151 = tpu.scan <max>, %reduce_max3A_150 masked %reduce_max3A_147 : vector<16xi32>, vector<16xi1> -> vector<16xi32>
        %reduce_max3A_152 = arith.xori %reduce_max3A_151, %reduce_max3A_149 : vector<16xi32>
        %reduce_max3A_153 = vector.extract %reduce_max3A_152[15] : i32 from vector<16xi32>
        %not3A = arith.constant true
        %not3A_154 = arith.xori %scan3A_125, %not3A : i1
        %and3A_155 = arith.andi %reduce_or3A_145, %not3A_154 : i1
        %mul3A_156 = arith.constant 16 : i32
        %mul3A_157 = arith.muli %scan3A_123, %mul3A_156 : i32
        %add3A_158 = arith.addi %mul3A_157, %reduce_max3A_153 : i32
        %select_n3A_159 = arith.select %and3A_155, %add3A_158, %scan3A_126 : i32
        %or3A = arith.ori %scan3A_125, %reduce_or3A_145 : i1
        %reduce_sum3A = arith.constant true
        %reduce_sum3A_160 = vector.broadcast %reduce_sum3A : i1 to vector<16xi1>
        %reduce_sum3A_161 = tpu.scan <sum>, %get3A_129 masked %reduce_sum3A_160 : vector<16xi32>, vector<16xi1> -> vector<16xi32>
        %reduce_sum3A_162 = vector.extract %reduce_sum3A_161[15] : i32 from vector<16xi32>
        %add3A_163 = arith.addi %scan3A_124, %reduce_sum3A_162 : i32
        scf.yield %add3A_163, %or3A, %select_n3A_159 : i32, i1, i32
      }
      %scan3A_73 = arith.constant 16 : i32
      %add3A_74 = arith.constant 1 : i32
      %add3A_75 = arith.addi %scan3A_72#2, %add3A_74 : i32
      %shift_left3A = arith.constant 23 : i32
      %shift_left3A_76 = arith.shli %add3A_75, %shift_left3A : i32
      %parallel_loop3A_77 = arith.constant 0 : i32
      %parallel_loop3A_78 = arith.constant 2048 : i32
      %parallel_loop3A_79 = arith.constant 1 : i32
      %parallel_loop3A_80 = scf.for %parallel_loop3A_123 = %parallel_loop3A_77 to %parallel_loop3A_78 step %parallel_loop3A_79 iter_args(%parallel_loop3A_124 = %broadcast_in_dim3A_50) -> (vector<16xi32>)  : i32 {
        %parallel_loop3A_125 = arith.constant 16 : i32
        %parallel_loop3A_126 = arith.muli %parallel_loop3A_123, %parallel_loop3A_125 : i32
        %parallel_loop3A_127 = arith.addi %mul3A_38, %parallel_loop3A_126 : i32
        %parallel_loop3A_128 = arith.index_cast %parallel_loop3A_127 : i32 to index
        %parallel_loop3A_129 = tpu.vector_load %arg4[%parallel_loop3A_128] {strides = array<i32>} : memref<65536xf32, #tpu.memory_space<vmem>>, vector<16xf32>,
        %parallel_loop3A_130 = math.absf %parallel_loop3A_129 : vector<16xf32>
        %parallel_loop3A_131 = tpu.bitcast %parallel_loop3A_130 : vector<16xf32> -> vector<16xi32>
        %parallel_loop3A_132 = vector.broadcast %shift_left3A_76 : i32 to vector<16xi32>
        %parallel_loop3A_133 = arith.cmpi slt, %parallel_loop3A_131, %parallel_loop3A_132 : vector<16xi32>
        %parallel_loop3A_134 = arith.addi %mul3A_55, %parallel_loop3A_124 : vector<16xi32>
        tpu.vector_store_idx %arg5[%parallel_loop3A_134], %parallel_loop3A_130 masked %parallel_loop3A_133 : memref<32768xf32, #tpu.memory_space<vmem>>[vector<16xi32>], vector<16xf32>, vector<16xi1>
        %parallel_loop3A_135 = arith.extui %parallel_loop3A_133 : vector<16xi1> to vector<16xi32>
        %parallel_loop3A_136 = arith.addi %parallel_loop3A_124, %parallel_loop3A_135 : vector<16xi32>
        scf.yield %parallel_loop3A_136 : vector<16xi32>
      } {sc.loop_unroll_factor = 8 : i64, sc.parallel_access}
      %reduce_max3A = arith.constant true
      %reduce_max3A_81 = vector.broadcast %reduce_max3A : i1 to vector<16xi1>
      %reduce_max3A_82 = arith.constant -2147483648 : i32
      %reduce_max3A_83 = vector.broadcast %reduce_max3A_82 : i32 to vector<16xi32>
      %reduce_max3A_84 = arith.xori %parallel_loop3A_80, %reduce_max3A_83 : vector<16xi32>
      %reduce_max3A_85 = tpu.scan <max>, %reduce_max3A_84 masked %reduce_max3A_81 : vector<16xi32>, vector<16xi1> -> vector<16xi32>
      %reduce_max3A_86 = arith.xori %reduce_max3A_85, %reduce_max3A_83 : vector<16xi32>
      %reduce_max3A_87 = vector.extract %reduce_max3A_86[15] : i32 from vector<16xi32>
      %shift_left3A_88 = arith.constant 23 : i32
      %shift_left3A_89 = arith.shli %scan3A_72#2, %shift_left3A_88 : i32
      %broadcast_in_dim3A_90 = arith.constant 1 : i32
      %broadcast_in_dim3A_91 = vector.broadcast %broadcast_in_dim3A_90 : i32 to vector<16xi32>
      %mul3A_92 = vector.broadcast %shift_left3A_89 : i32 to vector<16xi32>
      %mul3A_93 = arith.muli %broadcast_in_dim3A_91, %mul3A_92 : vector<16xi32>
      %le3A = arith.constant 12 : i32
      %le3A_94 = arith.cmpi sle, %reduce_max3A_87, %le3A : i32
      %convert_element_type3A_95 = arith.extui %le3A_94 : i1 to i32
      %cond3A_96 = arith.constant 50 : i32
      %cond3A_97 = arith.constant 0 : i32
      %cond3A_98 = arith.cmpi ne, %convert_element_type3A_95, %cond3A_97 : i32
      %cond3A_99:3 = scf.if %cond3A_98 -> (f32, vector<16xi32>, vector<16xi32>) {
        %add3A_123 = arith.constant 0 : i32
        %add3A_124 = vector.broadcast %add3A_123 : i32 to vector<16xi32>
        %add3A_125 = arith.addi %mul3A_55, %add3A_124 : vector<16xi32>
        %gather3A = tpu.vector_load_idx %arg5[%add3A_125] : memref<32768xf32, #tpu.memory_space<vmem>>[vector<16xi32>], vector<16xf32>,
        %bitcast_convert_type3A_126 = tpu.bitcast %gather3A : vector<16xf32> -> vector<16xi32>
        %gt3A = arith.constant 0 : i32
        %gt3A_127 = vector.broadcast %gt3A : i32 to vector<16xi32>
        %gt3A_128 = arith.cmpi sgt, %parallel_loop3A_80, %gt3A_127 : vector<16xi32>
        %jit3A = arith.constant 2139095040 : i32
        %broadcast_in_dim3A_129 = vector.broadcast %jit3A : i32 to vector<16xi32>
        %select_n3A_130 = arith.select %gt3A_128, %bitcast_convert_type3A_126, %broadcast_in_dim3A_129 : vector<16xi1>, vector<16xi32>
        %add3A_131 = arith.constant 1 : i32
        %add3A_132 = vector.broadcast %add3A_131 : i32 to vector<16xi32>
        %add3A_133 = arith.addi %mul3A_55, %add3A_132 : vector<16xi32>
        %gather3A_134 = tpu.vector_load_idx %arg5[%add3A_133] : memref<32768xf32, #tpu.memory_space<vmem>>[vector<16xi32>], vector<16xf32>,
        %bitcast_convert_type3A_135 = tpu.bitcast %gather3A_134 : vector<16xf32> -> vector<16xi32>
        %gt3A_136 = arith.constant 1 : i32
        %gt3A_137 = vector.broadcast %gt3A_136 : i32 to vector<16xi32>
        %gt3A_138 = arith.cmpi sgt, %parallel_loop3A_80, %gt3A_137 : vector<16xi32>
        %jit3A_139 = arith.constant 2139095040 : i32
        %broadcast_in_dim3A_140 = vector.broadcast %jit3A_139 : i32 to vector<16xi32>
        %select_n3A_141 = arith.select %gt3A_138, %bitcast_convert_type3A_135, %broadcast_in_dim3A_140 : vector<16xi1>, vector<16xi32>
        %add3A_142 = arith.constant 2 : i32
        %add3A_143 = vector.broadcast %add3A_142 : i32 to vector<16xi32>
        %add3A_144 = arith.addi %mul3A_55, %add3A_143 : vector<16xi32>
        %gather3A_145 = tpu.vector_load_idx %arg5[%add3A_144] : memref<32768xf32, #tpu.memory_space<vmem>>[vector<16xi32>], vector<16xf32>,
        %bitcast_convert_type3A_146 = tpu.bitcast %gather3A_145 : vector<16xf32> -> vector<16xi32>
        %gt3A_147 = arith.constant 2 : i32
        %gt3A_148 = vector.broadcast %gt3A_147 : i32 to vector<16xi32>
        %gt3A_149 = arith.cmpi sgt, %parallel_loop3A_80, %gt3A_148 : vector<16xi32>
        %jit3A_150 = arith.constant 2139095040 : i32
        %broadcast_in_dim3A_151 = vector.broadcast %jit3A_150 : i32 to vector<16xi32>
        %select_n3A_152 = arith.select %gt3A_149, %bitcast_convert_type3A_146, %broadcast_in_dim3A_151 : vector<16xi1>, vector<16xi32>
        %add3A_153 = arith.constant 3 : i32
        %add3A_154 = vector.broadcast %add3A_153 : i32 to vector<16xi32>
        %add3A_155 = arith.addi %mul3A_55, %add3A_154 : vector<16xi32>
        %gather3A_156 = tpu.vector_load_idx %arg5[%add3A_155] : memref<32768xf32, #tpu.memory_space<vmem>>[vector<16xi32>], vector<16xf32>,
        %bitcast_convert_type3A_157 = tpu.bitcast %gather3A_156 : vector<16xf32> -> vector<16xi32>
        %gt3A_158 = arith.constant 3 : i32
        %gt3A_159 = vector.broadcast %gt3A_158 : i32 to vector<16xi32>
        %gt3A_160 = arith.cmpi sgt, %parallel_loop3A_80, %gt3A_159 : vector<16xi32>
        %jit3A_161 = arith.constant 2139095040 : i32
        %broadcast_in_dim3A_162 = vector.broadcast %jit3A_161 : i32 to vector<16xi32>
        %select_n3A_163 = arith.select %gt3A_160, %bitcast_convert_type3A_157, %broadcast_in_dim3A_162 : vector<16xi1>, vector<16xi32>
        %add3A_164 = arith.constant 4 : i32
        %add3A_165 = vector.broadcast %add3A_164 : i32 to vector<16xi32>
        %add3A_166 = arith.addi %mul3A_55, %add3A_165 : vector<16xi32>
        %gather3A_167 = tpu.vector_load_idx %arg5[%add3A_166] : memref<32768xf32, #tpu.memory_space<vmem>>[vector<16xi32>], vector<16xf32>,
        %bitcast_convert_type3A_168 = tpu.bitcast %gather3A_167 : vector<16xf32> -> vector<16xi32>
        %gt3A_169 = arith.constant 4 : i32
        %gt3A_170 = vector.broadcast %gt3A_169 : i32 to vector<16xi32>
        %gt3A_171 = arith.cmpi sgt, %parallel_loop3A_80, %gt3A_170 : vector<16xi32>
        %jit3A_172 = arith.constant 2139095040 : i32
        %broadcast_in_dim3A_173 = vector.broadcast %jit3A_172 : i32 to vector<16xi32>
        %select_n3A_174 = arith.select %gt3A_171, %bitcast_convert_type3A_168, %broadcast_in_dim3A_173 : vector<16xi1>, vector<16xi32>
        %add3A_175 = arith.constant 5 : i32
        %add3A_176 = vector.broadcast %add3A_175 : i32 to vector<16xi32>
        %add3A_177 = arith.addi %mul3A_55, %add3A_176 : vector<16xi32>
        %gather3A_178 = tpu.vector_load_idx %arg5[%add3A_177] : memref<32768xf32, #tpu.memory_space<vmem>>[vector<16xi32>], vector<16xf32>,
        %bitcast_convert_type3A_179 = tpu.bitcast %gather3A_178 : vector<16xf32> -> vector<16xi32>
        %gt3A_180 = arith.constant 5 : i32
        %gt3A_181 = vector.broadcast %gt3A_180 : i32 to vector<16xi32>
        %gt3A_182 = arith.cmpi sgt, %parallel_loop3A_80, %gt3A_181 : vector<16xi32>
        %jit3A_183 = arith.constant 2139095040 : i32
        %broadcast_in_dim3A_184 = vector.broadcast %jit3A_183 : i32 to vector<16xi32>
        %select_n3A_185 = arith.select %gt3A_182, %bitcast_convert_type3A_179, %broadcast_in_dim3A_184 : vector<16xi1>, vector<16xi32>
        %add3A_186 = arith.constant 6 : i32
        %add3A_187 = vector.broadcast %add3A_186 : i32 to vector<16xi32>
        %add3A_188 = arith.addi %mul3A_55, %add3A_187 : vector<16xi32>
        %gather3A_189 = tpu.vector_load_idx %arg5[%add3A_188] : memref<32768xf32, #tpu.memory_space<vmem>>[vector<16xi32>], vector<16xf32>,
        %bitcast_convert_type3A_190 = tpu.bitcast %gather3A_189 : vector<16xf32> -> vector<16xi32>
        %gt3A_191 = arith.constant 6 : i32
        %gt3A_192 = vector.broadcast %gt3A_191 : i32 to vector<16xi32>
        %gt3A_193 = arith.cmpi sgt, %parallel_loop3A_80, %gt3A_192 : vector<16xi32>
        %jit3A_194 = arith.constant 2139095040 : i32
        %broadcast_in_dim3A_195 = vector.broadcast %jit3A_194 : i32 to vector<16xi32>
        %select_n3A_196 = arith.select %gt3A_193, %bitcast_convert_type3A_190, %broadcast_in_dim3A_195 : vector<16xi1>, vector<16xi32>
        %add3A_197 = arith.constant 7 : i32
        %add3A_198 = vector.broadcast %add3A_197 : i32 to vector<16xi32>
        %add3A_199 = arith.addi %mul3A_55, %add3A_198 : vector<16xi32>
        %gather3A_200 = tpu.vector_load_idx %arg5[%add3A_199] : memref<32768xf32, #tpu.memory_space<vmem>>[vector<16xi32>], vector<16xf32>,
        %bitcast_convert_type3A_201 = tpu.bitcast %gather3A_200 : vector<16xf32> -> vector<16xi32>
        %gt3A_202 = arith.constant 7 : i32
        %gt3A_203 = vector.broadcast %gt3A_202 : i32 to vector<16xi32>
        %gt3A_204 = arith.cmpi sgt, %parallel_loop3A_80, %gt3A_203 : vector<16xi32>
        %jit3A_205 = arith.constant 2139095040 : i32
        %broadcast_in_dim3A_206 = vector.broadcast %jit3A_205 : i32 to vector<16xi32>
        %select_n3A_207 = arith.select %gt3A_204, %bitcast_convert_type3A_201, %broadcast_in_dim3A_206 : vector<16xi1>, vector<16xi32>
        %add3A_208 = arith.constant 8 : i32
        %add3A_209 = vector.broadcast %add3A_208 : i32 to vector<16xi32>
        %add3A_210 = arith.addi %mul3A_55, %add3A_209 : vector<16xi32>
        %gather3A_211 = tpu.vector_load_idx %arg5[%add3A_210] : memref<32768xf32, #tpu.memory_space<vmem>>[vector<16xi32>], vector<16xf32>,
        %bitcast_convert_type3A_212 = tpu.bitcast %gather3A_211 : vector<16xf32> -> vector<16xi32>
        %gt3A_213 = arith.constant 8 : i32
        %gt3A_214 = vector.broadcast %gt3A_213 : i32 to vector<16xi32>
        %gt3A_215 = arith.cmpi sgt, %parallel_loop3A_80, %gt3A_214 : vector<16xi32>
        %jit3A_216 = arith.constant 2139095040 : i32
        %broadcast_in_dim3A_217 = vector.broadcast %jit3A_216 : i32 to vector<16xi32>
        %select_n3A_218 = arith.select %gt3A_215, %bitcast_convert_type3A_212, %broadcast_in_dim3A_217 : vector<16xi1>, vector<16xi32>
        %add3A_219 = arith.constant 9 : i32
        %add3A_220 = vector.broadcast %add3A_219 : i32 to vector<16xi32>
        %add3A_221 = arith.addi %mul3A_55, %add3A_220 : vector<16xi32>
        %gather3A_222 = tpu.vector_load_idx %arg5[%add3A_221] : memref<32768xf32, #tpu.memory_space<vmem>>[vector<16xi32>], vector<16xf32>,
        %bitcast_convert_type3A_223 = tpu.bitcast %gather3A_222 : vector<16xf32> -> vector<16xi32>
        %gt3A_224 = arith.constant 9 : i32
        %gt3A_225 = vector.broadcast %gt3A_224 : i32 to vector<16xi32>
        %gt3A_226 = arith.cmpi sgt, %parallel_loop3A_80, %gt3A_225 : vector<16xi32>
        %jit3A_227 = arith.constant 2139095040 : i32
        %broadcast_in_dim3A_228 = vector.broadcast %jit3A_227 : i32 to vector<16xi32>
        %select_n3A_229 = arith.select %gt3A_226, %bitcast_convert_type3A_223, %broadcast_in_dim3A_228 : vector<16xi1>, vector<16xi32>
        %add3A_230 = arith.constant 10 : i32
        %add3A_231 = vector.broadcast %add3A_230 : i32 to vector<16xi32>
        %add3A_232 = arith.addi %mul3A_55, %add3A_231 : vector<16xi32>
        %gather3A_233 = tpu.vector_load_idx %arg5[%add3A_232] : memref<32768xf32, #tpu.memory_space<vmem>>[vector<16xi32>], vector<16xf32>,
        %bitcast_convert_type3A_234 = tpu.bitcast %gather3A_233 : vector<16xf32> -> vector<16xi32>
        %gt3A_235 = arith.constant 10 : i32
        %gt3A_236 = vector.broadcast %gt3A_235 : i32 to vector<16xi32>
        %gt3A_237 = arith.cmpi sgt, %parallel_loop3A_80, %gt3A_236 : vector<16xi32>
        %jit3A_238 = arith.constant 2139095040 : i32
        %broadcast_in_dim3A_239 = vector.broadcast %jit3A_238 : i32 to vector<16xi32>
        %select_n3A_240 = arith.select %gt3A_237, %bitcast_convert_type3A_234, %broadcast_in_dim3A_239 : vector<16xi1>, vector<16xi32>
        %add3A_241 = arith.constant 11 : i32
        %add3A_242 = vector.broadcast %add3A_241 : i32 to vector<16xi32>
        %add3A_243 = arith.addi %mul3A_55, %add3A_242 : vector<16xi32>
        %gather3A_244 = tpu.vector_load_idx %arg5[%add3A_243] : memref<32768xf32, #tpu.memory_space<vmem>>[vector<16xi32>], vector<16xf32>,
        %bitcast_convert_type3A_245 = tpu.bitcast %gather3A_244 : vector<16xf32> -> vector<16xi32>
        %gt3A_246 = arith.constant 11 : i32
        %gt3A_247 = vector.broadcast %gt3A_246 : i32 to vector<16xi32>
        %gt3A_248 = arith.cmpi sgt, %parallel_loop3A_80, %gt3A_247 : vector<16xi32>
        %jit3A_249 = arith.constant 2139095040 : i32
        %broadcast_in_dim3A_250 = vector.broadcast %jit3A_249 : i32 to vector<16xi32>
        %select_n3A_251 = arith.select %gt3A_248, %bitcast_convert_type3A_245, %broadcast_in_dim3A_250 : vector<16xi1>, vector<16xi32>
        %or3A = arith.constant 4194304 : i32
        %or3A_252 = vector.broadcast %or3A : i32 to vector<16xi32>
        %or3A_253 = arith.ori %mul3A_93, %or3A_252 : vector<16xi32>
        %lt3A_254 = arith.cmpi slt, %select_n3A_130, %or3A_253 : vector<16xi32>
        %all_reduce_population_count3A = tpu.all_reduce %lt3A_254 {dim = 0 : i64, kind = #tpu.reduction_kind<sum>} : vector<16xi1> -> vector<16xi32>
        %add3A_255 = arith.addi %broadcast_in_dim3A_50, %all_reduce_population_count3A : vector<16xi32>
        %lt3A_256 = arith.cmpi slt, %select_n3A_141, %or3A_253 : vector<16xi32>
        %all_reduce_population_count3A_257 = tpu.all_reduce %lt3A_256 {dim = 0 : i64, kind = #tpu.reduction_kind<sum>} : vector<16xi1> -> vector<16xi32>
        %add3A_258 = arith.addi %add3A_255, %all_reduce_population_count3A_257 : vector<16xi32>
        %lt3A_259 = arith.cmpi slt, %select_n3A_152, %or3A_253 : vector<16xi32>
        %all_reduce_population_count3A_260 = tpu.all_reduce %lt3A_259 {dim = 0 : i64, kind = #tpu.reduction_kind<sum>} : vector<16xi1> -> vector<16xi32>
        %add3A_261 = arith.addi %add3A_258, %all_reduce_population_count3A_260 : vector<16xi32>
        %lt3A_262 = arith.cmpi slt, %select_n3A_163, %or3A_253 : vector<16xi32>
        %all_reduce_population_count3A_263 = tpu.all_reduce %lt3A_262 {dim = 0 : i64, kind = #tpu.reduction_kind<sum>} : vector<16xi1> -> vector<16xi32>
        %add3A_264 = arith.addi %add3A_261, %all_reduce_population_count3A_263 : vector<16xi32>
        %lt3A_265 = arith.cmpi slt, %select_n3A_174, %or3A_253 : vector<16xi32>
        %all_reduce_population_count3A_266 = tpu.all_reduce %lt3A_265 {dim = 0 : i64, kind = #tpu.reduction_kind<sum>} : vector<16xi1> -> vector<16xi32>
        %add3A_267 = arith.addi %add3A_264, %all_reduce_population_count3A_266 : vector<16xi32>
        %lt3A_268 = arith.cmpi slt, %select_n3A_185, %or3A_253 : vector<16xi32>
        %all_reduce_population_count3A_269 = tpu.all_reduce %lt3A_268 {dim = 0 : i64, kind = #tpu.reduction_kind<sum>} : vector<16xi1> -> vector<16xi32>
        %add3A_270 = arith.addi %add3A_267, %all_reduce_population_count3A_269 : vector<16xi32>
        %lt3A_271 = arith.cmpi slt, %select_n3A_196, %or3A_253 : vector<16xi32>
        %all_reduce_population_count3A_272 = tpu.all_reduce %lt3A_271 {dim = 0 : i64, kind = #tpu.reduction_kind<sum>} : vector<16xi1> -> vector<16xi32>
        %add3A_273 = arith.addi %add3A_270, %all_reduce_population_count3A_272 : vector<16xi32>
        %lt3A_274 = arith.cmpi slt, %select_n3A_207, %or3A_253 : vector<16xi32>
        %all_reduce_population_count3A_275 = tpu.all_reduce %lt3A_274 {dim = 0 : i64, kind = #tpu.reduction_kind<sum>} : vector<16xi1> -> vector<16xi32>
        %add3A_276 = arith.addi %add3A_273, %all_reduce_population_count3A_275 : vector<16xi32>
        %lt3A_277 = arith.cmpi slt, %select_n3A_218, %or3A_253 : vector<16xi32>
        %all_reduce_population_count3A_278 = tpu.all_reduce %lt3A_277 {dim = 0 : i64, kind = #tpu.reduction_kind<sum>} : vector<16xi1> -> vector<16xi32>
        %add3A_279 = arith.addi %add3A_276, %all_reduce_population_count3A_278 : vector<16xi32>
        %lt3A_280 = arith.cmpi slt, %select_n3A_229, %or3A_253 : vector<16xi32>
        %all_reduce_population_count3A_281 = tpu.all_reduce %lt3A_280 {dim = 0 : i64, kind = #tpu.reduction_kind<sum>} : vector<16xi1> -> vector<16xi32>
        %add3A_282 = arith.addi %add3A_279, %all_reduce_population_count3A_281 : vector<16xi32>
        %lt3A_283 = arith.cmpi slt, %select_n3A_240, %or3A_253 : vector<16xi32>
        %all_reduce_population_count3A_284 = tpu.all_reduce %lt3A_283 {dim = 0 : i64, kind = #tpu.reduction_kind<sum>} : vector<16xi1> -> vector<16xi32>
        %add3A_285 = arith.addi %add3A_282, %all_reduce_population_count3A_284 : vector<16xi32>
        %lt3A_286 = arith.cmpi slt, %select_n3A_251, %or3A_253 : vector<16xi32>
        %all_reduce_population_count3A_287 = tpu.all_reduce %lt3A_286 {dim = 0 : i64, kind = #tpu.reduction_kind<sum>} : vector<16xi1> -> vector<16xi32>
        %add3A_288 = arith.addi %add3A_285, %all_reduce_population_count3A_287 : vector<16xi32>
        %ge3A = vector.broadcast %cond3A_96 : i32 to vector<16xi32>
        %ge3A_289 = arith.cmpi sge, %add3A_288, %ge3A : vector<16xi32>
        %select_n3A_290 = arith.select %ge3A_289, %mul3A_93, %or3A_253 : vector<16xi1>, vector<16xi32>
        %or3A_291 = arith.constant 2097152 : i32
        %or3A_292 = vector.broadcast %or3A_291 : i32 to vector<16xi32>
        %or3A_293 = arith.ori %select_n3A_290, %or3A_292 : vector<16xi32>
        %lt3A_294 = arith.cmpi slt, %select_n3A_130, %or3A_293 : vector<16xi32>
        %all_reduce_population_count3A_295 = tpu.all_reduce %lt3A_294 {dim = 0 : i64, kind = #tpu.reduction_kind<sum>} : vector<16xi1> -> vector<16xi32>
        %add3A_296 = arith.addi %broadcast_in_dim3A_50, %all_reduce_population_count3A_295 : vector<16xi32>
        %lt3A_297 = arith.cmpi slt, %select_n3A_141, %or3A_293 : vector<16xi32>
        %all_reduce_population_count3A_298 = tpu.all_reduce %lt3A_297 {dim = 0 : i64, kind = #tpu.reduction_kind<sum>} : vector<16xi1> -> vector<16xi32>
        %add3A_299 = arith.addi %add3A_296, %all_reduce_population_count3A_298 : vector<16xi32>
        %lt3A_300 = arith.cmpi slt, %select_n3A_152, %or3A_293 : vector<16xi32>
        %all_reduce_population_count3A_301 = tpu.all_reduce %lt3A_300 {dim = 0 : i64, kind = #tpu.reduction_kind<sum>} : vector<16xi1> -> vector<16xi32>
        %add3A_302 = arith.addi %add3A_299, %all_reduce_population_count3A_301 : vector<16xi32>
        %lt3A_303 = arith.cmpi slt, %select_n3A_163, %or3A_293 : vector<16xi32>
        %all_reduce_population_count3A_304 = tpu.all_reduce %lt3A_303 {dim = 0 : i64, kind = #tpu.reduction_kind<sum>} : vector<16xi1> -> vector<16xi32>
        %add3A_305 = arith.addi %add3A_302, %all_reduce_population_count3A_304 : vector<16xi32>
        %lt3A_306 = arith.cmpi slt, %select_n3A_174, %or3A_293 : vector<16xi32>
        %all_reduce_population_count3A_307 = tpu.all_reduce %lt3A_306 {dim = 0 : i64, kind = #tpu.reduction_kind<sum>} : vector<16xi1> -> vector<16xi32>
        %add3A_308 = arith.addi %add3A_305, %all_reduce_population_count3A_307 : vector<16xi32>
        %lt3A_309 = arith.cmpi slt, %select_n3A_185, %or3A_293 : vector<16xi32>
        %all_reduce_population_count3A_310 = tpu.all_reduce %lt3A_309 {dim = 0 : i64, kind = #tpu.reduction_kind<sum>} : vector<16xi1> -> vector<16xi32>
        %add3A_311 = arith.addi %add3A_308, %all_reduce_population_count3A_310 : vector<16xi32>
        %lt3A_312 = arith.cmpi slt, %select_n3A_196, %or3A_293 : vector<16xi32>
        %all_reduce_population_count3A_313 = tpu.all_reduce %lt3A_312 {dim = 0 : i64, kind = #tpu.reduction_kind<sum>} : vector<16xi1> -> vector<16xi32>
        %add3A_314 = arith.addi %add3A_311, %all_reduce_population_count3A_313 : vector<16xi32>
        %lt3A_315 = arith.cmpi slt, %select_n3A_207, %or3A_293 : vector<16xi32>
        %all_reduce_population_count3A_316 = tpu.all_reduce %lt3A_315 {dim = 0 : i64, kind = #tpu.reduction_kind<sum>} : vector<16xi1> -> vector<16xi32>
        %add3A_317 = arith.addi %add3A_314, %all_reduce_population_count3A_316 : vector<16xi32>
        %lt3A_318 = arith.cmpi slt, %select_n3A_218, %or3A_293 : vector<16xi32>
        %all_reduce_population_count3A_319 = tpu.all_reduce %lt3A_318 {dim = 0 : i64, kind = #tpu.reduction_kind<sum>} : vector<16xi1> -> vector<16xi32>
        %add3A_320 = arith.addi %add3A_317, %all_reduce_population_count3A_319 : vector<16xi32>
        %lt3A_321 = arith.cmpi slt, %select_n3A_229, %or3A_293 : vector<16xi32>
        %all_reduce_population_count3A_322 = tpu.all_reduce %lt3A_321 {dim = 0 : i64, kind = #tpu.reduction_kind<sum>} : vector<16xi1> -> vector<16xi32>
        %add3A_323 = arith.addi %add3A_320, %all_reduce_population_count3A_322 : vector<16xi32>
        %lt3A_324 = arith.cmpi slt, %select_n3A_240, %or3A_293 : vector<16xi32>
        %all_reduce_population_count3A_325 = tpu.all_reduce %lt3A_324 {dim = 0 : i64, kind = #tpu.reduction_kind<sum>} : vector<16xi1> -> vector<16xi32>
        %add3A_326 = arith.addi %add3A_323, %all_reduce_population_count3A_325 : vector<16xi32>
        %lt3A_327 = arith.cmpi slt, %select_n3A_251, %or3A_293 : vector<16xi32>
        %all_reduce_population_count3A_328 = tpu.all_reduce %lt3A_327 {dim = 0 : i64, kind = #tpu.reduction_kind<sum>} : vector<16xi1> -> vector<16xi32>
        %add3A_329 = arith.addi %add3A_326, %all_reduce_population_count3A_328 : vector<16xi32>
        %ge3A_330 = vector.broadcast %cond3A_96 : i32 to vector<16xi32>
        %ge3A_331 = arith.cmpi sge, %add3A_329, %ge3A_330 : vector<16xi32>
        %select_n3A_332 = arith.select %ge3A_331, %select_n3A_290, %or3A_293 : vector<16xi1>, vector<16xi32>
        %or3A_333 = arith.constant 1048576 : i32
        %or3A_334 = vector.broadcast %or3A_333 : i32 to vector<16xi32>
        %or3A_335 = arith.ori %select_n3A_332, %or3A_334 : vector<16xi32>
        %lt3A_336 = arith.cmpi slt, %select_n3A_130, %or3A_335 : vector<16xi32>
        %all_reduce_population_count3A_337 = tpu.all_reduce %lt3A_336 {dim = 0 : i64, kind = #tpu.reduction_kind<sum>} : vector<16xi1> -> vector<16xi32>
        %add3A_338 = arith.addi %broadcast_in_dim3A_50, %all_reduce_population_count3A_337 : vector<16xi32>
        %lt3A_339 = arith.cmpi slt, %select_n3A_141, %or3A_335 : vector<16xi32>
        %all_reduce_population_count3A_340 = tpu.all_reduce %lt3A_339 {dim = 0 : i64, kind = #tpu.reduction_kind<sum>} : vector<16xi1> -> vector<16xi32>
        %add3A_341 = arith.addi %add3A_338, %all_reduce_population_count3A_340 : vector<16xi32>
        %lt3A_342 = arith.cmpi slt, %select_n3A_152, %or3A_335 : vector<16xi32>
        %all_reduce_population_count3A_343 = tpu.all_reduce %lt3A_342 {dim = 0 : i64, kind = #tpu.reduction_kind<sum>} : vector<16xi1> -> vector<16xi32>
        %add3A_344 = arith.addi %add3A_341, %all_reduce_population_count3A_343 : vector<16xi32>
        %lt3A_345 = arith.cmpi slt, %select_n3A_163, %or3A_335 : vector<16xi32>
        %all_reduce_population_count3A_346 = tpu.all_reduce %lt3A_345 {dim = 0 : i64, kind = #tpu.reduction_kind<sum>} : vector<16xi1> -> vector<16xi32>
        %add3A_347 = arith.addi %add3A_344, %all_reduce_population_count3A_346 : vector<16xi32>
        %lt3A_348 = arith.cmpi slt, %select_n3A_174, %or3A_335 : vector<16xi32>
        %all_reduce_population_count3A_349 = tpu.all_reduce %lt3A_348 {dim = 0 : i64, kind = #tpu.reduction_kind<sum>} : vector<16xi1> -> vector<16xi32>
        %add3A_350 = arith.addi %add3A_347, %all_reduce_population_count3A_349 : vector<16xi32>
        %lt3A_351 = arith.cmpi slt, %select_n3A_185, %or3A_335 : vector<16xi32>
        %all_reduce_population_count3A_352 = tpu.all_reduce %lt3A_351 {dim = 0 : i64, kind = #tpu.reduction_kind<sum>} : vector<16xi1> -> vector<16xi32>
        %add3A_353 = arith.addi %add3A_350, %all_reduce_population_count3A_352 : vector<16xi32>
        %lt3A_354 = arith.cmpi slt, %select_n3A_196, %or3A_335 : vector<16xi32>
        %all_reduce_population_count3A_355 = tpu.all_reduce %lt3A_354 {dim = 0 : i64, kind = #tpu.reduction_kind<sum>} : vector<16xi1> -> vector<16xi32>
        %add3A_356 = arith.addi %add3A_353, %all_reduce_population_count3A_355 : vector<16xi32>
        %lt3A_357 = arith.cmpi slt, %select_n3A_207, %or3A_335 : vector<16xi32>
        %all_reduce_population_count3A_358 = tpu.all_reduce %lt3A_357 {dim = 0 : i64, kind = #tpu.reduction_kind<sum>} : vector<16xi1> -> vector<16xi32>
        %add3A_359 = arith.addi %add3A_356, %all_reduce_population_count3A_358 : vector<16xi32>
        %lt3A_360 = arith.cmpi slt, %select_n3A_218, %or3A_335 : vector<16xi32>
        %all_reduce_population_count3A_361 = tpu.all_reduce %lt3A_360 {dim = 0 : i64, kind = #tpu.reduction_kind<sum>} : vector<16xi1> -> vector<16xi32>
        %add3A_362 = arith.addi %add3A_359, %all_reduce_population_count3A_361 : vector<16xi32>
        %lt3A_363 = arith.cmpi slt, %select_n3A_229, %or3A_335 : vector<16xi32>
        %all_reduce_population_count3A_364 = tpu.all_reduce %lt3A_363 {dim = 0 : i64, kind = #tpu.reduction_kind<sum>} : vector<16xi1> -> vector<16xi32>
        %add3A_365 = arith.addi %add3A_362, %all_reduce_population_count3A_364 : vector<16xi32>
        %lt3A_366 = arith.cmpi slt, %select_n3A_240, %or3A_335 : vector<16xi32>
        %all_reduce_population_count3A_367 = tpu.all_reduce %lt3A_366 {dim = 0 : i64, kind = #tpu.reduction_kind<sum>} : vector<16xi1> -> vector<16xi32>
        %add3A_368 = arith.addi %add3A_365, %all_reduce_population_count3A_367 : vector<16xi32>
        %lt3A_369 = arith.cmpi slt, %select_n3A_251, %or3A_335 : vector<16xi32>
        %all_reduce_population_count3A_370 = tpu.all_reduce %lt3A_369 {dim = 0 : i64, kind = #tpu.reduction_kind<sum>} : vector<16xi1> -> vector<16xi32>
        %add3A_371 = arith.addi %add3A_368, %all_reduce_population_count3A_370 : vector<16xi32>
        %ge3A_372 = vector.broadcast %cond3A_96 : i32 to vector<16xi32>
        %ge3A_373 = arith.cmpi sge, %add3A_371, %ge3A_372 : vector<16xi32>
        %select_n3A_374 = arith.select %ge3A_373, %select_n3A_332, %or3A_335 : vector<16xi1>, vector<16xi32>
        %or3A_375 = arith.constant 524288 : i32
        %or3A_376 = vector.broadcast %or3A_375 : i32 to vector<16xi32>
        %or3A_377 = arith.ori %select_n3A_374, %or3A_376 : vector<16xi32>
        %lt3A_378 = arith.cmpi slt, %select_n3A_130, %or3A_377 : vector<16xi32>
        %all_reduce_population_count3A_379 = tpu.all_reduce %lt3A_378 {dim = 0 : i64, kind = #tpu.reduction_kind<sum>} : vector<16xi1> -> vector<16xi32>
        %add3A_380 = arith.addi %broadcast_in_dim3A_50, %all_reduce_population_count3A_379 : vector<16xi32>
        %lt3A_381 = arith.cmpi slt, %select_n3A_141, %or3A_377 : vector<16xi32>
        %all_reduce_population_count3A_382 = tpu.all_reduce %lt3A_381 {dim = 0 : i64, kind = #tpu.reduction_kind<sum>} : vector<16xi1> -> vector<16xi32>
        %add3A_383 = arith.addi %add3A_380, %all_reduce_population_count3A_382 : vector<16xi32>
        %lt3A_384 = arith.cmpi slt, %select_n3A_152, %or3A_377 : vector<16xi32>
        %all_reduce_population_count3A_385 = tpu.all_reduce %lt3A_384 {dim = 0 : i64, kind = #tpu.reduction_kind<sum>} : vector<16xi1> -> vector<16xi32>
        %add3A_386 = arith.addi %add3A_383, %all_reduce_population_count3A_385 : vector<16xi32>
        %lt3A_387 = arith.cmpi slt, %select_n3A_163, %or3A_377 : vector<16xi32>
        %all_reduce_population_count3A_388 = tpu.all_reduce %lt3A_387 {dim = 0 : i64, kind = #tpu.reduction_kind<sum>} : vector<16xi1> -> vector<16xi32>
        %add3A_389 = arith.addi %add3A_386, %all_reduce_population_count3A_388 : vector<16xi32>
        %lt3A_390 = arith.cmpi slt, %select_n3A_174, %or3A_377 : vector<16xi32>
        %all_reduce_population_count3A_391 = tpu.all_reduce %lt3A_390 {dim = 0 : i64, kind = #tpu.reduction_kind<sum>} : vector<16xi1> -> vector<16xi32>
        %add3A_392 = arith.addi %add3A_389, %all_reduce_population_count3A_391 : vector<16xi32>
        %lt3A_393 = arith.cmpi slt, %select_n3A_185, %or3A_377 : vector<16xi32>
        %all_reduce_population_count3A_394 = tpu.all_reduce %lt3A_393 {dim = 0 : i64, kind = #tpu.reduction_kind<sum>} : vector<16xi1> -> vector<16xi32>
        %add3A_395 = arith.addi %add3A_392, %all_reduce_population_count3A_394 : vector<16xi32>
        %lt3A_396 = arith.cmpi slt, %select_n3A_196, %or3A_377 : vector<16xi32>
        %all_reduce_population_count3A_397 = tpu.all_reduce %lt3A_396 {dim = 0 : i64, kind = #tpu.reduction_kind<sum>} : vector<16xi1> -> vector<16xi32>
        %add3A_398 = arith.addi %add3A_395, %all_reduce_population_count3A_397 : vector<16xi32>
        %lt3A_399 = arith.cmpi slt, %select_n3A_207, %or3A_377 : vector<16xi32>
        %all_reduce_population_count3A_400 = tpu.all_reduce %lt3A_399 {dim = 0 : i64, kind = #tpu.reduction_kind<sum>} : vector<16xi1> -> vector<16xi32>
        %add3A_401 = arith.addi %add3A_398, %all_reduce_population_count3A_400 : vector<16xi32>
        %lt3A_402 = arith.cmpi slt, %select_n3A_218, %or3A_377 : vector<16xi32>
        %all_reduce_population_count3A_403 = tpu.all_reduce %lt3A_402 {dim = 0 : i64, kind = #tpu.reduction_kind<sum>} : vector<16xi1> -> vector<16xi32>
        %add3A_404 = arith.addi %add3A_401, %all_reduce_population_count3A_403 : vector<16xi32>
        %lt3A_405 = arith.cmpi slt, %select_n3A_229, %or3A_377 : vector<16xi32>
        %all_reduce_population_count3A_406 = tpu.all_reduce %lt3A_405 {dim = 0 : i64, kind = #tpu.reduction_kind<sum>} : vector<16xi1> -> vector<16xi32>
        %add3A_407 = arith.addi %add3A_404, %all_reduce_population_count3A_406 : vector<16xi32>
        %lt3A_408 = arith.cmpi slt, %select_n3A_240, %or3A_377 : vector<16xi32>
        %all_reduce_population_count3A_409 = tpu.all_reduce %lt3A_408 {dim = 0 : i64, kind = #tpu.reduction_kind<sum>} : vector<16xi1> -> vector<16xi32>
        %add3A_410 = arith.addi %add3A_407, %all_reduce_population_count3A_409 : vector<16xi32>
        %lt3A_411 = arith.cmpi slt, %select_n3A_251, %or3A_377 : vector<16xi32>
        %all_reduce_population_count3A_412 = tpu.all_reduce %lt3A_411 {dim = 0 : i64, kind = #tpu.reduction_kind<sum>} : vector<16xi1> -> vector<16xi32>
        %add3A_413 = arith.addi %add3A_410, %all_reduce_population_count3A_412 : vector<16xi32>
        %ge3A_414 = vector.broadcast %cond3A_96 : i32 to vector<16xi32>
        %ge3A_415 = arith.cmpi sge, %add3A_413, %ge3A_414 : vector<16xi32>
        %select_n3A_416 = arith.select %ge3A_415, %select_n3A_374, %or3A_377 : vector<16xi1>, vector<16xi32>
        %or3A_417 = arith.constant 262144 : i32
        %or3A_418 = vector.broadcast %or3A_417 : i32 to vector<16xi32>
        %or3A_419 = arith.ori %select_n3A_416, %or3A_418 : vector<16xi32>
        %lt3A_420 = arith.cmpi slt, %select_n3A_130, %or3A_419 : vector<16xi32>
        %all_reduce_population_count3A_421 = tpu.all_reduce %lt3A_420 {dim = 0 : i64, kind = #tpu.reduction_kind<sum>} : vector<16xi1> -> vector<16xi32>
        %add3A_422 = arith.addi %broadcast_in_dim3A_50, %all_reduce_population_count3A_421 : vector<16xi32>
        %lt3A_423 = arith.cmpi slt, %select_n3A_141, %or3A_419 : vector<16xi32>
        %all_reduce_population_count3A_424 = tpu.all_reduce %lt3A_423 {dim = 0 : i64, kind = #tpu.reduction_kind<sum>} : vector<16xi1> -> vector<16xi32>
        %add3A_425 = arith.addi %add3A_422, %all_reduce_population_count3A_424 : vector<16xi32>
        %lt3A_426 = arith.cmpi slt, %select_n3A_152, %or3A_419 : vector<16xi32>
        %all_reduce_population_count3A_427 = tpu.all_reduce %lt3A_426 {dim = 0 : i64, kind = #tpu.reduction_kind<sum>} : vector<16xi1> -> vector<16xi32>
        %add3A_428 = arith.addi %add3A_425, %all_reduce_population_count3A_427 : vector<16xi32>
        %lt3A_429 = arith.cmpi slt, %select_n3A_163, %or3A_419 : vector<16xi32>
        %all_reduce_population_count3A_430 = tpu.all_reduce %lt3A_429 {dim = 0 : i64, kind = #tpu.reduction_kind<sum>} : vector<16xi1> -> vector<16xi32>
        %add3A_431 = arith.addi %add3A_428, %all_reduce_population_count3A_430 : vector<16xi32>
        %lt3A_432 = arith.cmpi slt, %select_n3A_174, %or3A_419 : vector<16xi32>
        %all_reduce_population_count3A_433 = tpu.all_reduce %lt3A_432 {dim = 0 : i64, kind = #tpu.reduction_kind<sum>} : vector<16xi1> -> vector<16xi32>
        %add3A_434 = arith.addi %add3A_431, %all_reduce_population_count3A_433 : vector<16xi32>
        %lt3A_435 = arith.cmpi slt, %select_n3A_185, %or3A_419 : vector<16xi32>
        %all_reduce_population_count3A_436 = tpu.all_reduce %lt3A_435 {dim = 0 : i64, kind = #tpu.reduction_kind<sum>} : vector<16xi1> -> vector<16xi32>
        %add3A_437 = arith.addi %add3A_434, %all_reduce_population_count3A_436 : vector<16xi32>
        %lt3A_438 = arith.cmpi slt, %select_n3A_196, %or3A_419 : vector<16xi32>
        %all_reduce_population_count3A_439 = tpu.all_reduce %lt3A_438 {dim = 0 : i64, kind = #tpu.reduction_kind<sum>} : vector<16xi1> -> vector<16xi32>
        %add3A_440 = arith.addi %add3A_437, %all_reduce_population_count3A_439 : vector<16xi32>
        %lt3A_441 = arith.cmpi slt, %select_n3A_207, %or3A_419 : vector<16xi32>
        %all_reduce_population_count3A_442 = tpu.all_reduce %lt3A_441 {dim = 0 : i64, kind = #tpu.reduction_kind<sum>} : vector<16xi1> -> vector<16xi32>
        %add3A_443 = arith.addi %add3A_440, %all_reduce_population_count3A_442 : vector<16xi32>
        %lt3A_444 = arith.cmpi slt, %select_n3A_218, %or3A_419 : vector<16xi32>
        %all_reduce_population_count3A_445 = tpu.all_reduce %lt3A_444 {dim = 0 : i64, kind = #tpu.reduction_kind<sum>} : vector<16xi1> -> vector<16xi32>
        %add3A_446 = arith.addi %add3A_443, %all_reduce_population_count3A_445 : vector<16xi32>
        %lt3A_447 = arith.cmpi slt, %select_n3A_229, %or3A_419 : vector<16xi32>
        %all_reduce_population_count3A_448 = tpu.all_reduce %lt3A_447 {dim = 0 : i64, kind = #tpu.reduction_kind<sum>} : vector<16xi1> -> vector<16xi32>
        %add3A_449 = arith.addi %add3A_446, %all_reduce_population_count3A_448 : vector<16xi32>
        %lt3A_450 = arith.cmpi slt, %select_n3A_240, %or3A_419 : vector<16xi32>
        %all_reduce_population_count3A_451 = tpu.all_reduce %lt3A_450 {dim = 0 : i64, kind = #tpu.reduction_kind<sum>} : vector<16xi1> -> vector<16xi32>
        %add3A_452 = arith.addi %add3A_449, %all_reduce_population_count3A_451 : vector<16xi32>
        %lt3A_453 = arith.cmpi slt, %select_n3A_251, %or3A_419 : vector<16xi32>
        %all_reduce_population_count3A_454 = tpu.all_reduce %lt3A_453 {dim = 0 : i64, kind = #tpu.reduction_kind<sum>} : vector<16xi1> -> vector<16xi32>
        %add3A_455 = arith.addi %add3A_452, %all_reduce_population_count3A_454 : vector<16xi32>
        %ge3A_456 = vector.broadcast %cond3A_96 : i32 to vector<16xi32>
        %ge3A_457 = arith.cmpi sge, %add3A_455, %ge3A_456 : vector<16xi32>
        %select_n3A_458 = arith.select %ge3A_457, %select_n3A_416, %or3A_419 : vector<16xi1>, vector<16xi32>
        %or3A_459 = arith.constant 131072 : i32
        %or3A_460 = vector.broadcast %or3A_459 : i32 to vector<16xi32>
        %or3A_461 = arith.ori %select_n3A_458, %or3A_460 : vector<16xi32>
        %lt3A_462 = arith.cmpi slt, %select_n3A_130, %or3A_461 : vector<16xi32>
        %all_reduce_population_count3A_463 = tpu.all_reduce %lt3A_462 {dim = 0 : i64, kind = #tpu.reduction_kind<sum>} : vector<16xi1> -> vector<16xi32>
        %add3A_464 = arith.addi %broadcast_in_dim3A_50, %all_reduce_population_count3A_463 : vector<16xi32>
        %lt3A_465 = arith.cmpi slt, %select_n3A_141, %or3A_461 : vector<16xi32>
        %all_reduce_population_count3A_466 = tpu.all_reduce %lt3A_465 {dim = 0 : i64, kind = #tpu.reduction_kind<sum>} : vector<16xi1> -> vector<16xi32>
        %add3A_467 = arith.addi %add3A_464, %all_reduce_population_count3A_466 : vector<16xi32>
        %lt3A_468 = arith.cmpi slt, %select_n3A_152, %or3A_461 : vector<16xi32>
        %all_reduce_population_count3A_469 = tpu.all_reduce %lt3A_468 {dim = 0 : i64, kind = #tpu.reduction_kind<sum>} : vector<16xi1> -> vector<16xi32>
        %add3A_470 = arith.addi %add3A_467, %all_reduce_population_count3A_469 : vector<16xi32>
        %lt3A_471 = arith.cmpi slt, %select_n3A_163, %or3A_461 : vector<16xi32>
        %all_reduce_population_count3A_472 = tpu.all_reduce %lt3A_471 {dim = 0 : i64, kind = #tpu.reduction_kind<sum>} : vector<16xi1> -> vector<16xi32>
        %add3A_473 = arith.addi %add3A_470, %all_reduce_population_count3A_472 : vector<16xi32>
        %lt3A_474 = arith.cmpi slt, %select_n3A_174, %or3A_461 : vector<16xi32>
        %all_reduce_population_count3A_475 = tpu.all_reduce %lt3A_474 {dim = 0 : i64, kind = #tpu.reduction_kind<sum>} : vector<16xi1> -> vector<16xi32>
        %add3A_476 = arith.addi %add3A_473, %all_reduce_population_count3A_475 : vector<16xi32>
        %lt3A_477 = arith.cmpi slt, %select_n3A_185, %or3A_461 : vector<16xi32>
        %all_reduce_population_count3A_478 = tpu.all_reduce %lt3A_477 {dim = 0 : i64, kind = #tpu.reduction_kind<sum>} : vector<16xi1> -> vector<16xi32>
        %add3A_479 = arith.addi %add3A_476, %all_reduce_population_count3A_478 : vector<16xi32>
        %lt3A_480 = arith.cmpi slt, %select_n3A_196, %or3A_461 : vector<16xi32>
        %all_reduce_population_count3A_481 = tpu.all_reduce %lt3A_480 {dim = 0 : i64, kind = #tpu.reduction_kind<sum>} : vector<16xi1> -> vector<16xi32>
        %add3A_482 = arith.addi %add3A_479, %all_reduce_population_count3A_481 : vector<16xi32>
        %lt3A_483 = arith.cmpi slt, %select_n3A_207, %or3A_461 : vector<16xi32>
        %all_reduce_population_count3A_484 = tpu.all_reduce %lt3A_483 {dim = 0 : i64, kind = #tpu.reduction_kind<sum>} : vector<16xi1> -> vector<16xi32>
        %add3A_485 = arith.addi %add3A_482, %all_reduce_population_count3A_484 : vector<16xi32>
        %lt3A_486 = arith.cmpi slt, %select_n3A_218, %or3A_461 : vector<16xi32>
        %all_reduce_population_count3A_487 = tpu.all_reduce %lt3A_486 {dim = 0 : i64, kind = #tpu.reduction_kind<sum>} : vector<16xi1> -> vector<16xi32>
        %add3A_488 = arith.addi %add3A_485, %all_reduce_population_count3A_487 : vector<16xi32>
        %lt3A_489 = arith.cmpi slt, %select_n3A_229, %or3A_461 : vector<16xi32>
        %all_reduce_population_count3A_490 = tpu.all_reduce %lt3A_489 {dim = 0 : i64, kind = #tpu.reduction_kind<sum>} : vector<16xi1> -> vector<16xi32>
        %add3A_491 = arith.addi %add3A_488, %all_reduce_population_count3A_490 : vector<16xi32>
        %lt3A_492 = arith.cmpi slt, %select_n3A_240, %or3A_461 : vector<16xi32>
        %all_reduce_population_count3A_493 = tpu.all_reduce %lt3A_492 {dim = 0 : i64, kind = #tpu.reduction_kind<sum>} : vector<16xi1> -> vector<16xi32>
        %add3A_494 = arith.addi %add3A_491, %all_reduce_population_count3A_493 : vector<16xi32>
        %lt3A_495 = arith.cmpi slt, %select_n3A_251, %or3A_461 : vector<16xi32>
        %all_reduce_population_count3A_496 = tpu.all_reduce %lt3A_495 {dim = 0 : i64, kind = #tpu.reduction_kind<sum>} : vector<16xi1> -> vector<16xi32>
        %add3A_497 = arith.addi %add3A_494, %all_reduce_population_count3A_496 : vector<16xi32>
        %ge3A_498 = vector.broadcast %cond3A_96 : i32 to vector<16xi32>
        %ge3A_499 = arith.cmpi sge, %add3A_497, %ge3A_498 : vector<16xi32>
        %select_n3A_500 = arith.select %ge3A_499, %select_n3A_458, %or3A_461 : vector<16xi1>, vector<16xi32>
        %or3A_501 = arith.constant 65536 : i32
        %or3A_502 = vector.broadcast %or3A_501 : i32 to vector<16xi32>
        %or3A_503 = arith.ori %select_n3A_500, %or3A_502 : vector<16xi32>
        %lt3A_504 = arith.cmpi slt, %select_n3A_130, %or3A_503 : vector<16xi32>
        %all_reduce_population_count3A_505 = tpu.all_reduce %lt3A_504 {dim = 0 : i64, kind = #tpu.reduction_kind<sum>} : vector<16xi1> -> vector<16xi32>
        %add3A_506 = arith.addi %broadcast_in_dim3A_50, %all_reduce_population_count3A_505 : vector<16xi32>
        %lt3A_507 = arith.cmpi slt, %select_n3A_141, %or3A_503 : vector<16xi32>
        %all_reduce_population_count3A_508 = tpu.all_reduce %lt3A_507 {dim = 0 : i64, kind = #tpu.reduction_kind<sum>} : vector<16xi1> -> vector<16xi32>
        %add3A_509 = arith.addi %add3A_506, %all_reduce_population_count3A_508 : vector<16xi32>
        %lt3A_510 = arith.cmpi slt, %select_n3A_152, %or3A_503 : vector<16xi32>
        %all_reduce_population_count3A_511 = tpu.all_reduce %lt3A_510 {dim = 0 : i64, kind = #tpu.reduction_kind<sum>} : vector<16xi1> -> vector<16xi32>
        %add3A_512 = arith.addi %add3A_509, %all_reduce_population_count3A_511 : vector<16xi32>
        %lt3A_513 = arith.cmpi slt, %select_n3A_163, %or3A_503 : vector<16xi32>
        %all_reduce_population_count3A_514 = tpu.all_reduce %lt3A_513 {dim = 0 : i64, kind = #tpu.reduction_kind<sum>} : vector<16xi1> -> vector<16xi32>
        %add3A_515 = arith.addi %add3A_512, %all_reduce_population_count3A_514 : vector<16xi32>
        %lt3A_516 = arith.cmpi slt, %select_n3A_174, %or3A_503 : vector<16xi32>
        %all_reduce_population_count3A_517 = tpu.all_reduce %lt3A_516 {dim = 0 : i64, kind = #tpu.reduction_kind<sum>} : vector<16xi1> -> vector<16xi32>
        %add3A_518 = arith.addi %add3A_515, %all_reduce_population_count3A_517 : vector<16xi32>
        %lt3A_519 = arith.cmpi slt, %select_n3A_185, %or3A_503 : vector<16xi32>
        %all_reduce_population_count3A_520 = tpu.all_reduce %lt3A_519 {dim = 0 : i64, kind = #tpu.reduction_kind<sum>} : vector<16xi1> -> vector<16xi32>
        %add3A_521 = arith.addi %add3A_518, %all_reduce_population_count3A_520 : vector<16xi32>
        %lt3A_522 = arith.cmpi slt, %select_n3A_196, %or3A_503 : vector<16xi32>
        %all_reduce_population_count3A_523 = tpu.all_reduce %lt3A_522 {dim = 0 : i64, kind = #tpu.reduction_kind<sum>} : vector<16xi1> -> vector<16xi32>
        %add3A_524 = arith.addi %add3A_521, %all_reduce_population_count3A_523 : vector<16xi32>
        %lt3A_525 = arith.cmpi slt, %select_n3A_207, %or3A_503 : vector<16xi32>
        %all_reduce_population_count3A_526 = tpu.all_reduce %lt3A_525 {dim = 0 : i64, kind = #tpu.reduction_kind<sum>} : vector<16xi1> -> vector<16xi32>
        %add3A_527 = arith.addi %add3A_524, %all_reduce_population_count3A_526 : vector<16xi32>
        %lt3A_528 = arith.cmpi slt, %select_n3A_218, %or3A_503 : vector<16xi32>
        %all_reduce_population_count3A_529 = tpu.all_reduce %lt3A_528 {dim = 0 : i64, kind = #tpu.reduction_kind<sum>} : vector<16xi1> -> vector<16xi32>
        %add3A_530 = arith.addi %add3A_527, %all_reduce_population_count3A_529 : vector<16xi32>
        %lt3A_531 = arith.cmpi slt, %select_n3A_229, %or3A_503 : vector<16xi32>
        %all_reduce_population_count3A_532 = tpu.all_reduce %lt3A_531 {dim = 0 : i64, kind = #tpu.reduction_kind<sum>} : vector<16xi1> -> vector<16xi32>
        %add3A_533 = arith.addi %add3A_530, %all_reduce_population_count3A_532 : vector<16xi32>
        %lt3A_534 = arith.cmpi slt, %select_n3A_240, %or3A_503 : vector<16xi32>
        %all_reduce_population_count3A_535 = tpu.all_reduce %lt3A_534 {dim = 0 : i64, kind = #tpu.reduction_kind<sum>} : vector<16xi1> -> vector<16xi32>
        %add3A_536 = arith.addi %add3A_533, %all_reduce_population_count3A_535 : vector<16xi32>
        %lt3A_537 = arith.cmpi slt, %select_n3A_251, %or3A_503 : vector<16xi32>
        %all_reduce_population_count3A_538 = tpu.all_reduce %lt3A_537 {dim = 0 : i64, kind = #tpu.reduction_kind<sum>} : vector<16xi1> -> vector<16xi32>
        %add3A_539 = arith.addi %add3A_536, %all_reduce_population_count3A_538 : vector<16xi32>
        %ge3A_540 = vector.broadcast %cond3A_96 : i32 to vector<16xi32>
        %ge3A_541 = arith.cmpi sge, %add3A_539, %ge3A_540 : vector<16xi32>
        %select_n3A_542 = arith.select %ge3A_541, %select_n3A_500, %or3A_503 : vector<16xi1>, vector<16xi32>
        %or3A_543 = arith.constant 32768 : i32
        %or3A_544 = vector.broadcast %or3A_543 : i32 to vector<16xi32>
        %or3A_545 = arith.ori %select_n3A_542, %or3A_544 : vector<16xi32>
        %lt3A_546 = arith.cmpi slt, %select_n3A_130, %or3A_545 : vector<16xi32>
        %all_reduce_population_count3A_547 = tpu.all_reduce %lt3A_546 {dim = 0 : i64, kind = #tpu.reduction_kind<sum>} : vector<16xi1> -> vector<16xi32>
        %add3A_548 = arith.addi %broadcast_in_dim3A_50, %all_reduce_population_count3A_547 : vector<16xi32>
        %lt3A_549 = arith.cmpi slt, %select_n3A_141, %or3A_545 : vector<16xi32>
        %all_reduce_population_count3A_550 = tpu.all_reduce %lt3A_549 {dim = 0 : i64, kind = #tpu.reduction_kind<sum>} : vector<16xi1> -> vector<16xi32>
        %add3A_551 = arith.addi %add3A_548, %all_reduce_population_count3A_550 : vector<16xi32>
        %lt3A_552 = arith.cmpi slt, %select_n3A_152, %or3A_545 : vector<16xi32>
        %all_reduce_population_count3A_553 = tpu.all_reduce %lt3A_552 {dim = 0 : i64, kind = #tpu.reduction_kind<sum>} : vector<16xi1> -> vector<16xi32>
        %add3A_554 = arith.addi %add3A_551, %all_reduce_population_count3A_553 : vector<16xi32>
        %lt3A_555 = arith.cmpi slt, %select_n3A_163, %or3A_545 : vector<16xi32>
        %all_reduce_population_count3A_556 = tpu.all_reduce %lt3A_555 {dim = 0 : i64, kind = #tpu.reduction_kind<sum>} : vector<16xi1> -> vector<16xi32>
        %add3A_557 = arith.addi %add3A_554, %all_reduce_population_count3A_556 : vector<16xi32>
        %lt3A_558 = arith.cmpi slt, %select_n3A_174, %or3A_545 : vector<16xi32>
        %all_reduce_population_count3A_559 = tpu.all_reduce %lt3A_558 {dim = 0 : i64, kind = #tpu.reduction_kind<sum>} : vector<16xi1> -> vector<16xi32>
        %add3A_560 = arith.addi %add3A_557, %all_reduce_population_count3A_559 : vector<16xi32>
        %lt3A_561 = arith.cmpi slt, %select_n3A_185, %or3A_545 : vector<16xi32>
        %all_reduce_population_count3A_562 = tpu.all_reduce %lt3A_561 {dim = 0 : i64, kind = #tpu.reduction_kind<sum>} : vector<16xi1> -> vector<16xi32>
        %add3A_563 = arith.addi %add3A_560, %all_reduce_population_count3A_562 : vector<16xi32>
        %lt3A_564 = arith.cmpi slt, %select_n3A_196, %or3A_545 : vector<16xi32>
        %all_reduce_population_count3A_565 = tpu.all_reduce %lt3A_564 {dim = 0 : i64, kind = #tpu.reduction_kind<sum>} : vector<16xi1> -> vector<16xi32>
        %add3A_566 = arith.addi %add3A_563, %all_reduce_population_count3A_565 : vector<16xi32>
        %lt3A_567 = arith.cmpi slt, %select_n3A_207, %or3A_545 : vector<16xi32>
        %all_reduce_population_count3A_568 = tpu.all_reduce %lt3A_567 {dim = 0 : i64, kind = #tpu.reduction_kind<sum>} : vector<16xi1> -> vector<16xi32>
        %add3A_569 = arith.addi %add3A_566, %all_reduce_population_count3A_568 : vector<16xi32>
        %lt3A_570 = arith.cmpi slt, %select_n3A_218, %or3A_545 : vector<16xi32>
        %all_reduce_population_count3A_571 = tpu.all_reduce %lt3A_570 {dim = 0 : i64, kind = #tpu.reduction_kind<sum>} : vector<16xi1> -> vector<16xi32>
        %add3A_572 = arith.addi %add3A_569, %all_reduce_population_count3A_571 : vector<16xi32>
        %lt3A_573 = arith.cmpi slt, %select_n3A_229, %or3A_545 : vector<16xi32>
        %all_reduce_population_count3A_574 = tpu.all_reduce %lt3A_573 {dim = 0 : i64, kind = #tpu.reduction_kind<sum>} : vector<16xi1> -> vector<16xi32>
        %add3A_575 = arith.addi %add3A_572, %all_reduce_population_count3A_574 : vector<16xi32>
        %lt3A_576 = arith.cmpi slt, %select_n3A_240, %or3A_545 : vector<16xi32>
        %all_reduce_population_count3A_577 = tpu.all_reduce %lt3A_576 {dim = 0 : i64, kind = #tpu.reduction_kind<sum>} : vector<16xi1> -> vector<16xi32>
        %add3A_578 = arith.addi %add3A_575, %all_reduce_population_count3A_577 : vector<16xi32>
        %lt3A_579 = arith.cmpi slt, %select_n3A_251, %or3A_545 : vector<16xi32>
        %all_reduce_population_count3A_580 = tpu.all_reduce %lt3A_579 {dim = 0 : i64, kind = #tpu.reduction_kind<sum>} : vector<16xi1> -> vector<16xi32>
        %add3A_581 = arith.addi %add3A_578, %all_reduce_population_count3A_580 : vector<16xi32>
        %ge3A_582 = vector.broadcast %cond3A_96 : i32 to vector<16xi32>
        %ge3A_583 = arith.cmpi sge, %add3A_581, %ge3A_582 : vector<16xi32>
        %select_n3A_584 = arith.select %ge3A_583, %select_n3A_542, %or3A_545 : vector<16xi1>, vector<16xi32>
        %or3A_585 = arith.constant 16384 : i32
        %or3A_586 = vector.broadcast %or3A_585 : i32 to vector<16xi32>
        %or3A_587 = arith.ori %select_n3A_584, %or3A_586 : vector<16xi32>
        %lt3A_588 = arith.cmpi slt, %select_n3A_130, %or3A_587 : vector<16xi32>
        %all_reduce_population_count3A_589 = tpu.all_reduce %lt3A_588 {dim = 0 : i64, kind = #tpu.reduction_kind<sum>} : vector<16xi1> -> vector<16xi32>
        %add3A_590 = arith.addi %broadcast_in_dim3A_50, %all_reduce_population_count3A_589 : vector<16xi32>
        %lt3A_591 = arith.cmpi slt, %select_n3A_141, %or3A_587 : vector<16xi32>
        %all_reduce_population_count3A_592 = tpu.all_reduce %lt3A_591 {dim = 0 : i64, kind = #tpu.reduction_kind<sum>} : vector<16xi1> -> vector<16xi32>
        %add3A_593 = arith.addi %add3A_590, %all_reduce_population_count3A_592 : vector<16xi32>
        %lt3A_594 = arith.cmpi slt, %select_n3A_152, %or3A_587 : vector<16xi32>
        %all_reduce_population_count3A_595 = tpu.all_reduce %lt3A_594 {dim = 0 : i64, kind = #tpu.reduction_kind<sum>} : vector<16xi1> -> vector<16xi32>
        %add3A_596 = arith.addi %add3A_593, %all_reduce_population_count3A_595 : vector<16xi32>
        %lt3A_597 = arith.cmpi slt, %select_n3A_163, %or3A_587 : vector<16xi32>
        %all_reduce_population_count3A_598 = tpu.all_reduce %lt3A_597 {dim = 0 : i64, kind = #tpu.reduction_kind<sum>} : vector<16xi1> -> vector<16xi32>
        %add3A_599 = arith.addi %add3A_596, %all_reduce_population_count3A_598 : vector<16xi32>
        %lt3A_600 = arith.cmpi slt, %select_n3A_174, %or3A_587 : vector<16xi32>
        %all_reduce_population_count3A_601 = tpu.all_reduce %lt3A_600 {dim = 0 : i64, kind = #tpu.reduction_kind<sum>} : vector<16xi1> -> vector<16xi32>
        %add3A_602 = arith.addi %add3A_599, %all_reduce_population_count3A_601 : vector<16xi32>
        %lt3A_603 = arith.cmpi slt, %select_n3A_185, %or3A_587 : vector<16xi32>
        %all_reduce_population_count3A_604 = tpu.all_reduce %lt3A_603 {dim = 0 : i64, kind = #tpu.reduction_kind<sum>} : vector<16xi1> -> vector<16xi32>
        %add3A_605 = arith.addi %add3A_602, %all_reduce_population_count3A_604 : vector<16xi32>
        %lt3A_606 = arith.cmpi slt, %select_n3A_196, %or3A_587 : vector<16xi32>
        %all_reduce_population_count3A_607 = tpu.all_reduce %lt3A_606 {dim = 0 : i64, kind = #tpu.reduction_kind<sum>} : vector<16xi1> -> vector<16xi32>
        %add3A_608 = arith.addi %add3A_605, %all_reduce_population_count3A_607 : vector<16xi32>
        %lt3A_609 = arith.cmpi slt, %select_n3A_207, %or3A_587 : vector<16xi32>
        %all_reduce_population_count3A_610 = tpu.all_reduce %lt3A_609 {dim = 0 : i64, kind = #tpu.reduction_kind<sum>} : vector<16xi1> -> vector<16xi32>
        %add3A_611 = arith.addi %add3A_608, %all_reduce_population_count3A_610 : vector<16xi32>
        %lt3A_612 = arith.cmpi slt, %select_n3A_218, %or3A_587 : vector<16xi32>
        %all_reduce_population_count3A_613 = tpu.all_reduce %lt3A_612 {dim = 0 : i64, kind = #tpu.reduction_kind<sum>} : vector<16xi1> -> vector<16xi32>
        %add3A_614 = arith.addi %add3A_611, %all_reduce_population_count3A_613 : vector<16xi32>
        %lt3A_615 = arith.cmpi slt, %select_n3A_229, %or3A_587 : vector<16xi32>
        %all_reduce_population_count3A_616 = tpu.all_reduce %lt3A_615 {dim = 0 : i64, kind = #tpu.reduction_kind<sum>} : vector<16xi1> -> vector<16xi32>
        %add3A_617 = arith.addi %add3A_614, %all_reduce_population_count3A_616 : vector<16xi32>
        %lt3A_618 = arith.cmpi slt, %select_n3A_240, %or3A_587 : vector<16xi32>
        %all_reduce_population_count3A_619 = tpu.all_reduce %lt3A_618 {dim = 0 : i64, kind = #tpu.reduction_kind<sum>} : vector<16xi1> -> vector<16xi32>
        %add3A_620 = arith.addi %add3A_617, %all_reduce_population_count3A_619 : vector<16xi32>
        %lt3A_621 = arith.cmpi slt, %select_n3A_251, %or3A_587 : vector<16xi32>
        %all_reduce_population_count3A_622 = tpu.all_reduce %lt3A_621 {dim = 0 : i64, kind = #tpu.reduction_kind<sum>} : vector<16xi1> -> vector<16xi32>
        %add3A_623 = arith.addi %add3A_620, %all_reduce_population_count3A_622 : vector<16xi32>
        %ge3A_624 = vector.broadcast %cond3A_96 : i32 to vector<16xi32>
        %ge3A_625 = arith.cmpi sge, %add3A_623, %ge3A_624 : vector<16xi32>
        %select_n3A_626 = arith.select %ge3A_625, %select_n3A_584, %or3A_587 : vector<16xi1>, vector<16xi32>
        %or3A_627 = arith.constant 8192 : i32
        %or3A_628 = vector.broadcast %or3A_627 : i32 to vector<16xi32>
        %or3A_629 = arith.ori %select_n3A_626, %or3A_628 : vector<16xi32>
        %lt3A_630 = arith.cmpi slt, %select_n3A_130, %or3A_629 : vector<16xi32>
        %all_reduce_population_count3A_631 = tpu.all_reduce %lt3A_630 {dim = 0 : i64, kind = #tpu.reduction_kind<sum>} : vector<16xi1> -> vector<16xi32>
        %add3A_632 = arith.addi %broadcast_in_dim3A_50, %all_reduce_population_count3A_631 : vector<16xi32>
        %lt3A_633 = arith.cmpi slt, %select_n3A_141, %or3A_629 : vector<16xi32>
        %all_reduce_population_count3A_634 = tpu.all_reduce %lt3A_633 {dim = 0 : i64, kind = #tpu.reduction_kind<sum>} : vector<16xi1> -> vector<16xi32>
        %add3A_635 = arith.addi %add3A_632, %all_reduce_population_count3A_634 : vector<16xi32>
        %lt3A_636 = arith.cmpi slt, %select_n3A_152, %or3A_629 : vector<16xi32>
        %all_reduce_population_count3A_637 = tpu.all_reduce %lt3A_636 {dim = 0 : i64, kind = #tpu.reduction_kind<sum>} : vector<16xi1> -> vector<16xi32>
        %add3A_638 = arith.addi %add3A_635, %all_reduce_population_count3A_637 : vector<16xi32>
        %lt3A_639 = arith.cmpi slt, %select_n3A_163, %or3A_629 : vector<16xi32>
        %all_reduce_population_count3A_640 = tpu.all_reduce %lt3A_639 {dim = 0 : i64, kind = #tpu.reduction_kind<sum>} : vector<16xi1> -> vector<16xi32>
        %add3A_641 = arith.addi %add3A_638, %all_reduce_population_count3A_640 : vector<16xi32>
        %lt3A_642 = arith.cmpi slt, %select_n3A_174, %or3A_629 : vector<16xi32>
        %all_reduce_population_count3A_643 = tpu.all_reduce %lt3A_642 {dim = 0 : i64, kind = #tpu.reduction_kind<sum>} : vector<16xi1> -> vector<16xi32>
        %add3A_644 = arith.addi %add3A_641, %all_reduce_population_count3A_643 : vector<16xi32>
        %lt3A_645 = arith.cmpi slt, %select_n3A_185, %or3A_629 : vector<16xi32>
        %all_reduce_population_count3A_646 = tpu.all_reduce %lt3A_645 {dim = 0 : i64, kind = #tpu.reduction_kind<sum>} : vector<16xi1> -> vector<16xi32>
        %add3A_647 = arith.addi %add3A_644, %all_reduce_population_count3A_646 : vector<16xi32>
        %lt3A_648 = arith.cmpi slt, %select_n3A_196, %or3A_629 : vector<16xi32>
        %all_reduce_population_count3A_649 = tpu.all_reduce %lt3A_648 {dim = 0 : i64, kind = #tpu.reduction_kind<sum>} : vector<16xi1> -> vector<16xi32>
        %add3A_650 = arith.addi %add3A_647, %all_reduce_population_count3A_649 : vector<16xi32>
        %lt3A_651 = arith.cmpi slt, %select_n3A_207, %or3A_629 : vector<16xi32>
        %all_reduce_population_count3A_652 = tpu.all_reduce %lt3A_651 {dim = 0 : i64, kind = #tpu.reduction_kind<sum>} : vector<16xi1> -> vector<16xi32>
        %add3A_653 = arith.addi %add3A_650, %all_reduce_population_count3A_652 : vector<16xi32>
        %lt3A_654 = arith.cmpi slt, %select_n3A_218, %or3A_629 : vector<16xi32>
        %all_reduce_population_count3A_655 = tpu.all_reduce %lt3A_654 {dim = 0 : i64, kind = #tpu.reduction_kind<sum>} : vector<16xi1> -> vector<16xi32>
        %add3A_656 = arith.addi %add3A_653, %all_reduce_population_count3A_655 : vector<16xi32>
        %lt3A_657 = arith.cmpi slt, %select_n3A_229, %or3A_629 : vector<16xi32>
        %all_reduce_population_count3A_658 = tpu.all_reduce %lt3A_657 {dim = 0 : i64, kind = #tpu.reduction_kind<sum>} : vector<16xi1> -> vector<16xi32>
        %add3A_659 = arith.addi %add3A_656, %all_reduce_population_count3A_658 : vector<16xi32>
        %lt3A_660 = arith.cmpi slt, %select_n3A_240, %or3A_629 : vector<16xi32>
        %all_reduce_population_count3A_661 = tpu.all_reduce %lt3A_660 {dim = 0 : i64, kind = #tpu.reduction_kind<sum>} : vector<16xi1> -> vector<16xi32>
        %add3A_662 = arith.addi %add3A_659, %all_reduce_population_count3A_661 : vector<16xi32>
        %lt3A_663 = arith.cmpi slt, %select_n3A_251, %or3A_629 : vector<16xi32>
        %all_reduce_population_count3A_664 = tpu.all_reduce %lt3A_663 {dim = 0 : i64, kind = #tpu.reduction_kind<sum>} : vector<16xi1> -> vector<16xi32>
        %add3A_665 = arith.addi %add3A_662, %all_reduce_population_count3A_664 : vector<16xi32>
        %ge3A_666 = vector.broadcast %cond3A_96 : i32 to vector<16xi32>
        %ge3A_667 = arith.cmpi sge, %add3A_665, %ge3A_666 : vector<16xi32>
        %select_n3A_668 = arith.select %ge3A_667, %select_n3A_626, %or3A_629 : vector<16xi1>, vector<16xi32>
        %or3A_669 = arith.constant 4096 : i32
        %or3A_670 = vector.broadcast %or3A_669 : i32 to vector<16xi32>
        %or3A_671 = arith.ori %select_n3A_668, %or3A_670 : vector<16xi32>
        %lt3A_672 = arith.cmpi slt, %select_n3A_130, %or3A_671 : vector<16xi32>
        %all_reduce_population_count3A_673 = tpu.all_reduce %lt3A_672 {dim = 0 : i64, kind = #tpu.reduction_kind<sum>} : vector<16xi1> -> vector<16xi32>
        %add3A_674 = arith.addi %broadcast_in_dim3A_50, %all_reduce_population_count3A_673 : vector<16xi32>
        %lt3A_675 = arith.cmpi slt, %select_n3A_141, %or3A_671 : vector<16xi32>
        %all_reduce_population_count3A_676 = tpu.all_reduce %lt3A_675 {dim = 0 : i64, kind = #tpu.reduction_kind<sum>} : vector<16xi1> -> vector<16xi32>
        %add3A_677 = arith.addi %add3A_674, %all_reduce_population_count3A_676 : vector<16xi32>
        %lt3A_678 = arith.cmpi slt, %select_n3A_152, %or3A_671 : vector<16xi32>
        %all_reduce_population_count3A_679 = tpu.all_reduce %lt3A_678 {dim = 0 : i64, kind = #tpu.reduction_kind<sum>} : vector<16xi1> -> vector<16xi32>
        %add3A_680 = arith.addi %add3A_677, %all_reduce_population_count3A_679 : vector<16xi32>
        %lt3A_681 = arith.cmpi slt, %select_n3A_163, %or3A_671 : vector<16xi32>
        %all_reduce_population_count3A_682 = tpu.all_reduce %lt3A_681 {dim = 0 : i64, kind = #tpu.reduction_kind<sum>} : vector<16xi1> -> vector<16xi32>
        %add3A_683 = arith.addi %add3A_680, %all_reduce_population_count3A_682 : vector<16xi32>
        %lt3A_684 = arith.cmpi slt, %select_n3A_174, %or3A_671 : vector<16xi32>
        %all_reduce_population_count3A_685 = tpu.all_reduce %lt3A_684 {dim = 0 : i64, kind = #tpu.reduction_kind<sum>} : vector<16xi1> -> vector<16xi32>
        %add3A_686 = arith.addi %add3A_683, %all_reduce_population_count3A_685 : vector<16xi32>
        %lt3A_687 = arith.cmpi slt, %select_n3A_185, %or3A_671 : vector<16xi32>
        %all_reduce_population_count3A_688 = tpu.all_reduce %lt3A_687 {dim = 0 : i64, kind = #tpu.reduction_kind<sum>} : vector<16xi1> -> vector<16xi32>
        %add3A_689 = arith.addi %add3A_686, %all_reduce_population_count3A_688 : vector<16xi32>
        %lt3A_690 = arith.cmpi slt, %select_n3A_196, %or3A_671 : vector<16xi32>
        %all_reduce_population_count3A_691 = tpu.all_reduce %lt3A_690 {dim = 0 : i64, kind = #tpu.reduction_kind<sum>} : vector<16xi1> -> vector<16xi32>
        %add3A_692 = arith.addi %add3A_689, %all_reduce_population_count3A_691 : vector<16xi32>
        %lt3A_693 = arith.cmpi slt, %select_n3A_207, %or3A_671 : vector<16xi32>
        %all_reduce_population_count3A_694 = tpu.all_reduce %lt3A_693 {dim = 0 : i64, kind = #tpu.reduction_kind<sum>} : vector<16xi1> -> vector<16xi32>
        %add3A_695 = arith.addi %add3A_692, %all_reduce_population_count3A_694 : vector<16xi32>
        %lt3A_696 = arith.cmpi slt, %select_n3A_218, %or3A_671 : vector<16xi32>
        %all_reduce_population_count3A_697 = tpu.all_reduce %lt3A_696 {dim = 0 : i64, kind = #tpu.reduction_kind<sum>} : vector<16xi1> -> vector<16xi32>
        %add3A_698 = arith.addi %add3A_695, %all_reduce_population_count3A_697 : vector<16xi32>
        %lt3A_699 = arith.cmpi slt, %select_n3A_229, %or3A_671 : vector<16xi32>
        %all_reduce_population_count3A_700 = tpu.all_reduce %lt3A_699 {dim = 0 : i64, kind = #tpu.reduction_kind<sum>} : vector<16xi1> -> vector<16xi32>
        %add3A_701 = arith.addi %add3A_698, %all_reduce_population_count3A_700 : vector<16xi32>
        %lt3A_702 = arith.cmpi slt, %select_n3A_240, %or3A_671 : vector<16xi32>
        %all_reduce_population_count3A_703 = tpu.all_reduce %lt3A_702 {dim = 0 : i64, kind = #tpu.reduction_kind<sum>} : vector<16xi1> -> vector<16xi32>
        %add3A_704 = arith.addi %add3A_701, %all_reduce_population_count3A_703 : vector<16xi32>
        %lt3A_705 = arith.cmpi slt, %select_n3A_251, %or3A_671 : vector<16xi32>
        %all_reduce_population_count3A_706 = tpu.all_reduce %lt3A_705 {dim = 0 : i64, kind = #tpu.reduction_kind<sum>} : vector<16xi1> -> vector<16xi32>
        %add3A_707 = arith.addi %add3A_704, %all_reduce_population_count3A_706 : vector<16xi32>
        %ge3A_708 = vector.broadcast %cond3A_96 : i32 to vector<16xi32>
        %ge3A_709 = arith.cmpi sge, %add3A_707, %ge3A_708 : vector<16xi32>
        %select_n3A_710 = arith.select %ge3A_709, %select_n3A_668, %or3A_671 : vector<16xi1>, vector<16xi32>
        %or3A_711 = arith.constant 2048 : i32
        %or3A_712 = vector.broadcast %or3A_711 : i32 to vector<16xi32>
        %or3A_713 = arith.ori %select_n3A_710, %or3A_712 : vector<16xi32>
        %lt3A_714 = arith.cmpi slt, %select_n3A_130, %or3A_713 : vector<16xi32>
        %all_reduce_population_count3A_715 = tpu.all_reduce %lt3A_714 {dim = 0 : i64, kind = #tpu.reduction_kind<sum>} : vector<16xi1> -> vector<16xi32>
        %add3A_716 = arith.addi %broadcast_in_dim3A_50, %all_reduce_population_count3A_715 : vector<16xi32>
        %lt3A_717 = arith.cmpi slt, %select_n3A_141, %or3A_713 : vector<16xi32>
        %all_reduce_population_count3A_718 = tpu.all_reduce %lt3A_717 {dim = 0 : i64, kind = #tpu.reduction_kind<sum>} : vector<16xi1> -> vector<16xi32>
        %add3A_719 = arith.addi %add3A_716, %all_reduce_population_count3A_718 : vector<16xi32>
        %lt3A_720 = arith.cmpi slt, %select_n3A_152, %or3A_713 : vector<16xi32>
        %all_reduce_population_count3A_721 = tpu.all_reduce %lt3A_720 {dim = 0 : i64, kind = #tpu.reduction_kind<sum>} : vector<16xi1> -> vector<16xi32>
        %add3A_722 = arith.addi %add3A_719, %all_reduce_population_count3A_721 : vector<16xi32>
        %lt3A_723 = arith.cmpi slt, %select_n3A_163, %or3A_713 : vector<16xi32>
        %all_reduce_population_count3A_724 = tpu.all_reduce %lt3A_723 {dim = 0 : i64, kind = #tpu.reduction_kind<sum>} : vector<16xi1> -> vector<16xi32>
        %add3A_725 = arith.addi %add3A_722, %all_reduce_population_count3A_724 : vector<16xi32>
        %lt3A_726 = arith.cmpi slt, %select_n3A_174, %or3A_713 : vector<16xi32>
        %all_reduce_population_count3A_727 = tpu.all_reduce %lt3A_726 {dim = 0 : i64, kind = #tpu.reduction_kind<sum>} : vector<16xi1> -> vector<16xi32>
        %add3A_728 = arith.addi %add3A_725, %all_reduce_population_count3A_727 : vector<16xi32>
        %lt3A_729 = arith.cmpi slt, %select_n3A_185, %or3A_713 : vector<16xi32>
        %all_reduce_population_count3A_730 = tpu.all_reduce %lt3A_729 {dim = 0 : i64, kind = #tpu.reduction_kind<sum>} : vector<16xi1> -> vector<16xi32>
        %add3A_731 = arith.addi %add3A_728, %all_reduce_population_count3A_730 : vector<16xi32>
        %lt3A_732 = arith.cmpi slt, %select_n3A_196, %or3A_713 : vector<16xi32>
        %all_reduce_population_count3A_733 = tpu.all_reduce %lt3A_732 {dim = 0 : i64, kind = #tpu.reduction_kind<sum>} : vector<16xi1> -> vector<16xi32>
        %add3A_734 = arith.addi %add3A_731, %all_reduce_population_count3A_733 : vector<16xi32>
        %lt3A_735 = arith.cmpi slt, %select_n3A_207, %or3A_713 : vector<16xi32>
        %all_reduce_population_count3A_736 = tpu.all_reduce %lt3A_735 {dim = 0 : i64, kind = #tpu.reduction_kind<sum>} : vector<16xi1> -> vector<16xi32>
        %add3A_737 = arith.addi %add3A_734, %all_reduce_population_count3A_736 : vector<16xi32>
        %lt3A_738 = arith.cmpi slt, %select_n3A_218, %or3A_713 : vector<16xi32>
        %all_reduce_population_count3A_739 = tpu.all_reduce %lt3A_738 {dim = 0 : i64, kind = #tpu.reduction_kind<sum>} : vector<16xi1> -> vector<16xi32>
        %add3A_740 = arith.addi %add3A_737, %all_reduce_population_count3A_739 : vector<16xi32>
        %lt3A_741 = arith.cmpi slt, %select_n3A_229, %or3A_713 : vector<16xi32>
        %all_reduce_population_count3A_742 = tpu.all_reduce %lt3A_741 {dim = 0 : i64, kind = #tpu.reduction_kind<sum>} : vector<16xi1> -> vector<16xi32>
        %add3A_743 = arith.addi %add3A_740, %all_reduce_population_count3A_742 : vector<16xi32>
        %lt3A_744 = arith.cmpi slt, %select_n3A_240, %or3A_713 : vector<16xi32>
        %all_reduce_population_count3A_745 = tpu.all_reduce %lt3A_744 {dim = 0 : i64, kind = #tpu.reduction_kind<sum>} : vector<16xi1> -> vector<16xi32>
        %add3A_746 = arith.addi %add3A_743, %all_reduce_population_count3A_745 : vector<16xi32>
        %lt3A_747 = arith.cmpi slt, %select_n3A_251, %or3A_713 : vector<16xi32>
        %all_reduce_population_count3A_748 = tpu.all_reduce %lt3A_747 {dim = 0 : i64, kind = #tpu.reduction_kind<sum>} : vector<16xi1> -> vector<16xi32>
        %add3A_749 = arith.addi %add3A_746, %all_reduce_population_count3A_748 : vector<16xi32>
        %ge3A_750 = vector.broadcast %cond3A_96 : i32 to vector<16xi32>
        %ge3A_751 = arith.cmpi sge, %add3A_749, %ge3A_750 : vector<16xi32>
        %select_n3A_752 = arith.select %ge3A_751, %select_n3A_710, %or3A_713 : vector<16xi1>, vector<16xi32>
        %or3A_753 = arith.constant 1024 : i32
        %or3A_754 = vector.broadcast %or3A_753 : i32 to vector<16xi32>
        %or3A_755 = arith.ori %select_n3A_752, %or3A_754 : vector<16xi32>
        %lt3A_756 = arith.cmpi slt, %select_n3A_130, %or3A_755 : vector<16xi32>
        %all_reduce_population_count3A_757 = tpu.all_reduce %lt3A_756 {dim = 0 : i64, kind = #tpu.reduction_kind<sum>} : vector<16xi1> -> vector<16xi32>
        %add3A_758 = arith.addi %broadcast_in_dim3A_50, %all_reduce_population_count3A_757 : vector<16xi32>
        %lt3A_759 = arith.cmpi slt, %select_n3A_141, %or3A_755 : vector<16xi32>
        %all_reduce_population_count3A_760 = tpu.all_reduce %lt3A_759 {dim = 0 : i64, kind = #tpu.reduction_kind<sum>} : vector<16xi1> -> vector<16xi32>
        %add3A_761 = arith.addi %add3A_758, %all_reduce_population_count3A_760 : vector<16xi32>
        %lt3A_762 = arith.cmpi slt, %select_n3A_152, %or3A_755 : vector<16xi32>
        %all_reduce_population_count3A_763 = tpu.all_reduce %lt3A_762 {dim = 0 : i64, kind = #tpu.reduction_kind<sum>} : vector<16xi1> -> vector<16xi32>
        %add3A_764 = arith.addi %add3A_761, %all_reduce_population_count3A_763 : vector<16xi32>
        %lt3A_765 = arith.cmpi slt, %select_n3A_163, %or3A_755 : vector<16xi32>
        %all_reduce_population_count3A_766 = tpu.all_reduce %lt3A_765 {dim = 0 : i64, kind = #tpu.reduction_kind<sum>} : vector<16xi1> -> vector<16xi32>
        %add3A_767 = arith.addi %add3A_764, %all_reduce_population_count3A_766 : vector<16xi32>
        %lt3A_768 = arith.cmpi slt, %select_n3A_174, %or3A_755 : vector<16xi32>
        %all_reduce_population_count3A_769 = tpu.all_reduce %lt3A_768 {dim = 0 : i64, kind = #tpu.reduction_kind<sum>} : vector<16xi1> -> vector<16xi32>
        %add3A_770 = arith.addi %add3A_767, %all_reduce_population_count3A_769 : vector<16xi32>
        %lt3A_771 = arith.cmpi slt, %select_n3A_185, %or3A_755 : vector<16xi32>
        %all_reduce_population_count3A_772 = tpu.all_reduce %lt3A_771 {dim = 0 : i64, kind = #tpu.reduction_kind<sum>} : vector<16xi1> -> vector<16xi32>
        %add3A_773 = arith.addi %add3A_770, %all_reduce_population_count3A_772 : vector<16xi32>
        %lt3A_774 = arith.cmpi slt, %select_n3A_196, %or3A_755 : vector<16xi32>
        %all_reduce_population_count3A_775 = tpu.all_reduce %lt3A_774 {dim = 0 : i64, kind = #tpu.reduction_kind<sum>} : vector<16xi1> -> vector<16xi32>
        %add3A_776 = arith.addi %add3A_773, %all_reduce_population_count3A_775 : vector<16xi32>
        %lt3A_777 = arith.cmpi slt, %select_n3A_207, %or3A_755 : vector<16xi32>
        %all_reduce_population_count3A_778 = tpu.all_reduce %lt3A_777 {dim = 0 : i64, kind = #tpu.reduction_kind<sum>} : vector<16xi1> -> vector<16xi32>
        %add3A_779 = arith.addi %add3A_776, %all_reduce_population_count3A_778 : vector<16xi32>
        %lt3A_780 = arith.cmpi slt, %select_n3A_218, %or3A_755 : vector<16xi32>
        %all_reduce_population_count3A_781 = tpu.all_reduce %lt3A_780 {dim = 0 : i64, kind = #tpu.reduction_kind<sum>} : vector<16xi1> -> vector<16xi32>
        %add3A_782 = arith.addi %add3A_779, %all_reduce_population_count3A_781 : vector<16xi32>
        %lt3A_783 = arith.cmpi slt, %select_n3A_229, %or3A_755 : vector<16xi32>
        %all_reduce_population_count3A_784 = tpu.all_reduce %lt3A_783 {dim = 0 : i64, kind = #tpu.reduction_kind<sum>} : vector<16xi1> -> vector<16xi32>
        %add3A_785 = arith.addi %add3A_782, %all_reduce_population_count3A_784 : vector<16xi32>
        %lt3A_786 = arith.cmpi slt, %select_n3A_240, %or3A_755 : vector<16xi32>
        %all_reduce_population_count3A_787 = tpu.all_reduce %lt3A_786 {dim = 0 : i64, kind = #tpu.reduction_kind<sum>} : vector<16xi1> -> vector<16xi32>
        %add3A_788 = arith.addi %add3A_785, %all_reduce_population_count3A_787 : vector<16xi32>
        %lt3A_789 = arith.cmpi slt, %select_n3A_251, %or3A_755 : vector<16xi32>
        %all_reduce_population_count3A_790 = tpu.all_reduce %lt3A_789 {dim = 0 : i64, kind = #tpu.reduction_kind<sum>} : vector<16xi1> -> vector<16xi32>
        %add3A_791 = arith.addi %add3A_788, %all_reduce_population_count3A_790 : vector<16xi32>
        %ge3A_792 = vector.broadcast %cond3A_96 : i32 to vector<16xi32>
        %ge3A_793 = arith.cmpi sge, %add3A_791, %ge3A_792 : vector<16xi32>
        %select_n3A_794 = arith.select %ge3A_793, %select_n3A_752, %or3A_755 : vector<16xi1>, vector<16xi32>
        %or3A_795 = arith.constant 512 : i32
        %or3A_796 = vector.broadcast %or3A_795 : i32 to vector<16xi32>
        %or3A_797 = arith.ori %select_n3A_794, %or3A_796 : vector<16xi32>
        %lt3A_798 = arith.cmpi slt, %select_n3A_130, %or3A_797 : vector<16xi32>
        %all_reduce_population_count3A_799 = tpu.all_reduce %lt3A_798 {dim = 0 : i64, kind = #tpu.reduction_kind<sum>} : vector<16xi1> -> vector<16xi32>
        %add3A_800 = arith.addi %broadcast_in_dim3A_50, %all_reduce_population_count3A_799 : vector<16xi32>
        %lt3A_801 = arith.cmpi slt, %select_n3A_141, %or3A_797 : vector<16xi32>
        %all_reduce_population_count3A_802 = tpu.all_reduce %lt3A_801 {dim = 0 : i64, kind = #tpu.reduction_kind<sum>} : vector<16xi1> -> vector<16xi32>
        %add3A_803 = arith.addi %add3A_800, %all_reduce_population_count3A_802 : vector<16xi32>
        %lt3A_804 = arith.cmpi slt, %select_n3A_152, %or3A_797 : vector<16xi32>
        %all_reduce_population_count3A_805 = tpu.all_reduce %lt3A_804 {dim = 0 : i64, kind = #tpu.reduction_kind<sum>} : vector<16xi1> -> vector<16xi32>
        %add3A_806 = arith.addi %add3A_803, %all_reduce_population_count3A_805 : vector<16xi32>
        %lt3A_807 = arith.cmpi slt, %select_n3A_163, %or3A_797 : vector<16xi32>
        %all_reduce_population_count3A_808 = tpu.all_reduce %lt3A_807 {dim = 0 : i64, kind = #tpu.reduction_kind<sum>} : vector<16xi1> -> vector<16xi32>
        %add3A_809 = arith.addi %add3A_806, %all_reduce_population_count3A_808 : vector<16xi32>
        %lt3A_810 = arith.cmpi slt, %select_n3A_174, %or3A_797 : vector<16xi32>
        %all_reduce_population_count3A_811 = tpu.all_reduce %lt3A_810 {dim = 0 : i64, kind = #tpu.reduction_kind<sum>} : vector<16xi1> -> vector<16xi32>
        %add3A_812 = arith.addi %add3A_809, %all_reduce_population_count3A_811 : vector<16xi32>
        %lt3A_813 = arith.cmpi slt, %select_n3A_185, %or3A_797 : vector<16xi32>
        %all_reduce_population_count3A_814 = tpu.all_reduce %lt3A_813 {dim = 0 : i64, kind = #tpu.reduction_kind<sum>} : vector<16xi1> -> vector<16xi32>
        %add3A_815 = arith.addi %add3A_812, %all_reduce_population_count3A_814 : vector<16xi32>
        %lt3A_816 = arith.cmpi slt, %select_n3A_196, %or3A_797 : vector<16xi32>
        %all_reduce_population_count3A_817 = tpu.all_reduce %lt3A_816 {dim = 0 : i64, kind = #tpu.reduction_kind<sum>} : vector<16xi1> -> vector<16xi32>
        %add3A_818 = arith.addi %add3A_815, %all_reduce_population_count3A_817 : vector<16xi32>
        %lt3A_819 = arith.cmpi slt, %select_n3A_207, %or3A_797 : vector<16xi32>
        %all_reduce_population_count3A_820 = tpu.all_reduce %lt3A_819 {dim = 0 : i64, kind = #tpu.reduction_kind<sum>} : vector<16xi1> -> vector<16xi32>
        %add3A_821 = arith.addi %add3A_818, %all_reduce_population_count3A_820 : vector<16xi32>
        %lt3A_822 = arith.cmpi slt, %select_n3A_218, %or3A_797 : vector<16xi32>
        %all_reduce_population_count3A_823 = tpu.all_reduce %lt3A_822 {dim = 0 : i64, kind = #tpu.reduction_kind<sum>} : vector<16xi1> -> vector<16xi32>
        %add3A_824 = arith.addi %add3A_821, %all_reduce_population_count3A_823 : vector<16xi32>
        %lt3A_825 = arith.cmpi slt, %select_n3A_229, %or3A_797 : vector<16xi32>
        %all_reduce_population_count3A_826 = tpu.all_reduce %lt3A_825 {dim = 0 : i64, kind = #tpu.reduction_kind<sum>} : vector<16xi1> -> vector<16xi32>
        %add3A_827 = arith.addi %add3A_824, %all_reduce_population_count3A_826 : vector<16xi32>
        %lt3A_828 = arith.cmpi slt, %select_n3A_240, %or3A_797 : vector<16xi32>
        %all_reduce_population_count3A_829 = tpu.all_reduce %lt3A_828 {dim = 0 : i64, kind = #tpu.reduction_kind<sum>} : vector<16xi1> -> vector<16xi32>
        %add3A_830 = arith.addi %add3A_827, %all_reduce_population_count3A_829 : vector<16xi32>
        %lt3A_831 = arith.cmpi slt, %select_n3A_251, %or3A_797 : vector<16xi32>
        %all_reduce_population_count3A_832 = tpu.all_reduce %lt3A_831 {dim = 0 : i64, kind = #tpu.reduction_kind<sum>} : vector<16xi1> -> vector<16xi32>
        %add3A_833 = arith.addi %add3A_830, %all_reduce_population_count3A_832 : vector<16xi32>
        %ge3A_834 = vector.broadcast %cond3A_96 : i32 to vector<16xi32>
        %ge3A_835 = arith.cmpi sge, %add3A_833, %ge3A_834 : vector<16xi32>
        %select_n3A_836 = arith.select %ge3A_835, %select_n3A_794, %or3A_797 : vector<16xi1>, vector<16xi32>
        %or3A_837 = arith.constant 256 : i32
        %or3A_838 = vector.broadcast %or3A_837 : i32 to vector<16xi32>
        %or3A_839 = arith.ori %select_n3A_836, %or3A_838 : vector<16xi32>
        %lt3A_840 = arith.cmpi slt, %select_n3A_130, %or3A_839 : vector<16xi32>
        %all_reduce_population_count3A_841 = tpu.all_reduce %lt3A_840 {dim = 0 : i64, kind = #tpu.reduction_kind<sum>} : vector<16xi1> -> vector<16xi32>
        %add3A_842 = arith.addi %broadcast_in_dim3A_50, %all_reduce_population_count3A_841 : vector<16xi32>
        %lt3A_843 = arith.cmpi slt, %select_n3A_141, %or3A_839 : vector<16xi32>
        %all_reduce_population_count3A_844 = tpu.all_reduce %lt3A_843 {dim = 0 : i64, kind = #tpu.reduction_kind<sum>} : vector<16xi1> -> vector<16xi32>
        %add3A_845 = arith.addi %add3A_842, %all_reduce_population_count3A_844 : vector<16xi32>
        %lt3A_846 = arith.cmpi slt, %select_n3A_152, %or3A_839 : vector<16xi32>
        %all_reduce_population_count3A_847 = tpu.all_reduce %lt3A_846 {dim = 0 : i64, kind = #tpu.reduction_kind<sum>} : vector<16xi1> -> vector<16xi32>
        %add3A_848 = arith.addi %add3A_845, %all_reduce_population_count3A_847 : vector<16xi32>
        %lt3A_849 = arith.cmpi slt, %select_n3A_163, %or3A_839 : vector<16xi32>
        %all_reduce_population_count3A_850 = tpu.all_reduce %lt3A_849 {dim = 0 : i64, kind = #tpu.reduction_kind<sum>} : vector<16xi1> -> vector<16xi32>
        %add3A_851 = arith.addi %add3A_848, %all_reduce_population_count3A_850 : vector<16xi32>
        %lt3A_852 = arith.cmpi slt, %select_n3A_174, %or3A_839 : vector<16xi32>
        %all_reduce_population_count3A_853 = tpu.all_reduce %lt3A_852 {dim = 0 : i64, kind = #tpu.reduction_kind<sum>} : vector<16xi1> -> vector<16xi32>
        %add3A_854 = arith.addi %add3A_851, %all_reduce_population_count3A_853 : vector<16xi32>
        %lt3A_855 = arith.cmpi slt, %select_n3A_185, %or3A_839 : vector<16xi32>
        %all_reduce_population_count3A_856 = tpu.all_reduce %lt3A_855 {dim = 0 : i64, kind = #tpu.reduction_kind<sum>} : vector<16xi1> -> vector<16xi32>
        %add3A_857 = arith.addi %add3A_854, %all_reduce_population_count3A_856 : vector<16xi32>
        %lt3A_858 = arith.cmpi slt, %select_n3A_196, %or3A_839 : vector<16xi32>
        %all_reduce_population_count3A_859 = tpu.all_reduce %lt3A_858 {dim = 0 : i64, kind = #tpu.reduction_kind<sum>} : vector<16xi1> -> vector<16xi32>
        %add3A_860 = arith.addi %add3A_857, %all_reduce_population_count3A_859 : vector<16xi32>
        %lt3A_861 = arith.cmpi slt, %select_n3A_207, %or3A_839 : vector<16xi32>
        %all_reduce_population_count3A_862 = tpu.all_reduce %lt3A_861 {dim = 0 : i64, kind = #tpu.reduction_kind<sum>} : vector<16xi1> -> vector<16xi32>
        %add3A_863 = arith.addi %add3A_860, %all_reduce_population_count3A_862 : vector<16xi32>
        %lt3A_864 = arith.cmpi slt, %select_n3A_218, %or3A_839 : vector<16xi32>
        %all_reduce_population_count3A_865 = tpu.all_reduce %lt3A_864 {dim = 0 : i64, kind = #tpu.reduction_kind<sum>} : vector<16xi1> -> vector<16xi32>
        %add3A_866 = arith.addi %add3A_863, %all_reduce_population_count3A_865 : vector<16xi32>
        %lt3A_867 = arith.cmpi slt, %select_n3A_229, %or3A_839 : vector<16xi32>
        %all_reduce_population_count3A_868 = tpu.all_reduce %lt3A_867 {dim = 0 : i64, kind = #tpu.reduction_kind<sum>} : vector<16xi1> -> vector<16xi32>
        %add3A_869 = arith.addi %add3A_866, %all_reduce_population_count3A_868 : vector<16xi32>
        %lt3A_870 = arith.cmpi slt, %select_n3A_240, %or3A_839 : vector<16xi32>
        %all_reduce_population_count3A_871 = tpu.all_reduce %lt3A_870 {dim = 0 : i64, kind = #tpu.reduction_kind<sum>} : vector<16xi1> -> vector<16xi32>
        %add3A_872 = arith.addi %add3A_869, %all_reduce_population_count3A_871 : vector<16xi32>
        %lt3A_873 = arith.cmpi slt, %select_n3A_251, %or3A_839 : vector<16xi32>
        %all_reduce_population_count3A_874 = tpu.all_reduce %lt3A_873 {dim = 0 : i64, kind = #tpu.reduction_kind<sum>} : vector<16xi1> -> vector<16xi32>
        %add3A_875 = arith.addi %add3A_872, %all_reduce_population_count3A_874 : vector<16xi32>
        %ge3A_876 = vector.broadcast %cond3A_96 : i32 to vector<16xi32>
        %ge3A_877 = arith.cmpi sge, %add3A_875, %ge3A_876 : vector<16xi32>
        %select_n3A_878 = arith.select %ge3A_877, %select_n3A_836, %or3A_839 : vector<16xi1>, vector<16xi32>
        %or3A_879 = arith.constant 128 : i32
        %or3A_880 = vector.broadcast %or3A_879 : i32 to vector<16xi32>
        %or3A_881 = arith.ori %select_n3A_878, %or3A_880 : vector<16xi32>
        %lt3A_882 = arith.cmpi slt, %select_n3A_130, %or3A_881 : vector<16xi32>
        %all_reduce_population_count3A_883 = tpu.all_reduce %lt3A_882 {dim = 0 : i64, kind = #tpu.reduction_kind<sum>} : vector<16xi1> -> vector<16xi32>
        %add3A_884 = arith.addi %broadcast_in_dim3A_50, %all_reduce_population_count3A_883 : vector<16xi32>
        %lt3A_885 = arith.cmpi slt, %select_n3A_141, %or3A_881 : vector<16xi32>
        %all_reduce_population_count3A_886 = tpu.all_reduce %lt3A_885 {dim = 0 : i64, kind = #tpu.reduction_kind<sum>} : vector<16xi1> -> vector<16xi32>
        %add3A_887 = arith.addi %add3A_884, %all_reduce_population_count3A_886 : vector<16xi32>
        %lt3A_888 = arith.cmpi slt, %select_n3A_152, %or3A_881 : vector<16xi32>
        %all_reduce_population_count3A_889 = tpu.all_reduce %lt3A_888 {dim = 0 : i64, kind = #tpu.reduction_kind<sum>} : vector<16xi1> -> vector<16xi32>
        %add3A_890 = arith.addi %add3A_887, %all_reduce_population_count3A_889 : vector<16xi32>
        %lt3A_891 = arith.cmpi slt, %select_n3A_163, %or3A_881 : vector<16xi32>
        %all_reduce_population_count3A_892 = tpu.all_reduce %lt3A_891 {dim = 0 : i64, kind = #tpu.reduction_kind<sum>} : vector<16xi1> -> vector<16xi32>
        %add3A_893 = arith.addi %add3A_890, %all_reduce_population_count3A_892 : vector<16xi32>
        %lt3A_894 = arith.cmpi slt, %select_n3A_174, %or3A_881 : vector<16xi32>
        %all_reduce_population_count3A_895 = tpu.all_reduce %lt3A_894 {dim = 0 : i64, kind = #tpu.reduction_kind<sum>} : vector<16xi1> -> vector<16xi32>
        %add3A_896 = arith.addi %add3A_893, %all_reduce_population_count3A_895 : vector<16xi32>
        %lt3A_897 = arith.cmpi slt, %select_n3A_185, %or3A_881 : vector<16xi32>
        %all_reduce_population_count3A_898 = tpu.all_reduce %lt3A_897 {dim = 0 : i64, kind = #tpu.reduction_kind<sum>} : vector<16xi1> -> vector<16xi32>
        %add3A_899 = arith.addi %add3A_896, %all_reduce_population_count3A_898 : vector<16xi32>
        %lt3A_900 = arith.cmpi slt, %select_n3A_196, %or3A_881 : vector<16xi32>
        %all_reduce_population_count3A_901 = tpu.all_reduce %lt3A_900 {dim = 0 : i64, kind = #tpu.reduction_kind<sum>} : vector<16xi1> -> vector<16xi32>
        %add3A_902 = arith.addi %add3A_899, %all_reduce_population_count3A_901 : vector<16xi32>
        %lt3A_903 = arith.cmpi slt, %select_n3A_207, %or3A_881 : vector<16xi32>
        %all_reduce_population_count3A_904 = tpu.all_reduce %lt3A_903 {dim = 0 : i64, kind = #tpu.reduction_kind<sum>} : vector<16xi1> -> vector<16xi32>
        %add3A_905 = arith.addi %add3A_902, %all_reduce_population_count3A_904 : vector<16xi32>
        %lt3A_906 = arith.cmpi slt, %select_n3A_218, %or3A_881 : vector<16xi32>
        %all_reduce_population_count3A_907 = tpu.all_reduce %lt3A_906 {dim = 0 : i64, kind = #tpu.reduction_kind<sum>} : vector<16xi1> -> vector<16xi32>
        %add3A_908 = arith.addi %add3A_905, %all_reduce_population_count3A_907 : vector<16xi32>
        %lt3A_909 = arith.cmpi slt, %select_n3A_229, %or3A_881 : vector<16xi32>
        %all_reduce_population_count3A_910 = tpu.all_reduce %lt3A_909 {dim = 0 : i64, kind = #tpu.reduction_kind<sum>} : vector<16xi1> -> vector<16xi32>
        %add3A_911 = arith.addi %add3A_908, %all_reduce_population_count3A_910 : vector<16xi32>
        %lt3A_912 = arith.cmpi slt, %select_n3A_240, %or3A_881 : vector<16xi32>
        %all_reduce_population_count3A_913 = tpu.all_reduce %lt3A_912 {dim = 0 : i64, kind = #tpu.reduction_kind<sum>} : vector<16xi1> -> vector<16xi32>
        %add3A_914 = arith.addi %add3A_911, %all_reduce_population_count3A_913 : vector<16xi32>
        %lt3A_915 = arith.cmpi slt, %select_n3A_251, %or3A_881 : vector<16xi32>
        %all_reduce_population_count3A_916 = tpu.all_reduce %lt3A_915 {dim = 0 : i64, kind = #tpu.reduction_kind<sum>} : vector<16xi1> -> vector<16xi32>
        %add3A_917 = arith.addi %add3A_914, %all_reduce_population_count3A_916 : vector<16xi32>
        %ge3A_918 = vector.broadcast %cond3A_96 : i32 to vector<16xi32>
        %ge3A_919 = arith.cmpi sge, %add3A_917, %ge3A_918 : vector<16xi32>
        %select_n3A_920 = arith.select %ge3A_919, %select_n3A_878, %or3A_881 : vector<16xi1>, vector<16xi32>
        %or3A_921 = arith.constant 64 : i32
        %or3A_922 = vector.broadcast %or3A_921 : i32 to vector<16xi32>
        %or3A_923 = arith.ori %select_n3A_920, %or3A_922 : vector<16xi32>
        %lt3A_924 = arith.cmpi slt, %select_n3A_130, %or3A_923 : vector<16xi32>
        %all_reduce_population_count3A_925 = tpu.all_reduce %lt3A_924 {dim = 0 : i64, kind = #tpu.reduction_kind<sum>} : vector<16xi1> -> vector<16xi32>
        %add3A_926 = arith.addi %broadcast_in_dim3A_50, %all_reduce_population_count3A_925 : vector<16xi32>
        %lt3A_927 = arith.cmpi slt, %select_n3A_141, %or3A_923 : vector<16xi32>
        %all_reduce_population_count3A_928 = tpu.all_reduce %lt3A_927 {dim = 0 : i64, kind = #tpu.reduction_kind<sum>} : vector<16xi1> -> vector<16xi32>
        %add3A_929 = arith.addi %add3A_926, %all_reduce_population_count3A_928 : vector<16xi32>
        %lt3A_930 = arith.cmpi slt, %select_n3A_152, %or3A_923 : vector<16xi32>
        %all_reduce_population_count3A_931 = tpu.all_reduce %lt3A_930 {dim = 0 : i64, kind = #tpu.reduction_kind<sum>} : vector<16xi1> -> vector<16xi32>
        %add3A_932 = arith.addi %add3A_929, %all_reduce_population_count3A_931 : vector<16xi32>
        %lt3A_933 = arith.cmpi slt, %select_n3A_163, %or3A_923 : vector<16xi32>
        %all_reduce_population_count3A_934 = tpu.all_reduce %lt3A_933 {dim = 0 : i64, kind = #tpu.reduction_kind<sum>} : vector<16xi1> -> vector<16xi32>
        %add3A_935 = arith.addi %add3A_932, %all_reduce_population_count3A_934 : vector<16xi32>
        %lt3A_936 = arith.cmpi slt, %select_n3A_174, %or3A_923 : vector<16xi32>
        %all_reduce_population_count3A_937 = tpu.all_reduce %lt3A_936 {dim = 0 : i64, kind = #tpu.reduction_kind<sum>} : vector<16xi1> -> vector<16xi32>
        %add3A_938 = arith.addi %add3A_935, %all_reduce_population_count3A_937 : vector<16xi32>
        %lt3A_939 = arith.cmpi slt, %select_n3A_185, %or3A_923 : vector<16xi32>
        %all_reduce_population_count3A_940 = tpu.all_reduce %lt3A_939 {dim = 0 : i64, kind = #tpu.reduction_kind<sum>} : vector<16xi1> -> vector<16xi32>
        %add3A_941 = arith.addi %add3A_938, %all_reduce_population_count3A_940 : vector<16xi32>
        %lt3A_942 = arith.cmpi slt, %select_n3A_196, %or3A_923 : vector<16xi32>
        %all_reduce_population_count3A_943 = tpu.all_reduce %lt3A_942 {dim = 0 : i64, kind = #tpu.reduction_kind<sum>} : vector<16xi1> -> vector<16xi32>
        %add3A_944 = arith.addi %add3A_941, %all_reduce_population_count3A_943 : vector<16xi32>
        %lt3A_945 = arith.cmpi slt, %select_n3A_207, %or3A_923 : vector<16xi32>
        %all_reduce_population_count3A_946 = tpu.all_reduce %lt3A_945 {dim = 0 : i64, kind = #tpu.reduction_kind<sum>} : vector<16xi1> -> vector<16xi32>
        %add3A_947 = arith.addi %add3A_944, %all_reduce_population_count3A_946 : vector<16xi32>
        %lt3A_948 = arith.cmpi slt, %select_n3A_218, %or3A_923 : vector<16xi32>
        %all_reduce_population_count3A_949 = tpu.all_reduce %lt3A_948 {dim = 0 : i64, kind = #tpu.reduction_kind<sum>} : vector<16xi1> -> vector<16xi32>
        %add3A_950 = arith.addi %add3A_947, %all_reduce_population_count3A_949 : vector<16xi32>
        %lt3A_951 = arith.cmpi slt, %select_n3A_229, %or3A_923 : vector<16xi32>
        %all_reduce_population_count3A_952 = tpu.all_reduce %lt3A_951 {dim = 0 : i64, kind = #tpu.reduction_kind<sum>} : vector<16xi1> -> vector<16xi32>
        %add3A_953 = arith.addi %add3A_950, %all_reduce_population_count3A_952 : vector<16xi32>
        %lt3A_954 = arith.cmpi slt, %select_n3A_240, %or3A_923 : vector<16xi32>
        %all_reduce_population_count3A_955 = tpu.all_reduce %lt3A_954 {dim = 0 : i64, kind = #tpu.reduction_kind<sum>} : vector<16xi1> -> vector<16xi32>
        %add3A_956 = arith.addi %add3A_953, %all_reduce_population_count3A_955 : vector<16xi32>
        %lt3A_957 = arith.cmpi slt, %select_n3A_251, %or3A_923 : vector<16xi32>
        %all_reduce_population_count3A_958 = tpu.all_reduce %lt3A_957 {dim = 0 : i64, kind = #tpu.reduction_kind<sum>} : vector<16xi1> -> vector<16xi32>
        %add3A_959 = arith.addi %add3A_956, %all_reduce_population_count3A_958 : vector<16xi32>
        %ge3A_960 = vector.broadcast %cond3A_96 : i32 to vector<16xi32>
        %ge3A_961 = arith.cmpi sge, %add3A_959, %ge3A_960 : vector<16xi32>
        %select_n3A_962 = arith.select %ge3A_961, %select_n3A_920, %or3A_923 : vector<16xi1>, vector<16xi32>
        %or3A_963 = arith.constant 32 : i32
        %or3A_964 = vector.broadcast %or3A_963 : i32 to vector<16xi32>
        %or3A_965 = arith.ori %select_n3A_962, %or3A_964 : vector<16xi32>
        %lt3A_966 = arith.cmpi slt, %select_n3A_130, %or3A_965 : vector<16xi32>
        %all_reduce_population_count3A_967 = tpu.all_reduce %lt3A_966 {dim = 0 : i64, kind = #tpu.reduction_kind<sum>} : vector<16xi1> -> vector<16xi32>
        %add3A_968 = arith.addi %broadcast_in_dim3A_50, %all_reduce_population_count3A_967 : vector<16xi32>
        %lt3A_969 = arith.cmpi slt, %select_n3A_141, %or3A_965 : vector<16xi32>
        %all_reduce_population_count3A_970 = tpu.all_reduce %lt3A_969 {dim = 0 : i64, kind = #tpu.reduction_kind<sum>} : vector<16xi1> -> vector<16xi32>
        %add3A_971 = arith.addi %add3A_968, %all_reduce_population_count3A_970 : vector<16xi32>
        %lt3A_972 = arith.cmpi slt, %select_n3A_152, %or3A_965 : vector<16xi32>
        %all_reduce_population_count3A_973 = tpu.all_reduce %lt3A_972 {dim = 0 : i64, kind = #tpu.reduction_kind<sum>} : vector<16xi1> -> vector<16xi32>
        %add3A_974 = arith.addi %add3A_971, %all_reduce_population_count3A_973 : vector<16xi32>
        %lt3A_975 = arith.cmpi slt, %select_n3A_163, %or3A_965 : vector<16xi32>
        %all_reduce_population_count3A_976 = tpu.all_reduce %lt3A_975 {dim = 0 : i64, kind = #tpu.reduction_kind<sum>} : vector<16xi1> -> vector<16xi32>
        %add3A_977 = arith.addi %add3A_974, %all_reduce_population_count3A_976 : vector<16xi32>
        %lt3A_978 = arith.cmpi slt, %select_n3A_174, %or3A_965 : vector<16xi32>
        %all_reduce_population_count3A_979 = tpu.all_reduce %lt3A_978 {dim = 0 : i64, kind = #tpu.reduction_kind<sum>} : vector<16xi1> -> vector<16xi32>
        %add3A_980 = arith.addi %add3A_977, %all_reduce_population_count3A_979 : vector<16xi32>
        %lt3A_981 = arith.cmpi slt, %select_n3A_185, %or3A_965 : vector<16xi32>
        %all_reduce_population_count3A_982 = tpu.all_reduce %lt3A_981 {dim = 0 : i64, kind = #tpu.reduction_kind<sum>} : vector<16xi1> -> vector<16xi32>
        %add3A_983 = arith.addi %add3A_980, %all_reduce_population_count3A_982 : vector<16xi32>
        %lt3A_984 = arith.cmpi slt, %select_n3A_196, %or3A_965 : vector<16xi32>
        %all_reduce_population_count3A_985 = tpu.all_reduce %lt3A_984 {dim = 0 : i64, kind = #tpu.reduction_kind<sum>} : vector<16xi1> -> vector<16xi32>
        %add3A_986 = arith.addi %add3A_983, %all_reduce_population_count3A_985 : vector<16xi32>
        %lt3A_987 = arith.cmpi slt, %select_n3A_207, %or3A_965 : vector<16xi32>
        %all_reduce_population_count3A_988 = tpu.all_reduce %lt3A_987 {dim = 0 : i64, kind = #tpu.reduction_kind<sum>} : vector<16xi1> -> vector<16xi32>
        %add3A_989 = arith.addi %add3A_986, %all_reduce_population_count3A_988 : vector<16xi32>
        %lt3A_990 = arith.cmpi slt, %select_n3A_218, %or3A_965 : vector<16xi32>
        %all_reduce_population_count3A_991 = tpu.all_reduce %lt3A_990 {dim = 0 : i64, kind = #tpu.reduction_kind<sum>} : vector<16xi1> -> vector<16xi32>
        %add3A_992 = arith.addi %add3A_989, %all_reduce_population_count3A_991 : vector<16xi32>
        %lt3A_993 = arith.cmpi slt, %select_n3A_229, %or3A_965 : vector<16xi32>
        %all_reduce_population_count3A_994 = tpu.all_reduce %lt3A_993 {dim = 0 : i64, kind = #tpu.reduction_kind<sum>} : vector<16xi1> -> vector<16xi32>
        %add3A_995 = arith.addi %add3A_992, %all_reduce_population_count3A_994 : vector<16xi32>
        %lt3A_996 = arith.cmpi slt, %select_n3A_240, %or3A_965 : vector<16xi32>
        %all_reduce_population_count3A_997 = tpu.all_reduce %lt3A_996 {dim = 0 : i64, kind = #tpu.reduction_kind<sum>} : vector<16xi1> -> vector<16xi32>
        %add3A_998 = arith.addi %add3A_995, %all_reduce_population_count3A_997 : vector<16xi32>
        %lt3A_999 = arith.cmpi slt, %select_n3A_251, %or3A_965 : vector<16xi32>
        %all_reduce_population_count3A_1000 = tpu.all_reduce %lt3A_999 {dim = 0 : i64, kind = #tpu.reduction_kind<sum>} : vector<16xi1> -> vector<16xi32>
        %add3A_1001 = arith.addi %add3A_998, %all_reduce_population_count3A_1000 : vector<16xi32>
        %ge3A_1002 = vector.broadcast %cond3A_96 : i32 to vector<16xi32>
        %ge3A_1003 = arith.cmpi sge, %add3A_1001, %ge3A_1002 : vector<16xi32>
        %select_n3A_1004 = arith.select %ge3A_1003, %select_n3A_962, %or3A_965 : vector<16xi1>, vector<16xi32>
        %or3A_1005 = arith.constant 16 : i32
        %or3A_1006 = vector.broadcast %or3A_1005 : i32 to vector<16xi32>
        %or3A_1007 = arith.ori %select_n3A_1004, %or3A_1006 : vector<16xi32>
        %lt3A_1008 = arith.cmpi slt, %select_n3A_130, %or3A_1007 : vector<16xi32>
        %all_reduce_population_count3A_1009 = tpu.all_reduce %lt3A_1008 {dim = 0 : i64, kind = #tpu.reduction_kind<sum>} : vector<16xi1> -> vector<16xi32>
        %add3A_1010 = arith.addi %broadcast_in_dim3A_50, %all_reduce_population_count3A_1009 : vector<16xi32>
        %lt3A_1011 = arith.cmpi slt, %select_n3A_141, %or3A_1007 : vector<16xi32>
        %all_reduce_population_count3A_1012 = tpu.all_reduce %lt3A_1011 {dim = 0 : i64, kind = #tpu.reduction_kind<sum>} : vector<16xi1> -> vector<16xi32>
        %add3A_1013 = arith.addi %add3A_1010, %all_reduce_population_count3A_1012 : vector<16xi32>
        %lt3A_1014 = arith.cmpi slt, %select_n3A_152, %or3A_1007 : vector<16xi32>
        %all_reduce_population_count3A_1015 = tpu.all_reduce %lt3A_1014 {dim = 0 : i64, kind = #tpu.reduction_kind<sum>} : vector<16xi1> -> vector<16xi32>
        %add3A_1016 = arith.addi %add3A_1013, %all_reduce_population_count3A_1015 : vector<16xi32>
        %lt3A_1017 = arith.cmpi slt, %select_n3A_163, %or3A_1007 : vector<16xi32>
        %all_reduce_population_count3A_1018 = tpu.all_reduce %lt3A_1017 {dim = 0 : i64, kind = #tpu.reduction_kind<sum>} : vector<16xi1> -> vector<16xi32>
        %add3A_1019 = arith.addi %add3A_1016, %all_reduce_population_count3A_1018 : vector<16xi32>
        %lt3A_1020 = arith.cmpi slt, %select_n3A_174, %or3A_1007 : vector<16xi32>
        %all_reduce_population_count3A_1021 = tpu.all_reduce %lt3A_1020 {dim = 0 : i64, kind = #tpu.reduction_kind<sum>} : vector<16xi1> -> vector<16xi32>
        %add3A_1022 = arith.addi %add3A_1019, %all_reduce_population_count3A_1021 : vector<16xi32>
        %lt3A_1023 = arith.cmpi slt, %select_n3A_185, %or3A_1007 : vector<16xi32>
        %all_reduce_population_count3A_1024 = tpu.all_reduce %lt3A_1023 {dim = 0 : i64, kind = #tpu.reduction_kind<sum>} : vector<16xi1> -> vector<16xi32>
        %add3A_1025 = arith.addi %add3A_1022, %all_reduce_population_count3A_1024 : vector<16xi32>
        %lt3A_1026 = arith.cmpi slt, %select_n3A_196, %or3A_1007 : vector<16xi32>
        %all_reduce_population_count3A_1027 = tpu.all_reduce %lt3A_1026 {dim = 0 : i64, kind = #tpu.reduction_kind<sum>} : vector<16xi1> -> vector<16xi32>
        %add3A_1028 = arith.addi %add3A_1025, %all_reduce_population_count3A_1027 : vector<16xi32>
        %lt3A_1029 = arith.cmpi slt, %select_n3A_207, %or3A_1007 : vector<16xi32>
        %all_reduce_population_count3A_1030 = tpu.all_reduce %lt3A_1029 {dim = 0 : i64, kind = #tpu.reduction_kind<sum>} : vector<16xi1> -> vector<16xi32>
        %add3A_1031 = arith.addi %add3A_1028, %all_reduce_population_count3A_1030 : vector<16xi32>
        %lt3A_1032 = arith.cmpi slt, %select_n3A_218, %or3A_1007 : vector<16xi32>
        %all_reduce_population_count3A_1033 = tpu.all_reduce %lt3A_1032 {dim = 0 : i64, kind = #tpu.reduction_kind<sum>} : vector<16xi1> -> vector<16xi32>
        %add3A_1034 = arith.addi %add3A_1031, %all_reduce_population_count3A_1033 : vector<16xi32>
        %lt3A_1035 = arith.cmpi slt, %select_n3A_229, %or3A_1007 : vector<16xi32>
        %all_reduce_population_count3A_1036 = tpu.all_reduce %lt3A_1035 {dim = 0 : i64, kind = #tpu.reduction_kind<sum>} : vector<16xi1> -> vector<16xi32>
        %add3A_1037 = arith.addi %add3A_1034, %all_reduce_population_count3A_1036 : vector<16xi32>
        %lt3A_1038 = arith.cmpi slt, %select_n3A_240, %or3A_1007 : vector<16xi32>
        %all_reduce_population_count3A_1039 = tpu.all_reduce %lt3A_1038 {dim = 0 : i64, kind = #tpu.reduction_kind<sum>} : vector<16xi1> -> vector<16xi32>
        %add3A_1040 = arith.addi %add3A_1037, %all_reduce_population_count3A_1039 : vector<16xi32>
        %lt3A_1041 = arith.cmpi slt, %select_n3A_251, %or3A_1007 : vector<16xi32>
        %all_reduce_population_count3A_1042 = tpu.all_reduce %lt3A_1041 {dim = 0 : i64, kind = #tpu.reduction_kind<sum>} : vector<16xi1> -> vector<16xi32>
        %add3A_1043 = arith.addi %add3A_1040, %all_reduce_population_count3A_1042 : vector<16xi32>
        %ge3A_1044 = vector.broadcast %cond3A_96 : i32 to vector<16xi32>
        %ge3A_1045 = arith.cmpi sge, %add3A_1043, %ge3A_1044 : vector<16xi32>
        %select_n3A_1046 = arith.select %ge3A_1045, %select_n3A_1004, %or3A_1007 : vector<16xi1>, vector<16xi32>
        %or3A_1047 = arith.constant 8 : i32
        %or3A_1048 = vector.broadcast %or3A_1047 : i32 to vector<16xi32>
        %or3A_1049 = arith.ori %select_n3A_1046, %or3A_1048 : vector<16xi32>
        %lt3A_1050 = arith.cmpi slt, %select_n3A_130, %or3A_1049 : vector<16xi32>
        %all_reduce_population_count3A_1051 = tpu.all_reduce %lt3A_1050 {dim = 0 : i64, kind = #tpu.reduction_kind<sum>} : vector<16xi1> -> vector<16xi32>
        %add3A_1052 = arith.addi %broadcast_in_dim3A_50, %all_reduce_population_count3A_1051 : vector<16xi32>
        %lt3A_1053 = arith.cmpi slt, %select_n3A_141, %or3A_1049 : vector<16xi32>
        %all_reduce_population_count3A_1054 = tpu.all_reduce %lt3A_1053 {dim = 0 : i64, kind = #tpu.reduction_kind<sum>} : vector<16xi1> -> vector<16xi32>
        %add3A_1055 = arith.addi %add3A_1052, %all_reduce_population_count3A_1054 : vector<16xi32>
        %lt3A_1056 = arith.cmpi slt, %select_n3A_152, %or3A_1049 : vector<16xi32>
        %all_reduce_population_count3A_1057 = tpu.all_reduce %lt3A_1056 {dim = 0 : i64, kind = #tpu.reduction_kind<sum>} : vector<16xi1> -> vector<16xi32>
        %add3A_1058 = arith.addi %add3A_1055, %all_reduce_population_count3A_1057 : vector<16xi32>
        %lt3A_1059 = arith.cmpi slt, %select_n3A_163, %or3A_1049 : vector<16xi32>
        %all_reduce_population_count3A_1060 = tpu.all_reduce %lt3A_1059 {dim = 0 : i64, kind = #tpu.reduction_kind<sum>} : vector<16xi1> -> vector<16xi32>
        %add3A_1061 = arith.addi %add3A_1058, %all_reduce_population_count3A_1060 : vector<16xi32>
        %lt3A_1062 = arith.cmpi slt, %select_n3A_174, %or3A_1049 : vector<16xi32>
        %all_reduce_population_count3A_1063 = tpu.all_reduce %lt3A_1062 {dim = 0 : i64, kind = #tpu.reduction_kind<sum>} : vector<16xi1> -> vector<16xi32>
        %add3A_1064 = arith.addi %add3A_1061, %all_reduce_population_count3A_1063 : vector<16xi32>
        %lt3A_1065 = arith.cmpi slt, %select_n3A_185, %or3A_1049 : vector<16xi32>
        %all_reduce_population_count3A_1066 = tpu.all_reduce %lt3A_1065 {dim = 0 : i64, kind = #tpu.reduction_kind<sum>} : vector<16xi1> -> vector<16xi32>
        %add3A_1067 = arith.addi %add3A_1064, %all_reduce_population_count3A_1066 : vector<16xi32>
        %lt3A_1068 = arith.cmpi slt, %select_n3A_196, %or3A_1049 : vector<16xi32>
        %all_reduce_population_count3A_1069 = tpu.all_reduce %lt3A_1068 {dim = 0 : i64, kind = #tpu.reduction_kind<sum>} : vector<16xi1> -> vector<16xi32>
        %add3A_1070 = arith.addi %add3A_1067, %all_reduce_population_count3A_1069 : vector<16xi32>
        %lt3A_1071 = arith.cmpi slt, %select_n3A_207, %or3A_1049 : vector<16xi32>
        %all_reduce_population_count3A_1072 = tpu.all_reduce %lt3A_1071 {dim = 0 : i64, kind = #tpu.reduction_kind<sum>} : vector<16xi1> -> vector<16xi32>
        %add3A_1073 = arith.addi %add3A_1070, %all_reduce_population_count3A_1072 : vector<16xi32>
        %lt3A_1074 = arith.cmpi slt, %select_n3A_218, %or3A_1049 : vector<16xi32>
        %all_reduce_population_count3A_1075 = tpu.all_reduce %lt3A_1074 {dim = 0 : i64, kind = #tpu.reduction_kind<sum>} : vector<16xi1> -> vector<16xi32>
        %add3A_1076 = arith.addi %add3A_1073, %all_reduce_population_count3A_1075 : vector<16xi32>
        %lt3A_1077 = arith.cmpi slt, %select_n3A_229, %or3A_1049 : vector<16xi32>
        %all_reduce_population_count3A_1078 = tpu.all_reduce %lt3A_1077 {dim = 0 : i64, kind = #tpu.reduction_kind<sum>} : vector<16xi1> -> vector<16xi32>
        %add3A_1079 = arith.addi %add3A_1076, %all_reduce_population_count3A_1078 : vector<16xi32>
        %lt3A_1080 = arith.cmpi slt, %select_n3A_240, %or3A_1049 : vector<16xi32>
        %all_reduce_population_count3A_1081 = tpu.all_reduce %lt3A_1080 {dim = 0 : i64, kind = #tpu.reduction_kind<sum>} : vector<16xi1> -> vector<16xi32>
        %add3A_1082 = arith.addi %add3A_1079, %all_reduce_population_count3A_1081 : vector<16xi32>
        %lt3A_1083 = arith.cmpi slt, %select_n3A_251, %or3A_1049 : vector<16xi32>
        %all_reduce_population_count3A_1084 = tpu.all_reduce %lt3A_1083 {dim = 0 : i64, kind = #tpu.reduction_kind<sum>} : vector<16xi1> -> vector<16xi32>
        %add3A_1085 = arith.addi %add3A_1082, %all_reduce_population_count3A_1084 : vector<16xi32>
        %ge3A_1086 = vector.broadcast %cond3A_96 : i32 to vector<16xi32>
        %ge3A_1087 = arith.cmpi sge, %add3A_1085, %ge3A_1086 : vector<16xi32>
        %select_n3A_1088 = arith.select %ge3A_1087, %select_n3A_1046, %or3A_1049 : vector<16xi1>, vector<16xi32>
        %or3A_1089 = arith.constant 4 : i32
        %or3A_1090 = vector.broadcast %or3A_1089 : i32 to vector<16xi32>
        %or3A_1091 = arith.ori %select_n3A_1088, %or3A_1090 : vector<16xi32>
        %lt3A_1092 = arith.cmpi slt, %select_n3A_130, %or3A_1091 : vector<16xi32>
        %all_reduce_population_count3A_1093 = tpu.all_reduce %lt3A_1092 {dim = 0 : i64, kind = #tpu.reduction_kind<sum>} : vector<16xi1> -> vector<16xi32>
        %add3A_1094 = arith.addi %broadcast_in_dim3A_50, %all_reduce_population_count3A_1093 : vector<16xi32>
        %lt3A_1095 = arith.cmpi slt, %select_n3A_141, %or3A_1091 : vector<16xi32>
        %all_reduce_population_count3A_1096 = tpu.all_reduce %lt3A_1095 {dim = 0 : i64, kind = #tpu.reduction_kind<sum>} : vector<16xi1> -> vector<16xi32>
        %add3A_1097 = arith.addi %add3A_1094, %all_reduce_population_count3A_1096 : vector<16xi32>
        %lt3A_1098 = arith.cmpi slt, %select_n3A_152, %or3A_1091 : vector<16xi32>
        %all_reduce_population_count3A_1099 = tpu.all_reduce %lt3A_1098 {dim = 0 : i64, kind = #tpu.reduction_kind<sum>} : vector<16xi1> -> vector<16xi32>
        %add3A_1100 = arith.addi %add3A_1097, %all_reduce_population_count3A_1099 : vector<16xi32>
        %lt3A_1101 = arith.cmpi slt, %select_n3A_163, %or3A_1091 : vector<16xi32>
        %all_reduce_population_count3A_1102 = tpu.all_reduce %lt3A_1101 {dim = 0 : i64, kind = #tpu.reduction_kind<sum>} : vector<16xi1> -> vector<16xi32>
        %add3A_1103 = arith.addi %add3A_1100, %all_reduce_population_count3A_1102 : vector<16xi32>
        %lt3A_1104 = arith.cmpi slt, %select_n3A_174, %or3A_1091 : vector<16xi32>
        %all_reduce_population_count3A_1105 = tpu.all_reduce %lt3A_1104 {dim = 0 : i64, kind = #tpu.reduction_kind<sum>} : vector<16xi1> -> vector<16xi32>
        %add3A_1106 = arith.addi %add3A_1103, %all_reduce_population_count3A_1105 : vector<16xi32>
        %lt3A_1107 = arith.cmpi slt, %select_n3A_185, %or3A_1091 : vector<16xi32>
        %all_reduce_population_count3A_1108 = tpu.all_reduce %lt3A_1107 {dim = 0 : i64, kind = #tpu.reduction_kind<sum>} : vector<16xi1> -> vector<16xi32>
        %add3A_1109 = arith.addi %add3A_1106, %all_reduce_population_count3A_1108 : vector<16xi32>
        %lt3A_1110 = arith.cmpi slt, %select_n3A_196, %or3A_1091 : vector<16xi32>
        %all_reduce_population_count3A_1111 = tpu.all_reduce %lt3A_1110 {dim = 0 : i64, kind = #tpu.reduction_kind<sum>} : vector<16xi1> -> vector<16xi32>
        %add3A_1112 = arith.addi %add3A_1109, %all_reduce_population_count3A_1111 : vector<16xi32>
        %lt3A_1113 = arith.cmpi slt, %select_n3A_207, %or3A_1091 : vector<16xi32>
        %all_reduce_population_count3A_1114 = tpu.all_reduce %lt3A_1113 {dim = 0 : i64, kind = #tpu.reduction_kind<sum>} : vector<16xi1> -> vector<16xi32>
        %add3A_1115 = arith.addi %add3A_1112, %all_reduce_population_count3A_1114 : vector<16xi32>
        %lt3A_1116 = arith.cmpi slt, %select_n3A_218, %or3A_1091 : vector<16xi32>
        %all_reduce_population_count3A_1117 = tpu.all_reduce %lt3A_1116 {dim = 0 : i64, kind = #tpu.reduction_kind<sum>} : vector<16xi1> -> vector<16xi32>
        %add3A_1118 = arith.addi %add3A_1115, %all_reduce_population_count3A_1117 : vector<16xi32>
        %lt3A_1119 = arith.cmpi slt, %select_n3A_229, %or3A_1091 : vector<16xi32>
        %all_reduce_population_count3A_1120 = tpu.all_reduce %lt3A_1119 {dim = 0 : i64, kind = #tpu.reduction_kind<sum>} : vector<16xi1> -> vector<16xi32>
        %add3A_1121 = arith.addi %add3A_1118, %all_reduce_population_count3A_1120 : vector<16xi32>
        %lt3A_1122 = arith.cmpi slt, %select_n3A_240, %or3A_1091 : vector<16xi32>
        %all_reduce_population_count3A_1123 = tpu.all_reduce %lt3A_1122 {dim = 0 : i64, kind = #tpu.reduction_kind<sum>} : vector<16xi1> -> vector<16xi32>
        %add3A_1124 = arith.addi %add3A_1121, %all_reduce_population_count3A_1123 : vector<16xi32>
        %lt3A_1125 = arith.cmpi slt, %select_n3A_251, %or3A_1091 : vector<16xi32>
        %all_reduce_population_count3A_1126 = tpu.all_reduce %lt3A_1125 {dim = 0 : i64, kind = #tpu.reduction_kind<sum>} : vector<16xi1> -> vector<16xi32>
        %add3A_1127 = arith.addi %add3A_1124, %all_reduce_population_count3A_1126 : vector<16xi32>
        %ge3A_1128 = vector.broadcast %cond3A_96 : i32 to vector<16xi32>
        %ge3A_1129 = arith.cmpi sge, %add3A_1127, %ge3A_1128 : vector<16xi32>
        %select_n3A_1130 = arith.select %ge3A_1129, %select_n3A_1088, %or3A_1091 : vector<16xi1>, vector<16xi32>
        %or3A_1131 = arith.constant 2 : i32
        %or3A_1132 = vector.broadcast %or3A_1131 : i32 to vector<16xi32>
        %or3A_1133 = arith.ori %select_n3A_1130, %or3A_1132 : vector<16xi32>
        %lt3A_1134 = arith.cmpi slt, %select_n3A_130, %or3A_1133 : vector<16xi32>
        %all_reduce_population_count3A_1135 = tpu.all_reduce %lt3A_1134 {dim = 0 : i64, kind = #tpu.reduction_kind<sum>} : vector<16xi1> -> vector<16xi32>
        %add3A_1136 = arith.addi %broadcast_in_dim3A_50, %all_reduce_population_count3A_1135 : vector<16xi32>
        %lt3A_1137 = arith.cmpi slt, %select_n3A_141, %or3A_1133 : vector<16xi32>
        %all_reduce_population_count3A_1138 = tpu.all_reduce %lt3A_1137 {dim = 0 : i64, kind = #tpu.reduction_kind<sum>} : vector<16xi1> -> vector<16xi32>
        %add3A_1139 = arith.addi %add3A_1136, %all_reduce_population_count3A_1138 : vector<16xi32>
        %lt3A_1140 = arith.cmpi slt, %select_n3A_152, %or3A_1133 : vector<16xi32>
        %all_reduce_population_count3A_1141 = tpu.all_reduce %lt3A_1140 {dim = 0 : i64, kind = #tpu.reduction_kind<sum>} : vector<16xi1> -> vector<16xi32>
        %add3A_1142 = arith.addi %add3A_1139, %all_reduce_population_count3A_1141 : vector<16xi32>
        %lt3A_1143 = arith.cmpi slt, %select_n3A_163, %or3A_1133 : vector<16xi32>
        %all_reduce_population_count3A_1144 = tpu.all_reduce %lt3A_1143 {dim = 0 : i64, kind = #tpu.reduction_kind<sum>} : vector<16xi1> -> vector<16xi32>
        %add3A_1145 = arith.addi %add3A_1142, %all_reduce_population_count3A_1144 : vector<16xi32>
        %lt3A_1146 = arith.cmpi slt, %select_n3A_174, %or3A_1133 : vector<16xi32>
        %all_reduce_population_count3A_1147 = tpu.all_reduce %lt3A_1146 {dim = 0 : i64, kind = #tpu.reduction_kind<sum>} : vector<16xi1> -> vector<16xi32>
        %add3A_1148 = arith.addi %add3A_1145, %all_reduce_population_count3A_1147 : vector<16xi32>
        %lt3A_1149 = arith.cmpi slt, %select_n3A_185, %or3A_1133 : vector<16xi32>
        %all_reduce_population_count3A_1150 = tpu.all_reduce %lt3A_1149 {dim = 0 : i64, kind = #tpu.reduction_kind<sum>} : vector<16xi1> -> vector<16xi32>
        %add3A_1151 = arith.addi %add3A_1148, %all_reduce_population_count3A_1150 : vector<16xi32>
        %lt3A_1152 = arith.cmpi slt, %select_n3A_196, %or3A_1133 : vector<16xi32>
        %all_reduce_population_count3A_1153 = tpu.all_reduce %lt3A_1152 {dim = 0 : i64, kind = #tpu.reduction_kind<sum>} : vector<16xi1> -> vector<16xi32>
        %add3A_1154 = arith.addi %add3A_1151, %all_reduce_population_count3A_1153 : vector<16xi32>
        %lt3A_1155 = arith.cmpi slt, %select_n3A_207, %or3A_1133 : vector<16xi32>
        %all_reduce_population_count3A_1156 = tpu.all_reduce %lt3A_1155 {dim = 0 : i64, kind = #tpu.reduction_kind<sum>} : vector<16xi1> -> vector<16xi32>
        %add3A_1157 = arith.addi %add3A_1154, %all_reduce_population_count3A_1156 : vector<16xi32>
        %lt3A_1158 = arith.cmpi slt, %select_n3A_218, %or3A_1133 : vector<16xi32>
        %all_reduce_population_count3A_1159 = tpu.all_reduce %lt3A_1158 {dim = 0 : i64, kind = #tpu.reduction_kind<sum>} : vector<16xi1> -> vector<16xi32>
        %add3A_1160 = arith.addi %add3A_1157, %all_reduce_population_count3A_1159 : vector<16xi32>
        %lt3A_1161 = arith.cmpi slt, %select_n3A_229, %or3A_1133 : vector<16xi32>
        %all_reduce_population_count3A_1162 = tpu.all_reduce %lt3A_1161 {dim = 0 : i64, kind = #tpu.reduction_kind<sum>} : vector<16xi1> -> vector<16xi32>
        %add3A_1163 = arith.addi %add3A_1160, %all_reduce_population_count3A_1162 : vector<16xi32>
        %lt3A_1164 = arith.cmpi slt, %select_n3A_240, %or3A_1133 : vector<16xi32>
        %all_reduce_population_count3A_1165 = tpu.all_reduce %lt3A_1164 {dim = 0 : i64, kind = #tpu.reduction_kind<sum>} : vector<16xi1> -> vector<16xi32>
        %add3A_1166 = arith.addi %add3A_1163, %all_reduce_population_count3A_1165 : vector<16xi32>
        %lt3A_1167 = arith.cmpi slt, %select_n3A_251, %or3A_1133 : vector<16xi32>
        %all_reduce_population_count3A_1168 = tpu.all_reduce %lt3A_1167 {dim = 0 : i64, kind = #tpu.reduction_kind<sum>} : vector<16xi1> -> vector<16xi32>
        %add3A_1169 = arith.addi %add3A_1166, %all_reduce_population_count3A_1168 : vector<16xi32>
        %ge3A_1170 = vector.broadcast %cond3A_96 : i32 to vector<16xi32>
        %ge3A_1171 = arith.cmpi sge, %add3A_1169, %ge3A_1170 : vector<16xi32>
        %select_n3A_1172 = arith.select %ge3A_1171, %select_n3A_1130, %or3A_1133 : vector<16xi1>, vector<16xi32>
        %or3A_1173 = arith.constant 1 : i32
        %or3A_1174 = vector.broadcast %or3A_1173 : i32 to vector<16xi32>
        %or3A_1175 = arith.ori %select_n3A_1172, %or3A_1174 : vector<16xi32>
        %lt3A_1176 = arith.cmpi slt, %select_n3A_130, %or3A_1175 : vector<16xi32>
        %all_reduce_population_count3A_1177 = tpu.all_reduce %lt3A_1176 {dim = 0 : i64, kind = #tpu.reduction_kind<sum>} : vector<16xi1> -> vector<16xi32>
        %add3A_1178 = arith.addi %broadcast_in_dim3A_50, %all_reduce_population_count3A_1177 : vector<16xi32>
        %lt3A_1179 = arith.cmpi slt, %select_n3A_141, %or3A_1175 : vector<16xi32>
        %all_reduce_population_count3A_1180 = tpu.all_reduce %lt3A_1179 {dim = 0 : i64, kind = #tpu.reduction_kind<sum>} : vector<16xi1> -> vector<16xi32>
        %add3A_1181 = arith.addi %add3A_1178, %all_reduce_population_count3A_1180 : vector<16xi32>
        %lt3A_1182 = arith.cmpi slt, %select_n3A_152, %or3A_1175 : vector<16xi32>
        %all_reduce_population_count3A_1183 = tpu.all_reduce %lt3A_1182 {dim = 0 : i64, kind = #tpu.reduction_kind<sum>} : vector<16xi1> -> vector<16xi32>
        %add3A_1184 = arith.addi %add3A_1181, %all_reduce_population_count3A_1183 : vector<16xi32>
        %lt3A_1185 = arith.cmpi slt, %select_n3A_163, %or3A_1175 : vector<16xi32>
        %all_reduce_population_count3A_1186 = tpu.all_reduce %lt3A_1185 {dim = 0 : i64, kind = #tpu.reduction_kind<sum>} : vector<16xi1> -> vector<16xi32>
        %add3A_1187 = arith.addi %add3A_1184, %all_reduce_population_count3A_1186 : vector<16xi32>
        %lt3A_1188 = arith.cmpi slt, %select_n3A_174, %or3A_1175 : vector<16xi32>
        %all_reduce_population_count3A_1189 = tpu.all_reduce %lt3A_1188 {dim = 0 : i64, kind = #tpu.reduction_kind<sum>} : vector<16xi1> -> vector<16xi32>
        %add3A_1190 = arith.addi %add3A_1187, %all_reduce_population_count3A_1189 : vector<16xi32>
        %lt3A_1191 = arith.cmpi slt, %select_n3A_185, %or3A_1175 : vector<16xi32>
        %all_reduce_population_count3A_1192 = tpu.all_reduce %lt3A_1191 {dim = 0 : i64, kind = #tpu.reduction_kind<sum>} : vector<16xi1> -> vector<16xi32>
        %add3A_1193 = arith.addi %add3A_1190, %all_reduce_population_count3A_1192 : vector<16xi32>
        %lt3A_1194 = arith.cmpi slt, %select_n3A_196, %or3A_1175 : vector<16xi32>
        %all_reduce_population_count3A_1195 = tpu.all_reduce %lt3A_1194 {dim = 0 : i64, kind = #tpu.reduction_kind<sum>} : vector<16xi1> -> vector<16xi32>
        %add3A_1196 = arith.addi %add3A_1193, %all_reduce_population_count3A_1195 : vector<16xi32>
        %lt3A_1197 = arith.cmpi slt, %select_n3A_207, %or3A_1175 : vector<16xi32>
        %all_reduce_population_count3A_1198 = tpu.all_reduce %lt3A_1197 {dim = 0 : i64, kind = #tpu.reduction_kind<sum>} : vector<16xi1> -> vector<16xi32>
        %add3A_1199 = arith.addi %add3A_1196, %all_reduce_population_count3A_1198 : vector<16xi32>
        %lt3A_1200 = arith.cmpi slt, %select_n3A_218, %or3A_1175 : vector<16xi32>
        %all_reduce_population_count3A_1201 = tpu.all_reduce %lt3A_1200 {dim = 0 : i64, kind = #tpu.reduction_kind<sum>} : vector<16xi1> -> vector<16xi32>
        %add3A_1202 = arith.addi %add3A_1199, %all_reduce_population_count3A_1201 : vector<16xi32>
        %lt3A_1203 = arith.cmpi slt, %select_n3A_229, %or3A_1175 : vector<16xi32>
        %all_reduce_population_count3A_1204 = tpu.all_reduce %lt3A_1203 {dim = 0 : i64, kind = #tpu.reduction_kind<sum>} : vector<16xi1> -> vector<16xi32>
        %add3A_1205 = arith.addi %add3A_1202, %all_reduce_population_count3A_1204 : vector<16xi32>
        %lt3A_1206 = arith.cmpi slt, %select_n3A_240, %or3A_1175 : vector<16xi32>
        %all_reduce_population_count3A_1207 = tpu.all_reduce %lt3A_1206 {dim = 0 : i64, kind = #tpu.reduction_kind<sum>} : vector<16xi1> -> vector<16xi32>
        %add3A_1208 = arith.addi %add3A_1205, %all_reduce_population_count3A_1207 : vector<16xi32>
        %lt3A_1209 = arith.cmpi slt, %select_n3A_251, %or3A_1175 : vector<16xi32>
        %all_reduce_population_count3A_1210 = tpu.all_reduce %lt3A_1209 {dim = 0 : i64, kind = #tpu.reduction_kind<sum>} : vector<16xi1> -> vector<16xi32>
        %add3A_1211 = arith.addi %add3A_1208, %all_reduce_population_count3A_1210 : vector<16xi32>
        %ge3A_1212 = vector.broadcast %cond3A_96 : i32 to vector<16xi32>
        %ge3A_1213 = arith.cmpi sge, %add3A_1211, %ge3A_1212 : vector<16xi32>
        %select_n3A_1214 = arith.select %ge3A_1213, %select_n3A_1172, %or3A_1175 : vector<16xi1>, vector<16xi32>
        %lt3A_1215 = arith.cmpi slt, %select_n3A_130, %select_n3A_1214 : vector<16xi32>
        %bitcast_convert_type3A_1216 = tpu.bitcast %select_n3A_130 : vector<16xi32> -> vector<16xf32>
        %select_n3A_1217 = arith.select %lt3A_1215, %bitcast_convert_type3A_1216, %broadcast_in_dim3A_52 : vector<16xi1>, vector<16xf32>
        %add3A_1218 = arith.addf %broadcast_in_dim3A_52, %select_n3A_1217 : vector<16xf32>
        %all_reduce_population_count3A_1219 = tpu.all_reduce %lt3A_1215 {dim = 0 : i64, kind = #tpu.reduction_kind<sum>} : vector<16xi1> -> vector<16xi32>
        %add3A_1220 = arith.addi %broadcast_in_dim3A_50, %all_reduce_population_count3A_1219 : vector<16xi32>
        %lt3A_1221 = arith.cmpi slt, %select_n3A_141, %select_n3A_1214 : vector<16xi32>
        %bitcast_convert_type3A_1222 = tpu.bitcast %select_n3A_141 : vector<16xi32> -> vector<16xf32>
        %select_n3A_1223 = arith.select %lt3A_1221, %bitcast_convert_type3A_1222, %broadcast_in_dim3A_52 : vector<16xi1>, vector<16xf32>
        %add3A_1224 = arith.addf %add3A_1218, %select_n3A_1223 : vector<16xf32>
        %all_reduce_population_count3A_1225 = tpu.all_reduce %lt3A_1221 {dim = 0 : i64, kind = #tpu.reduction_kind<sum>} : vector<16xi1> -> vector<16xi32>
        %add3A_1226 = arith.addi %add3A_1220, %all_reduce_population_count3A_1225 : vector<16xi32>
        %lt3A_1227 = arith.cmpi slt, %select_n3A_152, %select_n3A_1214 : vector<16xi32>
        %bitcast_convert_type3A_1228 = tpu.bitcast %select_n3A_152 : vector<16xi32> -> vector<16xf32>
        %select_n3A_1229 = arith.select %lt3A_1227, %bitcast_convert_type3A_1228, %broadcast_in_dim3A_52 : vector<16xi1>, vector<16xf32>
        %add3A_1230 = arith.addf %add3A_1224, %select_n3A_1229 : vector<16xf32>
        %all_reduce_population_count3A_1231 = tpu.all_reduce %lt3A_1227 {dim = 0 : i64, kind = #tpu.reduction_kind<sum>} : vector<16xi1> -> vector<16xi32>
        %add3A_1232 = arith.addi %add3A_1226, %all_reduce_population_count3A_1231 : vector<16xi32>
        %lt3A_1233 = arith.cmpi slt, %select_n3A_163, %select_n3A_1214 : vector<16xi32>
        %bitcast_convert_type3A_1234 = tpu.bitcast %select_n3A_163 : vector<16xi32> -> vector<16xf32>
        %select_n3A_1235 = arith.select %lt3A_1233, %bitcast_convert_type3A_1234, %broadcast_in_dim3A_52 : vector<16xi1>, vector<16xf32>
        %add3A_1236 = arith.addf %add3A_1230, %select_n3A_1235 : vector<16xf32>
        %all_reduce_population_count3A_1237 = tpu.all_reduce %lt3A_1233 {dim = 0 : i64, kind = #tpu.reduction_kind<sum>} : vector<16xi1> -> vector<16xi32>
        %add3A_1238 = arith.addi %add3A_1232, %all_reduce_population_count3A_1237 : vector<16xi32>
        %lt3A_1239 = arith.cmpi slt, %select_n3A_174, %select_n3A_1214 : vector<16xi32>
        %bitcast_convert_type3A_1240 = tpu.bitcast %select_n3A_174 : vector<16xi32> -> vector<16xf32>
        %select_n3A_1241 = arith.select %lt3A_1239, %bitcast_convert_type3A_1240, %broadcast_in_dim3A_52 : vector<16xi1>, vector<16xf32>
        %add3A_1242 = arith.addf %add3A_1236, %select_n3A_1241 : vector<16xf32>
        %all_reduce_population_count3A_1243 = tpu.all_reduce %lt3A_1239 {dim = 0 : i64, kind = #tpu.reduction_kind<sum>} : vector<16xi1> -> vector<16xi32>
        %add3A_1244 = arith.addi %add3A_1238, %all_reduce_population_count3A_1243 : vector<16xi32>
        %lt3A_1245 = arith.cmpi slt, %select_n3A_185, %select_n3A_1214 : vector<16xi32>
        %bitcast_convert_type3A_1246 = tpu.bitcast %select_n3A_185 : vector<16xi32> -> vector<16xf32>
        %select_n3A_1247 = arith.select %lt3A_1245, %bitcast_convert_type3A_1246, %broadcast_in_dim3A_52 : vector<16xi1>, vector<16xf32>
        %add3A_1248 = arith.addf %add3A_1242, %select_n3A_1247 : vector<16xf32>
        %all_reduce_population_count3A_1249 = tpu.all_reduce %lt3A_1245 {dim = 0 : i64, kind = #tpu.reduction_kind<sum>} : vector<16xi1> -> vector<16xi32>
        %add3A_1250 = arith.addi %add3A_1244, %all_reduce_population_count3A_1249 : vector<16xi32>
        %lt3A_1251 = arith.cmpi slt, %select_n3A_196, %select_n3A_1214 : vector<16xi32>
        %bitcast_convert_type3A_1252 = tpu.bitcast %select_n3A_196 : vector<16xi32> -> vector<16xf32>
        %select_n3A_1253 = arith.select %lt3A_1251, %bitcast_convert_type3A_1252, %broadcast_in_dim3A_52 : vector<16xi1>, vector<16xf32>
        %add3A_1254 = arith.addf %add3A_1248, %select_n3A_1253 : vector<16xf32>
        %all_reduce_population_count3A_1255 = tpu.all_reduce %lt3A_1251 {dim = 0 : i64, kind = #tpu.reduction_kind<sum>} : vector<16xi1> -> vector<16xi32>
        %add3A_1256 = arith.addi %add3A_1250, %all_reduce_population_count3A_1255 : vector<16xi32>
        %lt3A_1257 = arith.cmpi slt, %select_n3A_207, %select_n3A_1214 : vector<16xi32>
        %bitcast_convert_type3A_1258 = tpu.bitcast %select_n3A_207 : vector<16xi32> -> vector<16xf32>
        %select_n3A_1259 = arith.select %lt3A_1257, %bitcast_convert_type3A_1258, %broadcast_in_dim3A_52 : vector<16xi1>, vector<16xf32>
        %add3A_1260 = arith.addf %add3A_1254, %select_n3A_1259 : vector<16xf32>
        %all_reduce_population_count3A_1261 = tpu.all_reduce %lt3A_1257 {dim = 0 : i64, kind = #tpu.reduction_kind<sum>} : vector<16xi1> -> vector<16xi32>
        %add3A_1262 = arith.addi %add3A_1256, %all_reduce_population_count3A_1261 : vector<16xi32>
        %lt3A_1263 = arith.cmpi slt, %select_n3A_218, %select_n3A_1214 : vector<16xi32>
        %bitcast_convert_type3A_1264 = tpu.bitcast %select_n3A_218 : vector<16xi32> -> vector<16xf32>
        %select_n3A_1265 = arith.select %lt3A_1263, %bitcast_convert_type3A_1264, %broadcast_in_dim3A_52 : vector<16xi1>, vector<16xf32>
        %add3A_1266 = arith.addf %add3A_1260, %select_n3A_1265 : vector<16xf32>
        %all_reduce_population_count3A_1267 = tpu.all_reduce %lt3A_1263 {dim = 0 : i64, kind = #tpu.reduction_kind<sum>} : vector<16xi1> -> vector<16xi32>
        %add3A_1268 = arith.addi %add3A_1262, %all_reduce_population_count3A_1267 : vector<16xi32>
        %lt3A_1269 = arith.cmpi slt, %select_n3A_229, %select_n3A_1214 : vector<16xi32>
        %bitcast_convert_type3A_1270 = tpu.bitcast %select_n3A_229 : vector<16xi32> -> vector<16xf32>
        %select_n3A_1271 = arith.select %lt3A_1269, %bitcast_convert_type3A_1270, %broadcast_in_dim3A_52 : vector<16xi1>, vector<16xf32>
        %add3A_1272 = arith.addf %add3A_1266, %select_n3A_1271 : vector<16xf32>
        %all_reduce_population_count3A_1273 = tpu.all_reduce %lt3A_1269 {dim = 0 : i64, kind = #tpu.reduction_kind<sum>} : vector<16xi1> -> vector<16xi32>
        %add3A_1274 = arith.addi %add3A_1268, %all_reduce_population_count3A_1273 : vector<16xi32>
        %lt3A_1275 = arith.cmpi slt, %select_n3A_240, %select_n3A_1214 : vector<16xi32>
        %bitcast_convert_type3A_1276 = tpu.bitcast %select_n3A_240 : vector<16xi32> -> vector<16xf32>
        %select_n3A_1277 = arith.select %lt3A_1275, %bitcast_convert_type3A_1276, %broadcast_in_dim3A_52 : vector<16xi1>, vector<16xf32>
        %add3A_1278 = arith.addf %add3A_1272, %select_n3A_1277 : vector<16xf32>
        %all_reduce_population_count3A_1279 = tpu.all_reduce %lt3A_1275 {dim = 0 : i64, kind = #tpu.reduction_kind<sum>} : vector<16xi1> -> vector<16xi32>
        %add3A_1280 = arith.addi %add3A_1274, %all_reduce_population_count3A_1279 : vector<16xi32>
        %lt3A_1281 = arith.cmpi slt, %select_n3A_251, %select_n3A_1214 : vector<16xi32>
        %bitcast_convert_type3A_1282 = tpu.bitcast %select_n3A_251 : vector<16xi32> -> vector<16xf32>
        %select_n3A_1283 = arith.select %lt3A_1281, %bitcast_convert_type3A_1282, %broadcast_in_dim3A_52 : vector<16xi1>, vector<16xf32>
        %add3A_1284 = arith.addf %add3A_1278, %select_n3A_1283 : vector<16xf32>
        %all_reduce_population_count3A_1285 = tpu.all_reduce %lt3A_1281 {dim = 0 : i64, kind = #tpu.reduction_kind<sum>} : vector<16xi1> -> vector<16xi32>
        %add3A_1286 = arith.addi %add3A_1280, %all_reduce_population_count3A_1285 : vector<16xi32>
        %reduce_sum3A = arith.constant true
        %reduce_sum3A_1287 = vector.broadcast %reduce_sum3A : i1 to vector<16xi1>
        %reduce_sum3A_1288 = tpu.scan <sum>, %add3A_1284 masked %reduce_sum3A_1287 : vector<16xf32>, vector<16xi1> -> vector<16xf32>
        %reduce_sum3A_1289 = vector.extract %reduce_sum3A_1288[15] : f32 from vector<16xf32>
        scf.yield %reduce_sum3A_1289, %add3A_1286, %select_n3A_1214 : f32, vector<16xi32>, vector<16xi32>
      } else {
        %reduce_max3A_123 = arith.constant true
        %reduce_max3A_124 = vector.broadcast %reduce_max3A_123 : i1 to vector<16xi1>
        %reduce_max3A_125 = arith.constant -2147483648 : i32
        %reduce_max3A_126 = vector.broadcast %reduce_max3A_125 : i32 to vector<16xi32>
        %reduce_max3A_127 = arith.xori %parallel_loop3A_80, %reduce_max3A_126 : vector<16xi32>
        %reduce_max3A_128 = tpu.scan <max>, %reduce_max3A_127 masked %reduce_max3A_124 : vector<16xi32>, vector<16xi1> -> vector<16xi32>
        %reduce_max3A_129 = arith.xori %reduce_max3A_128, %reduce_max3A_126 : vector<16xi32>
        %reduce_max3A_130 = vector.extract %reduce_max3A_129[15] : i32 from vector<16xi32>
        %scan3A_131 = arith.constant 0 : i32
        %scan3A_132 = arith.constant 23 : i32
        %scan3A_133 = arith.addi %scan3A_131, %scan3A_132 : i32
        %scan3A_134 = arith.constant 1 : i32
        %scan3A_135 = scf.for %scan3A_150 = %scan3A_131 to %scan3A_133 step %scan3A_134 iter_args(%scan3A_151 = %mul3A_93) -> (vector<16xi32>)  : i32 {
          %sub3A_152 = arith.constant 22 : i32
          %sub3A_153 = arith.subi %sub3A_152, %scan3A_150 : i32
          %shift_left3A_154 = arith.constant 1 : i32
          %shift_left3A_155 = arith.shli %shift_left3A_154, %sub3A_153 : i32
          %or3A = vector.broadcast %shift_left3A_155 : i32 to vector<16xi32>
          %or3A_156 = arith.ori %scan3A_151, %or3A : vector<16xi32>
          %while3A_157 = arith.constant 0 : i32
          %while3A_158 = arith.subi %reduce_max3A_130, %while3A_157 : i32
          %while3A_159 = arith.addi %while3A_157, %while3A_158 : i32
          %while3A_160 = arith.constant 1 : i32
          %while3A_161 = arith.divsi %while3A_158, %while3A_160 : i32
          %while3A_162 = arith.muli %while3A_161, %while3A_160 : i32
          %while3A_163 = arith.addi %while3A_157, %while3A_162 : i32
          %while3A_164 = arith.constant 1 : i32
          %while3A_165 = scf.for %while3A_170 = %while3A_157 to %while3A_163 step %while3A_164 iter_args(%while3A_171 = %broadcast_in_dim3A_50) -> (vector<16xi32>)  : i32 {
            %add3A_172 = vector.broadcast %while3A_170 : i32 to vector<16xi32>
            %add3A_173 = arith.addi %mul3A_55, %add3A_172 : vector<16xi32>
            %gather3A = tpu.vector_load_idx %arg5[%add3A_173] : memref<32768xf32, #tpu.memory_space<vmem>>[vector<16xi32>], vector<16xf32>,
            %bitcast_convert_type3A_174 = tpu.bitcast %gather3A : vector<16xf32> -> vector<16xi32>
            %lt3A_175 = vector.broadcast %while3A_170 : i32 to vector<16xi32>
            %lt3A_176 = arith.cmpi slt, %lt3A_175, %parallel_loop3A_80 : vector<16xi32>
            %lt3A_177 = arith.cmpi slt, %bitcast_convert_type3A_174, %or3A_156 : vector<16xi32>
            %and3A_178 = arith.andi %lt3A_176, %lt3A_177 : vector<16xi1>
            %all_reduce_population_count3A = tpu.all_reduce %and3A_178 {dim = 0 : i64, kind = #tpu.reduction_kind<sum>} : vector<16xi1> -> vector<16xi32>
            %add3A_179 = arith.addi %while3A_171, %all_reduce_population_count3A : vector<16xi32>
            scf.yield %add3A_179 : vector<16xi32>
          }
          %while3A_166 = arith.constant 1 : i32
          %while3A_167 = scf.for %while3A_170 = %while3A_163 to %while3A_159 step %while3A_166 iter_args(%while3A_171 = %while3A_165) -> (vector<16xi32>)  : i32 {
            %add3A_172 = vector.broadcast %while3A_170 : i32 to vector<16xi32>
            %add3A_173 = arith.addi %mul3A_55, %add3A_172 : vector<16xi32>
            %gather3A = tpu.vector_load_idx %arg5[%add3A_173] : memref<32768xf32, #tpu.memory_space<vmem>>[vector<16xi32>], vector<16xf32>,
            %bitcast_convert_type3A_174 = tpu.bitcast %gather3A : vector<16xf32> -> vector<16xi32>
            %lt3A_175 = vector.broadcast %while3A_170 : i32 to vector<16xi32>
            %lt3A_176 = arith.cmpi slt, %lt3A_175, %parallel_loop3A_80 : vector<16xi32>
            %lt3A_177 = arith.cmpi slt, %bitcast_convert_type3A_174, %or3A_156 : vector<16xi32>
            %and3A_178 = arith.andi %lt3A_176, %lt3A_177 : vector<16xi1>
            %all_reduce_population_count3A = tpu.all_reduce %and3A_178 {dim = 0 : i64, kind = #tpu.reduction_kind<sum>} : vector<16xi1> -> vector<16xi32>
            %add3A_179 = arith.addi %while3A_171, %all_reduce_population_count3A : vector<16xi32>
            scf.yield %add3A_179 : vector<16xi32>
          }
          %ge3A = vector.broadcast %cond3A_96 : i32 to vector<16xi32>
          %ge3A_168 = arith.cmpi sge, %while3A_167, %ge3A : vector<16xi32>
          %select_n3A_169 = arith.select %ge3A_168, %scan3A_151, %or3A_156 : vector<16xi1>, vector<16xi32>
          scf.yield %select_n3A_169 : vector<16xi32>
        }
        %scan3A_136 = arith.constant 23 : i32
        %while3A = arith.constant 0 : i32
        %while3A_137 = arith.subi %reduce_max3A_130, %while3A : i32
        %while3A_138 = arith.addi %while3A, %while3A_137 : i32
        %while3A_139 = arith.constant 1 : i32
        %while3A_140 = arith.divsi %while3A_137, %while3A_139 : i32
        %while3A_141 = arith.muli %while3A_140, %while3A_139 : i32
        %while3A_142 = arith.addi %while3A, %while3A_141 : i32
        %while3A_143 = arith.constant 1 : i32
        %while3A_144:2 = scf.for %while3A_150 = %while3A to %while3A_142 step %while3A_143 iter_args(%while3A_151 = %broadcast_in_dim3A_52, %while3A_152 = %broadcast_in_dim3A_50) -> (vector<16xf32>, vector<16xi32>)  : i32 {
          %add3A_153 = vector.broadcast %while3A_150 : i32 to vector<16xi32>
          %add3A_154 = arith.addi %mul3A_55, %add3A_153 : vector<16xi32>
          %gather3A = tpu.vector_load_idx %arg5[%add3A_154] : memref<32768xf32, #tpu.memory_space<vmem>>[vector<16xi32>], vector<16xf32>,
          %bitcast_convert_type3A_155 = tpu.bitcast %gather3A : vector<16xf32> -> vector<16xi32>
          %lt3A_156 = vector.broadcast %while3A_150 : i32 to vector<16xi32>
          %lt3A_157 = arith.cmpi slt, %lt3A_156, %parallel_loop3A_80 : vector<16xi32>
          %lt3A_158 = arith.cmpi slt, %bitcast_convert_type3A_155, %scan3A_135 : vector<16xi32>
          %and3A_159 = arith.andi %lt3A_157, %lt3A_158 : vector<16xi1>
          %select_n3A_160 = arith.select %and3A_159, %gather3A, %broadcast_in_dim3A_52 : vector<16xi1>, vector<16xf32>
          %add3A_161 = arith.addf %while3A_151, %select_n3A_160 : vector<16xf32>
          %all_reduce_population_count3A = tpu.all_reduce %and3A_159 {dim = 0 : i64, kind = #tpu.reduction_kind<sum>} : vector<16xi1> -> vector<16xi32>
          %add3A_162 = arith.addi %while3A_152, %all_reduce_population_count3A : vector<16xi32>
          scf.yield %add3A_161, %add3A_162 : vector<16xf32>, vector<16xi32>
        }
        %while3A_145 = arith.constant 1 : i32
        %while3A_146:2 = scf.for %while3A_150 = %while3A_142 to %while3A_138 step %while3A_145 iter_args(%while3A_151 = %while3A_144#0, %while3A_152 = %while3A_144#1) -> (vector<16xf32>, vector<16xi32>)  : i32 {
          %add3A_153 = vector.broadcast %while3A_150 : i32 to vector<16xi32>
          %add3A_154 = arith.addi %mul3A_55, %add3A_153 : vector<16xi32>
          %gather3A = tpu.vector_load_idx %arg5[%add3A_154] : memref<32768xf32, #tpu.memory_space<vmem>>[vector<16xi32>], vector<16xf32>,
          %bitcast_convert_type3A_155 = tpu.bitcast %gather3A : vector<16xf32> -> vector<16xi32>
          %lt3A_156 = vector.broadcast %while3A_150 : i32 to vector<16xi32>
          %lt3A_157 = arith.cmpi slt, %lt3A_156, %parallel_loop3A_80 : vector<16xi32>
          %lt3A_158 = arith.cmpi slt, %bitcast_convert_type3A_155, %scan3A_135 : vector<16xi32>
          %and3A_159 = arith.andi %lt3A_157, %lt3A_158 : vector<16xi1>
          %select_n3A_160 = arith.select %and3A_159, %gather3A, %broadcast_in_dim3A_52 : vector<16xi1>, vector<16xf32>
          %add3A_161 = arith.addf %while3A_151, %select_n3A_160 : vector<16xf32>
          %all_reduce_population_count3A = tpu.all_reduce %and3A_159 {dim = 0 : i64, kind = #tpu.reduction_kind<sum>} : vector<16xi1> -> vector<16xi32>
          %add3A_162 = arith.addi %while3A_152, %all_reduce_population_count3A : vector<16xi32>
          scf.yield %add3A_161, %add3A_162 : vector<16xf32>, vector<16xi32>
        }
        %reduce_sum3A = arith.constant true
        %reduce_sum3A_147 = vector.broadcast %reduce_sum3A : i1 to vector<16xi1>
        %reduce_sum3A_148 = tpu.scan <sum>, %while3A_146#0 masked %reduce_sum3A_147 : vector<16xf32>, vector<16xi1> -> vector<16xf32>
        %reduce_sum3A_149 = vector.extract %reduce_sum3A_148[15] : f32 from vector<16xf32>
        scf.yield %reduce_sum3A_149, %while3A_146#1, %scan3A_135 : f32, vector<16xi32>, vector<16xi32>
      }
      %bitcast_convert_type3A = tpu.bitcast %cond3A_99#2 : vector<16xi32> -> vector<16xf32>
      %sub3A = arith.constant 50 : i32
      %sub3A_100 = vector.broadcast %sub3A : i32 to vector<16xi32>
      %sub3A_101 = arith.subi %sub3A_100, %cond3A_99#1 : vector<16xi32>
      %convert_element_type3A_102 = arith.sitofp %sub3A_101 : vector<16xi32> to vector<16xf32>
      %mul3A_103 = arith.mulf %convert_element_type3A_102, %bitcast_convert_type3A : vector<16xf32>
      %add3A_104 = vector.broadcast %cond3A_99#0 : f32 to vector<16xf32>
      %add3A_105 = arith.addf %add3A_104, %mul3A_103 : vector<16xf32>
      %lt3A = arith.constant 2 : i32
      %lt3A_106 = arith.cmpi slt, %scan3A_33, %lt3A : i32
      %eq3A_107 = arith.constant 0 : i32
      %eq3A_108 = arith.cmpi eq, %and3A_36, %eq3A_107 : i32
      %and3A_109 = arith.andi %lt3A_106, %eq3A_108 : i1
      %convert_element_type3A_110 = arith.extui %and3A_109 : i1 to i32
      %cond3A_111 = arith.constant 0 : i32
      %cond3A_112 = arith.cmpi ne, %convert_element_type3A_110, %cond3A_111 : i32
      scf.if %cond3A_112 {
        %add3A_123 = arith.constant 2 : i32
        %add3A_124 = arith.addi %add3A_35, %add3A_123 : i32
        %dma_start3A_125 = arith.constant 0 : i32
        %dma_start3A_126 = tpu.memref_slice %arg4[%dma_start3A_125] : memref<65536xf32, #tpu.memory_space<vmem>> -> memref<32768xf32, #tpu.memory_space<vmem>>
        %dma_start3A_127 = arith.constant 0 : i32
        %dma_start3A_128 = tpu.memref_slice %arg2[%add3A_124, %dma_start3A_127] : memref<128x32768xf32, #tpu.memory_space<hbm>> -> memref<1x32768xf32, #tpu.memory_space<hbm>>
        %dma_start3A_129 = tpu.memref_squeeze %dma_start3A_128 : memref<1x32768xf32, #tpu.memory_space<hbm>> -> memref<32768xf32, #tpu.memory_space<hbm>>
        %dma_start3A_130 = arith.constant 0 : i32
        %dma_start3A_131 = tpu.memref_slice %arg4[%dma_start3A_130] : memref<65536xf32, #tpu.memory_space<vmem>> -> memref<32768xf32, #tpu.memory_space<vmem>>
        %dma_start3A_132 = arith.constant 0 : i32
        %dma_start3A_133 = tpu.memref_slice %arg2[%add3A_124, %dma_start3A_132] : memref<128x32768xf32, #tpu.memory_space<hbm>> -> memref<1x32768xf32, #tpu.memory_space<hbm>>
        %dma_start3A_134 = tpu.memref_squeeze %dma_start3A_133 : memref<1x32768xf32, #tpu.memory_space<hbm>> -> memref<32768xf32, #tpu.memory_space<hbm>>
        tpu.enqueue_dma source(%dma_start3A_134 : memref<32768xf32, #tpu.memory_space<hbm>>) target(%dma_start3A_131 : memref<32768xf32, #tpu.memory_space<vmem>>) target_semaphore(%arg9 : memref<!tpu.dma_semaphore, #tpu.memory_space<semaphore_mem>>)
      } else {
      }
      %lt3A_113 = arith.constant 2 : i32
      %lt3A_114 = arith.cmpi slt, %scan3A_33, %lt3A_113 : i32
      %eq3A_115 = arith.constant 1 : i32
      %eq3A_116 = arith.cmpi eq, %and3A_36, %eq3A_115 : i32
      %and3A_117 = arith.andi %lt3A_114, %eq3A_116 : i1
      %convert_element_type3A_118 = arith.extui %and3A_117 : i1 to i32
      %cond3A_119 = arith.constant 0 : i32
      %cond3A_120 = arith.cmpi ne, %convert_element_type3A_118, %cond3A_119 : i32
      scf.if %cond3A_120 {
        %add3A_123 = arith.constant 2 : i32
        %add3A_124 = arith.addi %add3A_35, %add3A_123 : i32
        %dma_start3A_125 = arith.constant 32768 : i32
        %dma_start3A_126 = tpu.memref_slice %arg4[%dma_start3A_125] : memref<65536xf32, #tpu.memory_space<vmem>> -> memref<32768xf32, #tpu.memory_space<vmem>>
        %dma_start3A_127 = arith.constant 0 : i32
        %dma_start3A_128 = tpu.memref_slice %arg2[%add3A_124, %dma_start3A_127] : memref<128x32768xf32, #tpu.memory_space<hbm>> -> memref<1x32768xf32, #tpu.memory_space<hbm>>
        %dma_start3A_129 = tpu.memref_squeeze %dma_start3A_128 : memref<1x32768xf32, #tpu.memory_space<hbm>> -> memref<32768xf32, #tpu.memory_space<hbm>>
        %dma_start3A_130 = arith.constant 32768 : i32
        %dma_start3A_131 = tpu.memref_slice %arg4[%dma_start3A_130] : memref<65536xf32, #tpu.memory_space<vmem>> -> memref<32768xf32, #tpu.memory_space<vmem>>
        %dma_start3A_132 = arith.constant 0 : i32
        %dma_start3A_133 = tpu.memref_slice %arg2[%add3A_124, %dma_start3A_132] : memref<128x32768xf32, #tpu.memory_space<hbm>> -> memref<1x32768xf32, #tpu.memory_space<hbm>>
        %dma_start3A_134 = tpu.memref_squeeze %dma_start3A_133 : memref<1x32768xf32, #tpu.memory_space<hbm>> -> memref<32768xf32, #tpu.memory_space<hbm>>
        tpu.enqueue_dma source(%dma_start3A_134 : memref<32768xf32, #tpu.memory_space<hbm>>) target(%dma_start3A_131 : memref<32768xf32, #tpu.memory_space<vmem>>) target_semaphore(%arg10 : memref<!tpu.dma_semaphore, #tpu.memory_space<semaphore_mem>>)
      } else {
      }
      %eq3A_121 = vector.broadcast %scan3A_33 : i32 to vector<16xi32>
      %eq3A_122 = arith.cmpi eq, %iota3A, %eq3A_121 : vector<16xi32>
      %select_n3A = arith.select %eq3A_122, %add3A_105, %scan3A_34 : vector<16xi1>, vector<16xf32>
      scf.yield %select_n3A : vector<16xf32>
    }
    %scan3A_31 = arith.constant 4 : i32
    %swap3A = arith.constant 0 : index
    %swap3A_32 = tpu.vector_load %arg8[%swap3A] {strides = array<i32>} : memref<16xf32, #tpu.memory_space<vmem>>, vector<16xf32>,
    tpu.vector_store %arg8[%swap3A], %scan3A_30 {strides = array<i32>} : memref<16xf32, #tpu.memory_space<vmem>>, vector<16xf32>,
    "tpu.region"() ({
      %run_scoped3A = tpu.sem_alloc : memref<!tpu.dma_semaphore, #tpu.memory_space<semaphore_mem>>
      %dma_start3A_33 = arith.constant 0 : i32
      %dma_start3A_34 = tpu.memref_slice %arg3[%add3A, %dma_start3A_33] : memref<32x16xf32, #tpu.memory_space<hbm>> -> memref<1x16xf32, #tpu.memory_space<hbm>>
      %dma_start3A_35 = tpu.memref_squeeze %dma_start3A_34 : memref<1x16xf32, #tpu.memory_space<hbm>> -> memref<16xf32, #tpu.memory_space<hbm>>
      %dma_start3A_36 = arith.constant 0 : i32
      %dma_start3A_37 = tpu.memref_slice %arg3[%add3A, %dma_start3A_36] : memref<32x16xf32, #tpu.memory_space<hbm>> -> memref<1x16xf32, #tpu.memory_space<hbm>>
      %dma_start3A_38 = tpu.memref_squeeze %dma_start3A_37 : memref<1x16xf32, #tpu.memory_space<hbm>> -> memref<16xf32, #tpu.memory_space<hbm>>
      tpu.enqueue_dma source(%arg8 : memref<16xf32, #tpu.memory_space<vmem>>) target(%dma_start3A_38 : memref<16xf32, #tpu.memory_space<hbm>>) target_semaphore(%run_scoped3A : memref<!tpu.dma_semaphore, #tpu.memory_space<semaphore_mem>>)
      %dma_wait3A = arith.constant 0 : i32
      %dma_wait3A_39 = tpu.memref_slice %arg3[%add3A, %dma_wait3A] : memref<32x16xf32, #tpu.memory_space<hbm>> -> memref<1x16xf32, #tpu.memory_space<hbm>>
      %dma_wait3A_40 = tpu.memref_squeeze %dma_wait3A_39 : memref<1x16xf32, #tpu.memory_space<hbm>> -> memref<16xf32, #tpu.memory_space<hbm>>
      %dma_wait3A_41 = arith.constant 0 : i32
      %dma_wait3A_42 = tpu.memref_slice %arg3[%add3A, %dma_wait3A_41] : memref<32x16xf32, #tpu.memory_space<hbm>> -> memref<1x16xf32, #tpu.memory_space<hbm>>
      %dma_wait3A_43 = tpu.memref_squeeze %dma_wait3A_42 : memref<1x16xf32, #tpu.memory_space<hbm>> -> memref<16xf32, #tpu.memory_space<hbm>>
      tpu.wait_dma2 semaphore(%run_scoped3A : memref<!tpu.dma_semaphore, #tpu.memory_space<semaphore_mem>>) src(%arg8 : memref<16xf32, #tpu.memory_space<vmem>>) dst(%dma_wait3A_43 : memref<16xf32, #tpu.memory_space<hbm>>)
      tpu.yield
    }) : () -> ()
    return
  }
}

</mosaic_0001>

<sc_bundles>
// kernel: kernel.3.cloned.1.call-start
scs
__scs_entry_jumppad:
0x0: {  	(pc) =	sbr.rel $0x88, $3  }
0x1: {  	(tag) =	ssettag $0x0;
	lr =	simm.s32 $0x1  }
0x2: {  	[smem:$0x3FA0] =	sst lr;
	_ =	strace $0xD0000000  }
0x3: {  	_ = 	snop  }
0x4: {  	_ = 	snop  }
0x5: {  	_ = 	snop  }
0x6: {  	_ = 	snop  }
0x7: {  	_ = 	snop  }
__scs_overlays_trampoline_lowered:
0x8: {  	[smem:$0x3FAF] =	sst s0  }
0x9: {  	[smem:$0x3FB0] =	sst s1  }
0xa: {  	[smem:$0x3FB1] =	sst s2  }
0xb: {  	[smem:$0x3FB2] =	sst s3  }
0xc: {  	[smem:$0x3FB3] =	sst s4  }
0xd: {  	[smem:$0x3FB4] =	sst s5  }
0xe: {  	[smem:$0x3FB5] =	sst s6  }
0xf: {  	[smem:$0x3FB6] =	sst s7  }
0x10: {  	[smem:$0x3FB7] =	sst s8  }
0x11: {  	[smem:$0x3FB8] =	sst s9;
	s0 =	simm.s32 @!p0 $0x0  }
0x12: {  	s1 =	sld [smem:$0x3F9E];
	s0 =	simm.s32 @p0 $0x1  }
0x13: {  	[smem:$0x3FB9] =	sst s0;
	s0 =	simm.s32 @!p1 $0x0  }
0x14: {  	s2 =	sld [smem:$0x3F9D];
	s0 =	simm.s32 @p1 $0x1  }
0x15: {  	[smem:$0x3FBA] =	sst s0;
	s0 =	simm.s32 @!p2 $0x0  }
0x16: {  	s3 =	sld [smem:$0x3FDB];
	s0 =	simm.s32 @p2 $0x1  }
0x17: {  	s4 =	simm.s32 $0x1BF5;
	[smem:$0x3FBC] =	sst s0  }
0x18: {  	s0 =	sld [smem:$0x3F9F];
	_ =	swait.ge [sflag:s4], $0x0  }
0x19: {  	s7 =	sld [smem:$0x3FA0]  }
0x1a: {  	s8 =	sadd.s32 $0xFFFFE003, lr  }
0x1b: {  	s9 =	sadd.s32 $0xFFFFFEF7, lr;
	s5 =	simm.s32 $0xFFFFFFFF;
	p2 =	slt.u32 s8, $0xFFFFF086  }
0x1c: {  	p1 =	slt.u32 s9, $0xF7A;
	s5 =	simm.s32 @!p2 $0x0  }
0x1d: {  	s5 =	simm.s32 @p1 $0x1;
	p0 =	seq.s32 s7, s2  }
0x1e: {  	s7 =	smul.u32 @!p0 $0xF7A, s2;
	p2 =	seq.s32 @!p0 s5, $0x0  }
0x1f: {  	s9 =	smul.u32 $0xF7A, s1;
	s8 =	simm.s32 @!p0 $0x1BF5;
	p2 =	por !p2, p0  }
0x20: {  	[sflag:s8] =	ssyncset.s32 @!p0 $0xFFFFF086;
	s6 =	sadd.s32 @!p0 s3, s7;
	s7 =	simm.s32 @!p0 $0x108  }
0x21: {  	s3 =	sadd.s32 s3, s9;
	s6 =	sadd.s32 @!p0 $0x88, s6;
	s7 =	simm.s32 @p2 $0x1082  }
0x22: {  	[simem:s7], [sflag:s8] =	dma.local @!p0 [hbm:s6], $0xF7A  }
0x23: {  	s9 =	sor.u32 $0xD0000000, s2;
	s6 =	simm.s32 $0x108;
	_ =	swait.ge @!p0 [sflag:s8], $0x0  }
0x24: {  	s3 =	sadd.s32 $0x88, s3;
	s6 =	simm.s32 @!p1 $0x1082;
	[sflag:s4] =	ssyncset.s32 $0xFFFFF086  }
0x25: {  	[simem:s6], [sflag:s4] =	dma.local [hbm:s3], $0xF7A  }
0x26: {  	[smem:$0x3FA0] =	sst s1;
	(tag) =	ssettag s2;
	_ =	strace s9  }
0x27: {  	s1 =	sld [smem:$0x3FB0]  }
0x28: {  	s2 =	sld [smem:$0x3FB1]  }
0x29: {  	s4 =	sld [smem:$0x3FB3]  }
0x2a: {  	p0 =	seq.s32 s5, $0x0;
	s5 =	sld [smem:$0x3FB4]  }
0x2b: {  	s6 =	sld [smem:$0x3FB5]  }
0x2c: {  	s7 =	sld [smem:$0x3FB6]  }
0x2d: {  	s3 =	simm.s32 $0x108;
	s8 =	sld [smem:$0x3FB7]  }
0x2e: {  	s3 =	simm.s32 @!p0 $0x1082;
	s9 =	sld [smem:$0x3FB8]  }
0x2f: {  	lr =	sadd.s32 s0, s3;
	s0 =	sld [smem:$0x3FAF]  }
0x30: {  	s3 =	sld [smem:$0x3FB2]  }
0x31: {  	[smem:$0x3FBB] =	sst s10  }
0x32: {  	s10 =	sld [smem:$0x3FB9];
	_ =	sdelay $0x3  }
0x33: {  	p0 =	seq.s32 s10, $0x1;
	s10 =	sld [smem:$0x3FBB];
	_ =	sdelay $0x3  }
0x34: {  	[smem:$0x3FBB] =	sst s10  }
0x35: {  	s10 =	sld [smem:$0x3FBA];
	_ =	sdelay $0x3  }
0x36: {  	p1 =	seq.s32 s10, $0x1;
	s10 =	sld [smem:$0x3FBB];
	_ =	sdelay $0x3  }
0x37: {  	[smem:$0x3FBB] =	sst s10  }
0x38: {  	s10 =	sld [smem:$0x3FBC]  }
0x39: {  	_ = 	snop;
	(pc) =	sbr.ind lr, $3  }
0x3a: {  	_ = 	snop  }
0x3b: {  	_ = 	snop  }
0x3c: {  	p2 =	seq.s32 s10, $0x1;
	s10 =	sld [smem:$0x3FBB]  }
0x3d: {  	_ =	shalt  }
0x3e: {  	_ =	shalt  }
0x3f: {  	_ =	shalt  }
0x40: {  	_ =	shalt  }
0x41: {  	_ =	shalt  }
0x42: {  	_ =	shalt  }
0x43: {  	_ =	shalt  }
0x44: {  	_ =	shalt  }
0x45: {  	_ =	shalt  }
0x46: {  	_ =	shalt  }
0x47: {  	_ =	shalt  }
0x48: {  	_ =	shalt  }
0x49: {  	_ =	shalt  }
0x4a: {  	_ =	shalt  }
0x4b: {  	_ =	shalt  }
0x4c: {  	_ =	shalt  }
0x4d: {  	_ =	shalt  }
0x4e: {  	_ =	shalt  }
0x4f: {  	_ =	shalt  }
0x50: {  	_ =	shalt  }
0x51: {  	_ =	shalt  }
0x52: {  	_ =	shalt  }
0x53: {  	_ =	shalt  }
0x54: {  	_ =	shalt  }
0x55: {  	_ =	shalt  }
0x56: {  	_ =	shalt  }
0x57: {  	_ =	shalt  }
0x58: {  	_ =	shalt  }
0x59: {  	_ =	shalt  }
0x5a: {  	_ =	shalt  }
0x5b: {  	_ =	shalt  }
0x5c: {  	_ =	shalt  }
0x5d: {  	_ =	shalt  }
0x5e: {  	_ =	shalt  }
0x5f: {  	_ =	shalt  }
0x60: {  	_ =	shalt  }
0x61: {  	_ =	shalt  }
0x62: {  	_ =	shalt  }
0x63: {  	_ =	shalt  }
0x64: {  	_ =	shalt  }
0x65: {  	_ =	shalt  }
0x66: {  	_ =	shalt  }
0x67: {  	_ =	shalt  }
0x68: {  	_ =	shalt  }
0x69: {  	_ =	shalt  }
0x6a: {  	_ =	shalt  }
0x6b: {  	_ =	shalt  }
0x6c: {  	_ =	shalt  }
0x6d: {  	_ =	shalt  }
0x6e: {  	_ =	shalt  }
0x6f: {  	_ =	shalt  }
0x70: {  	_ =	shalt  }
0x71: {  	_ =	shalt  }
0x72: {  	_ =	shalt  }
0x73: {  	_ =	shalt  }
0x74: {  	_ =	shalt  }
0x75: {  	_ =	shalt  }
0x76: {  	_ =	shalt  }
0x77: {  	_ =	shalt  }
0x78: {  	_ =	shalt  }
0x79: {  	_ =	shalt  }
0x7a: {  	_ =	shalt  }
0x7b: {  	_ =	shalt  }
0x7c: {  	_ =	shalt  }
0x7d: {  	_ =	shalt  }
0x7e: {  	_ =	shalt  }
0x7f: {  	_ =	shalt  }
0x80: {  	_ =	shalt  }
0x81: {  	_ =	shalt  }
0x82: {  	_ =	shalt  }
0x83: {  	_ =	shalt  }
0x84: {  	_ =	shalt  }
0x85: {  	_ =	shalt  }
0x86: {  	_ =	shalt  }
0x87: {  	_ =	shalt  }
.Lfunc_end0:
.L_simem_size_0:
called_computation_lowered:
.L_overlay_start_0:
0x88: {  	s2 =	sld [smem:$0x3FD9]  }
0x89: {  	s3 =	sld [smem:$0x3FFE];
	_ =	sdelay $0x1  }
0x8a: {  	s1 =	srdreg.scid  }
0x8b: {  	s0 =	sand.u32 $0x1, s1  }
0x8c: {  	s17 =	sshll.u32 s0, $0xA;
	s2 =	sadd.s32 s3, s2  }
0x8d: {  	s2 =	sadd.s32 s2, s17  }
0x8e: {  	[smem:$0x3FC7] =	sst s2  }
0x8f: {  	_ = 	snop  }
0x90: {  	s2 =	sld [smem:$0x3FC9];
	(tm) =	ssettm $0x1  }
0x91: {  	s18 =	sld [smem:$0x3FFB];
	_ =	sdelay $0x3  }
0x92: {  	_ =	strace s18  }
0x93: {  	s3 =	sld [smem:$0x3FFC];
	_ =	sdelay $0x3  }
0x94: {  	_ =	strace s3  }
0x95: {  	s3 =	sld [smem:$0x3FFD];
	_ =	sdelay $0x3  }
0x96: {  	_ =	strace s3  }
0x97: {  	_ =	strace $0x8FFFFFFF  }
0x98: {  	s19 =	sld [smem:$0x3FDB];
	_ =	sdelay $0x1  }
0x99: {  	s4 =	simm.s32 $_scs_section_size  }
0x9a: {  	s5 =	simm.s32 $_size__tile_overlayer_lowered;
	s6 =	simm.s32 $_tile_overlayer_lowered  }
0x9b: {  	s22 =	simm.s32 $0x1BFF;
	s21 =	sshll.u32 s6, $0x1;
	s3 =	sadd.s32 s4, s19  }
0x9c: {  	s7 =	simm.s32 $0x0;
	s20 =	sshll.u32 s5, $0x1;
	s5 =	sadd.s32 s21, s3  }
0x9d: {  	[timem:s7], [sflag:s22] =	dma.local [hbm:s5], s20  }
0x9e: {  	_ =	swait.ge [sflag:s22], s20  }
0x9f: {  	s4 =	ssub.s32 $0x0, s20;
	[sflag:s22] =	ssyncset.done $0x0  }
0xa0: {  	[sflag:s22] =	ssyncadd.s32 s4;
	_ =	sdelay $0x1  }
0xa1: {  	s23 =	simm.s32 $0x1B8B  }
0xa2: {  	_ =	swait.ge [sflag:s23], $0x1  }
0xa3: {  	[sflag:s23] =	ssyncset.done $0x0  }
0xa4: {  	s25 =	simm.s32 $0x1B8E;
	s24 =	sld [smem:$0x3FFE];
	[sflag:s23] =	ssyncadd.s32 $0xFFFFFFFF  }
0xa5: {  	s26 =	simm.s32 $execute0_lowered;
	[smem:$0x3FD2] =	sst s25  }
0xa6: {  	s5 =	sshll.u32 s26, $0x1;
	_ =	strace $0x80000046;
	[dreg:$0x1] =	wrdreg $0xFFFFFFFF  }
0xa7: {  	s28 =	simm.s32 $_size_execute0_lowered;
	s3 =	sadd.s32 s3, s5;
	[dreg:$0x0] =	wrdreg $0x0  }
0xa8: {  	s5 =	sshll.u32 s28, $0x1;
	[dreg:$0x2] =	wrdreg s3  }
0xa9: {  	[dreg:$0x3] =	wrdreg s5  }
0xaa: {  	[dreg:$0x4] =	wrdreg $0xC0  }
0xab: {  	_ =	task [dreg:s7], $0x5FFFF  }
0xac: {  	[dreg:$0x1] =	wrdreg $0xFFFFFFFF  }
0xad: {  	[dreg:$0x0] =	wrdreg $0x60  }
0xae: {  	[dreg:$0x2] =	wrdreg s2  }
0xaf: {  	[dreg:$0x3] =	wrdreg s24  }
0xb0: {  	[dreg:$0x4] =	wrdreg $0x9  }
0xb1: {  	_ =	task.clear_ibuf [dreg:s7], $0x5FFFF;
	_ =	strace $0x90000046  }
0xb2: {  	s29 =	simm.s32 $0x9;
	_ =	strace $0x80000048  }
0xb3: {  	_ =	swait.ge [sflag:s29], $0x1  }
0xb4: {  	[sflag:s29] =	ssyncadd.s32 $0xFFFFFFFF  }
0xb5: {  	_ =	strace $0x90000048  }
0xb6: {  	_ =	sfence  }
0xb7: {  	s30 =	sld [smem:$0x0];
	_ =	sdelay $0x2  }
0xb8: {  	s31 =	sshll.u32 s1, $0xD;
	s1 =	sshrl.u32 s1, $0x2  }
0xb9: {  	s3 =	sand.u32 $0x4000, s31;
	s1 =	sadd.s32 s1, s30  }
0xba: {  	s0 =	sor.u32 s3, s0;
	s1 =	sshll.u32 s1, $0x11  }
0xbb: {  	s0 =	sor.u32 s1, s0  }
0xbc: {  	s0 =	sadd.s32 $0x8F2B, s0  }
0xbd: {  	[sflag:s0] =	ssyncadd.remote.s32 $0x1  }
0xbe: {  	_ =	sfence.sel $0xFFFF  }
0xbf: {  	[dreg:$0x0] =	wrdreg $0xFFFFFFFF;
	(pc) =	sbr.abs _section_cstart, $3  }
0xc0: {  	[dreg:$0x1] =	wrdreg $0xFFFFFFFF  }
0xc1: {  	_ =	task.clear_ibuf [dreg:s7], $0x2FFFF;
	_ =	strace $0x9FFFFFFF  }
0xc2: {  	(tm) =	ssettm $0x7FFFFFFF  }
0xc3: {  	_ =	shalt  }
tec
execute0_lowered:
.L_overlay_start_1:
0x0: {  	(tag) =	ssettag $0x1  }
0x1: {  	s4 =	rddreg [dreg:$0x0]  }
0x2: {  	s6 =	rddreg [dreg:$0x1]  }
0x3: {  	s0 =	rddreg [dreg:$0x2]  }
0x4: {  	s2 =	simm.s32 $0x0;
	s3 =	srdreg.scid;
	s1 =	stileid.u32  }
0x5: {  	s11 =	simm.s32 $0x8000;
	s12 =	simm.s32 $0x18000;
	s13 =	simm.s32 $0x10000  }
0x6: {  	s14 =	simm.s32 $0x19100;
	s15 =	simm.s32 $0x3;
	s16 =	simm.s32 $0x400000  }
0x7: {  	s17 =	simm.s32 $0x0;
	[smem:$0x7FF] =	sst s2;
	s5 =	sand.u32 $0x1, s3  }
0x8: {  	v0 =	vlaneseq.u32;
	s8 =	sshll.u32 s1, $0xF;
	s31 =	sshll.u32 s1, $0x5;
	s3 =	ssub.s32 $0x2, s5  }
0x9: {  	v1 =	vmul.u32 $0x800, v0;
	s7 =	sshll.u32 s5, $0x6;
	_ =	strace $0x80000047;
	s30 =	sshll.u32 s5, $0x4  }
.Ltmp0:
0xa: {  	v2 =	vimm.s32 $0x0;
	v3 =	vimm.s32 $0x1;
	s9 =	sshrl.u32 s3, $0x1;
	s10 =	sor.u32 s7, s8;
	(pc) =	sbr.rel .LBB2_1-.Ltmp0, $4  }
0xb: {  	v4 =	vimm.f32 $0.0e+00;
	s8 =	sadd.s32 s4, s8;
	v5 =	vor.u32 $0x1, v1;
	v6 =	vor.u32 $0x2, v1;
	s9 =	ssub.s32 s3, s9;
	s3 =	sadd.s32 s4, s10  }
0xc: {  	v7 =	vor.u32 $0x3, v1;
	v8 =	vor.u32 $0x4, v1;
	v9 =	vor.u32 $0x5, v1;
	s7 =	sadd.s32 s7, s8;
	s8 =	sadd.s32 s6, s30;
	s10 =	simm.s32 $0x400  }
0xd: {  	v10 =	vor.u32 $0x6, v1;
	v11 =	vor.u32 $0x7, v1;
	v12 =	vor.u32 $0x8, v1;
	s4 =	sadd.s32 $0x10, s3;
	s5 =	sadd.s32 $0x30, s7;
	s6 =	sadd.s32 $0x20, s7  }
0xe: {  	v13 =	vor.u32 $0x9, v1;
	v14 =	vor.u32 $0xA, v1;
	v15 =	vor.u32 $0xB, v1;
	s7 =	sadd.s32 s31, s8;
	s8 =	smax.u32 s9, $0x1;
	s9 =	simm.s32 $0x80  }
.LBB2_33:
0xf: {  	s17 =	sadd.s32 $0x1, s17  }
0x10: {  	p0 =	sne.s32 s17, s8  }
.Ltmp1:
0x11: {  	[tilespmem:$0x19100] =	vst v16;
	(pc) =	sbr.rel @!p0 .LBB2_34-.Ltmp1, $4  }
0x12: {  	[hbm4b:s7+s2] =	stream.linear.scatter [tilespmem:s14], [sflag:$0x3], $0x80, $0x38;
	[tilespmem:$0x19180] =	vst v63  }
0x13: {  	_ =	swait.ge [sflag:s15], $0x80  }
0x14: {  	[sflag:s15] =	ssyncset.done $0x0  }
0x15: {  	[sflag:s15] =	ssyncadd.s32 $0xFFFFFF80  }
.LBB2_1:
0x16: {  	s18 =	simm.s32 $0x18040  }
0x17: {  	[tilespmem:s18+$0xFFFFFFC0] =	vst v2  }
0x18: {  	[tilespmem:s18+$0x30] =	vst v2  }
0x19: {  	[tilespmem:s18+$0x20] =	vst v2  }
0x1a: {  	[tilespmem:s18+$0x10] =	vst v2  }
0x1b: {  	[tilespmem:s18+$0x0] =	vst v2  }
0x1c: {  	[tilespmem:s18+$0xFFFFFFF0] =	vst v2  }
0x1d: {  	s19 =	simm.s32 $0x0;
	[tilespmem:s18+$0xFFFFFFE0] =	vst v2  }
.LBB2_2:
0x1e: {  	s19 =	sadd.s32 $0x8, s19;
	[tilespmem:s18+$0xFFFFFFD0] =	vst v2;
	s18 =	sadd.s32 $0x80, s18  }
0x1f: {  	[tilespmem:s18+$0xFFFFFFC0] =	vst v2;
	p0 =	slt.u32 s19, $0xF8  }
0x20: {  	[tilespmem:s18+$0x30] =	vst v2  }
.Ltmp2:
0x21: {  	[tilespmem:s18+$0x20] =	vst v2;
	(pc) =	sbr.rel @p0 .LBB2_2-.Ltmp2, $4  }
0x22: {  	[tilespmem:s18+$0x10] =	vst v2  }
0x23: {  	[tilespmem:s18+$0x0] =	vst v2  }
0x24: {  	[tilespmem:s18+$0xFFFFFFF0] =	vst v2  }
0x25: {  	[tilespmem:s18+$0xFFFFFFE0] =	vst v2  }
.Ltmp3:
0x26: {  	(pc) =	sbr.rel .LBB2_4-.Ltmp3, $4  }
0x27: {  	[tilespmem:s18+$0xFFFFFFD0] =	vst v2;
	s18 =	simm.s32 $0x0  }
0x28: {  	[tilespmem:s18], [sflag:$0x1] =	stream.strided.gather [hbm4b:s3+s9], $0x8000, s10, s9, $0x38;
	[tilespmem:$0x19180] =	vst v63  }
0x29: {  	p0 =	por $0x0, $0x0  }
0x2a: {  	v16 =	vimm.f32 $0.0e+00;
	[tilespmem:s11], [sflag:$0x2] =	stream.strided.gather [hbm4b:s4+s9], $0x8000, s10, s9, $0x38;
	[tilespmem:$0x19180] =	vst v63  }
.LBB2_35:
0x2b: {  	_ =	sdelay $0x3  }
0x2c: {  	v17 =	vld.idx.msk [tilespmem:v1+s13+$0x0], $0xffff  }
0x2d: {  	v19 =	vld.idx.msk [tilespmem:v5+s13+$0x0], $0xffff  }
0x2e: {  	v20 =	vld.idx.msk [tilespmem:v6+s13+$0x0], $0xffff  }
0x2f: {  	v21 =	vld.idx.msk [tilespmem:v7+s13+$0x0], $0xffff  }
0x30: {  	v22 =	vld.idx.msk [tilespmem:v8+s13+$0x0], $0xffff  }
0x31: {  	v23 =	vld.idx.msk [tilespmem:v9+s13+$0x0], $0xffff  }
0x32: {  	v30 =	vld.idx.msk [tilespmem:v10+s13+$0x0], $0xffff;
	vm0 =	vgt.s32 v18, $0x0;
	vm1 =	vgt.s32 v18, $0x1  }
0x33: {  	v31 =	vld.idx.msk [tilespmem:v11+s13+$0x0], $0xffff;
	vm10 =	vgt.s32 v18, $0x2;
	vm11 =	vgt.s32 v18, $0x3;
	vm12 =	vgt.s32 v18, $0x4  }
0x34: {  	v32 =	vld.idx.msk [tilespmem:v12+s13+$0x0], $0xffff;
	vm13 =	vgt.s32 v18, $0x5;
	vm14 =	vgt.s32 v18, $0x6;
	vm15 =	vgt.s32 v18, $0x7  }
0x35: {  	vm4 =	vgt.s32 v18, $0x8;
	vm5 =	vgt.s32 v18, $0x9;
	vm6 =	vgt.s32 v18, $0xA  }
0x36: {  	vm7 =	vgt.s32 v18, $0xB;
	v28 =	vnsel vm0, $0x7F800000, v17;
	v25 =	vnsel vm1, $0x7F800000, v19  }
0x37: {  	v26 =	vnsel vm10, $0x7F800000, v20;
	v24 =	vnsel vm12, $0x7F800000, v22;
	v22 =	vnsel vm14, $0x7F800000, v30;
	v30 =	vld.idx.msk [tilespmem:v15+s13+$0x0], $0xffff  }
0x38: {  	v27 =	vnsel vm11, $0x7F800000, v21;
	v21 =	vnsel vm15, $0x7F800000, v31;
	v31 =	vor.u32 $0x400000, v29  }
0x39: {  	v23 =	vnsel vm13, $0x7F800000, v23;
	v20 =	vnsel vm4, $0x7F800000, v32;
	vm8 =	vlt.s32 v28, v31  }
0x3a: {  	vm2 =	vlt.s32 v25, v31;
	vm9 =	vlt.s32 v26, v31;
	vm10 =	vlt.s32 v27, v31  }
0x3b: {  	vm11 =	vlt.s32 v24, v31;
	v54 =	vmpcnt.ones.xlane vm8;
	v55 =	vmpcnt.ones.xlane vm2  }
0x3c: {  	v17 =	vld.idx.msk [tilespmem:v13+s13+$0x0], $0xffff;
	vm12 =	vlt.s32 v23, v31;
	v18 =	vnsel vm7, $0x7F800000, v30;
	v30 =	vmpcnt.ones.xlane vm9  }
0x3d: {  	v33 =	vld.idx.msk [tilespmem:v14+s13+$0x0], $0xffff;
	vm13 =	vlt.s32 v22, v31;
	v56 =	vmpcnt.ones.xlane vm10;
	v32 =	vadd.s32 v54, v55  }
0x3e: {  	vm14 =	vlt.s32 v21, v31;
	v57 =	vmpcnt.ones.xlane vm11;
	v30 =	vadd.s32 v30, v32  }
0x3f: {  	vm15 =	vlt.s32 v20, v31;
	v58 =	vmpcnt.ones.xlane vm12;
	v30 =	vadd.s32 v56, v30  }
0x40: {  	v59 =	vmpcnt.ones.xlane vm13;
	v60 =	vmpcnt.ones.xlane vm14;
	v30 =	vadd.s32 v57, v30  }
0x41: {  	v61 =	vmpcnt.ones.xlane vm15;
	v19 =	vnsel vm5, $0x7F800000, v17;
	v30 =	vadd.s32 v58, v30  }
0x42: {  	v17 =	vnsel vm6, $0x7F800000, v33;
	vm4 =	vlt.s32 v19, v31;
	v30 =	vadd.s32 v59, v30  }
0x43: {  	vm5 =	vlt.s32 v17, v31;
	v62 =	vmpcnt.ones.xlane vm4;
	v30 =	vadd.s32 v60, v30  }
0x44: {  	vm6 =	vlt.s32 v18, v31;
	v63 =	vmpcnt.ones.xlane vm5;
	v30 =	vadd.s32 v61, v30  }
0x45: {  	v36 =	vmpcnt.ones.xlane vm6;
	v30 =	vadd.s32 v62, v30  }
0x46: {  	v30 =	vadd.s32 v63, v30  }
0x47: {  	v30 =	vadd.s32 v36, v30  }
0x48: {  	vm7 =	vgt.s32 v30, $0x31  }
0x49: {  	v29 =	vsel vm7, v29, v31  }
0x4a: {  	v30 =	vor.u32 $0x200000, v29  }
0x4b: {  	vm8 =	vlt.s32 v28, v30;
	vm9 =	vlt.s32 v25, v30  }
0x4c: {  	vm10 =	vlt.s32 v26, v30;
	v31 =	vmpcnt.ones.xlane vm8;
	v37 =	vmpcnt.ones.xlane vm9  }
0x4d: {  	vm11 =	vlt.s32 v27, v30;
	v38 =	vmpcnt.ones.xlane vm10  }
0x4e: {  	vm12 =	vlt.s32 v24, v30;
	v39 =	vmpcnt.ones.xlane vm11;
	v31 =	vadd.s32 v31, v37  }
0x4f: {  	vm13 =	vlt.s32 v23, v30;
	v40 =	vmpcnt.ones.xlane vm12;
	v31 =	vadd.s32 v38, v31  }
0x50: {  	vm14 =	vlt.s32 v22, v30;
	v41 =	vmpcnt.ones.xlane vm13;
	v31 =	vadd.s32 v39, v31  }
0x51: {  	vm15 =	vlt.s32 v21, v30;
	v42 =	vmpcnt.ones.xlane vm14;
	v31 =	vadd.s32 v40, v31  }
0x52: {  	vm4 =	vlt.s32 v20, v30;
	v43 =	vmpcnt.ones.xlane vm15;
	v31 =	vadd.s32 v41, v31  }
0x53: {  	vm5 =	vlt.s32 v19, v30;
	v44 =	vmpcnt.ones.xlane vm4;
	v31 =	vadd.s32 v42, v31  }
0x54: {  	vm6 =	vlt.s32 v17, v30;
	v45 =	vmpcnt.ones.xlane vm5;
	v31 =	vadd.s32 v43, v31  }
0x55: {  	vm7 =	vlt.s32 v18, v30;
	v46 =	vmpcnt.ones.xlane vm6;
	v31 =	vadd.s32 v44, v31  }
0x56: {  	v47 =	vmpcnt.ones.xlane vm7;
	v31 =	vadd.s32 v45, v31  }
0x57: {  	v31 =	vadd.s32 v46, v31  }
0x58: {  	v31 =	vadd.s32 v47, v31  }
0x59: {  	vm8 =	vgt.s32 v31, $0x31  }
0x5a: {  	v29 =	vsel vm8, v29, v30  }
0x5b: {  	v30 =	vor.u32 $0x100000, v29  }
0x5c: {  	vm9 =	vlt.s32 v28, v30;
	vm10 =	vlt.s32 v25, v30  }
0x5d: {  	vm11 =	vlt.s32 v26, v30;
	v31 =	vmpcnt.ones.xlane vm9;
	v48 =	vmpcnt.ones.xlane vm10  }
0x5e: {  	vm12 =	vlt.s32 v27, v30;
	v49 =	vmpcnt.ones.xlane vm11  }
0x5f: {  	vm13 =	vlt.s32 v24, v30;
	v50 =	vmpcnt.ones.xlane vm12;
	v31 =	vadd.s32 v31, v48  }
0x60: {  	vm14 =	vlt.s32 v23, v30;
	v51 =	vmpcnt.ones.xlane vm13;
	v31 =	vadd.s32 v49, v31  }
0x61: {  	vm15 =	vlt.s32 v22, v30;
	v52 =	vmpcnt.ones.xlane vm14;
	v31 =	vadd.s32 v50, v31  }
0x62: {  	vm4 =	vlt.s32 v21, v30;
	v53 =	vmpcnt.ones.xlane vm15;
	v31 =	vadd.s32 v51, v31  }
0x63: {  	vm5 =	vlt.s32 v20, v30;
	v54 =	vmpcnt.ones.xlane vm4;
	v31 =	vadd.s32 v52, v31  }
0x64: {  	vm6 =	vlt.s32 v19, v30;
	v55 =	vmpcnt.ones.xlane vm5;
	v31 =	vadd.s32 v53, v31  }
0x65: {  	vm7 =	vlt.s32 v17, v30;
	v56 =	vmpcnt.ones.xlane vm6;
	v31 =	vadd.s32 v54, v31  }
0x66: {  	vm8 =	vlt.s32 v18, v30;
	v57 =	vmpcnt.ones.xlane vm7;
	v31 =	vadd.s32 v55, v31  }
0x67: {  	v58 =	vmpcnt.ones.xlane vm8;
	v31 =	vadd.s32 v56, v31  }
0x68: {  	v31 =	vadd.s32 v57, v31  }
0x69: {  	v31 =	vadd.s32 v58, v31  }
0x6a: {  	vm9 =	vgt.s32 v31, $0x31  }
0x6b: {  	v29 =	vsel vm9, v29, v30  }
0x6c: {  	v30 =	vor.u32 $0x80000, v29  }
0x6d: {  	vm10 =	vlt.s32 v28, v30;
	vm11 =	vlt.s32 v25, v30  }
0x6e: {  	vm12 =	vlt.s32 v26, v30;
	v31 =	vmpcnt.ones.xlane vm10;
	v59 =	vmpcnt.ones.xlane vm11  }
0x6f: {  	vm13 =	vlt.s32 v27, v30;
	v60 =	vmpcnt.ones.xlane vm12  }
0x70: {  	vm14 =	vlt.s32 v24, v30;
	v61 =	vmpcnt.ones.xlane vm13;
	v31 =	vadd.s32 v31, v59  }
0x71: {  	vm15 =	vlt.s32 v23, v30;
	v62 =	vmpcnt.ones.xlane vm14;
	v31 =	vadd.s32 v60, v31  }
0x72: {  	vm4 =	vlt.s32 v22, v30;
	v63 =	vmpcnt.ones.xlane vm15;
	v31 =	vadd.s32 v61, v31  }
0x73: {  	vm5 =	vlt.s32 v21, v30;
	v36 =	vmpcnt.ones.xlane vm4;
	v31 =	vadd.s32 v62, v31  }
0x74: {  	vm6 =	vlt.s32 v20, v30;
	v37 =	vmpcnt.ones.xlane vm5;
	v31 =	vadd.s32 v63, v31  }
0x75: {  	vm7 =	vlt.s32 v19, v30;
	v38 =	vmpcnt.ones.xlane vm6;
	v31 =	vadd.s32 v36, v31  }
0x76: {  	vm8 =	vlt.s32 v17, v30;
	v39 =	vmpcnt.ones.xlane vm7;
	v31 =	vadd.s32 v37, v31  }
0x77: {  	vm9 =	vlt.s32 v18, v30;
	v40 =	vmpcnt.ones.xlane vm8;
	v31 =	vadd.s32 v38, v31  }
0x78: {  	v41 =	vmpcnt.ones.xlane vm9;
	v31 =	vadd.s32 v39, v31  }
0x79: {  	v31 =	vadd.s32 v40, v31  }
0x7a: {  	v31 =	vadd.s32 v41, v31  }
0x7b: {  	vm10 =	vgt.s32 v31, $0x31  }
0x7c: {  	v29 =	vsel vm10, v29, v30  }
0x7d: {  	v30 =	vor.u32 $0x40000, v29  }
0x7e: {  	vm11 =	vlt.s32 v28, v30;
	vm12 =	vlt.s32 v25, v30  }
0x7f: {  	vm13 =	vlt.s32 v26, v30;
	v31 =	vmpcnt.ones.xlane vm11;
	v42 =	vmpcnt.ones.xlane vm12  }
0x80: {  	vm14 =	vlt.s32 v27, v30;
	v43 =	vmpcnt.ones.xlane vm13  }
0x81: {  	vm15 =	vlt.s32 v24, v30;
	v44 =	vmpcnt.ones.xlane vm14;
	v31 =	vadd.s32 v31, v42  }
0x82: {  	vm4 =	vlt.s32 v23, v30;
	v45 =	vmpcnt.ones.xlane vm15;
	v31 =	vadd.s32 v43, v31  }
0x83: {  	vm5 =	vlt.s32 v22, v30;
	v46 =	vmpcnt.ones.xlane vm4;
	v31 =	vadd.s32 v44, v31  }
0x84: {  	vm6 =	vlt.s32 v21, v30;
	v47 =	vmpcnt.ones.xlane vm5;
	v31 =	vadd.s32 v45, v31  }
0x85: {  	vm7 =	vlt.s32 v20, v30;
	v48 =	vmpcnt.ones.xlane vm6;
	v31 =	vadd.s32 v46, v31  }
0x86: {  	vm8 =	vlt.s32 v19, v30;
	v49 =	vmpcnt.ones.xlane vm7;
	v31 =	vadd.s32 v47, v31  }
0x87: {  	vm9 =	vlt.s32 v17, v30;
	v50 =	vmpcnt.ones.xlane vm8;
	v31 =	vadd.s32 v48, v31  }
0x88: {  	vm10 =	vlt.s32 v18, v30;
	v51 =	vmpcnt.ones.xlane vm9;
	v31 =	vadd.s32 v49, v31  }
0x89: {  	v52 =	vmpcnt.ones.xlane vm10;
	v31 =	vadd.s32 v50, v31  }
0x8a: {  	v31 =	vadd.s32 v51, v31  }
0x8b: {  	v31 =	vadd.s32 v52, v31  }
0x8c: {  	vm11 =	vgt.s32 v31, $0x31  }
0x8d: {  	v29 =	vsel vm11, v29, v30  }
0x8e: {  	v30 =	vor.u32 $0x20000, v29  }
0x8f: {  	vm12 =	vlt.s32 v28, v30;
	vm13 =	vlt.s32 v25, v30  }
0x90: {  	vm14 =	vlt.s32 v26, v30;
	v31 =	vmpcnt.ones.xlane vm12;
	v53 =	vmpcnt.ones.xlane vm13  }
0x91: {  	vm15 =	vlt.s32 v27, v30;
	v54 =	vmpcnt.ones.xlane vm14  }
0x92: {  	vm4 =	vlt.s32 v24, v30;
	v55 =	vmpcnt.ones.xlane vm15;
	v31 =	vadd.s32 v31, v53  }
0x93: {  	vm5 =	vlt.s32 v23, v30;
	v56 =	vmpcnt.ones.xlane vm4;
	v31 =	vadd.s32 v54, v31  }
0x94: {  	vm6 =	vlt.s32 v22, v30;
	v57 =	vmpcnt.ones.xlane vm5;
	v31 =	vadd.s32 v55, v31  }
0x95: {  	vm7 =	vlt.s32 v21, v30;
	v58 =	vmpcnt.ones.xlane vm6;
	v31 =	vadd.s32 v56, v31  }
0x96: {  	vm8 =	vlt.s32 v20, v30;
	v59 =	vmpcnt.ones.xlane vm7;
	v31 =	vadd.s32 v57, v31  }
0x97: {  	vm9 =	vlt.s32 v19, v30;
	v60 =	vmpcnt.ones.xlane vm8;
	v31 =	vadd.s32 v58, v31  }
0x98: {  	vm10 =	vlt.s32 v17, v30;
	v61 =	vmpcnt.ones.xlane vm9;
	v31 =	vadd.s32 v59, v31  }
0x99: {  	vm11 =	vlt.s32 v18, v30;
	v62 =	vmpcnt.ones.xlane vm10;
	v31 =	vadd.s32 v60, v31  }
0x9a: {  	v63 =	vmpcnt.ones.xlane vm11;
	v31 =	vadd.s32 v61, v31  }
0x9b: {  	v31 =	vadd.s32 v62, v31  }
0x9c: {  	v31 =	vadd.s32 v63, v31  }
0x9d: {  	vm12 =	vgt.s32 v31, $0x31  }
0x9e: {  	v29 =	vsel vm12, v29, v30  }
0x9f: {  	v30 =	vor.u32 $0x10000, v29  }
0xa0: {  	vm13 =	vlt.s32 v28, v30;
	vm14 =	vlt.s32 v25, v30  }
0xa1: {  	vm15 =	vlt.s32 v26, v30;
	v31 =	vmpcnt.ones.xlane vm13;
	v36 =	vmpcnt.ones.xlane vm14  }
0xa2: {  	vm4 =	vlt.s32 v27, v30;
	v37 =	vmpcnt.ones.xlane vm15  }
0xa3: {  	vm5 =	vlt.s32 v24, v30;
	v38 =	vmpcnt.ones.xlane vm4;
	v31 =	vadd.s32 v31, v36  }
0xa4: {  	vm6 =	vlt.s32 v23, v30;
	v39 =	vmpcnt.ones.xlane vm5;
	v31 =	vadd.s32 v37, v31  }
0xa5: {  	vm7 =	vlt.s32 v22, v30;
	v40 =	vmpcnt.ones.xlane vm6;
	v31 =	vadd.s32 v38, v31  }
0xa6: {  	vm8 =	vlt.s32 v21, v30;
	v41 =	vmpcnt.ones.xlane vm7;
	v31 =	vadd.s32 v39, v31  }
0xa7: {  	vm9 =	vlt.s32 v20, v30;
	v42 =	vmpcnt.ones.xlane vm8;
	v31 =	vadd.s32 v40, v31  }
0xa8: {  	vm10 =	vlt.s32 v19, v30;
	v43 =	vmpcnt.ones.xlane vm9;
	v31 =	vadd.s32 v41, v31  }
0xa9: {  	vm11 =	vlt.s32 v17, v30;
	v44 =	vmpcnt.ones.xlane vm10;
	v31 =	vadd.s32 v42, v31  }
0xaa: {  	vm12 =	vlt.s32 v18, v30;
	v45 =	vmpcnt.ones.xlane vm11;
	v31 =	vadd.s32 v43, v31  }
0xab: {  	v46 =	vmpcnt.ones.xlane vm12;
	v31 =	vadd.s32 v44, v31  }
0xac: {  	v31 =	vadd.s32 v45, v31  }
0xad: {  	v31 =	vadd.s32 v46, v31  }
0xae: {  	vm13 =	vgt.s32 v31, $0x31  }
0xaf: {  	v29 =	vsel vm13, v29, v30  }
0xb0: {  	v30 =	vor.u32 $0x8000, v29  }
0xb1: {  	vm14 =	vlt.s32 v28, v30;
	vm15 =	vlt.s32 v25, v30  }
0xb2: {  	vm4 =	vlt.s32 v26, v30;
	v31 =	vmpcnt.ones.xlane vm14;
	v47 =	vmpcnt.ones.xlane vm15  }
0xb3: {  	vm5 =	vlt.s32 v27, v30;
	v48 =	vmpcnt.ones.xlane vm4  }
0xb4: {  	vm6 =	vlt.s32 v24, v30;
	v49 =	vmpcnt.ones.xlane vm5;
	v31 =	vadd.s32 v31, v47  }
0xb5: {  	vm7 =	vlt.s32 v23, v30;
	v50 =	vmpcnt.ones.xlane vm6;
	v31 =	vadd.s32 v48, v31  }
0xb6: {  	vm8 =	vlt.s32 v22, v30;
	v51 =	vmpcnt.ones.xlane vm7;
	v31 =	vadd.s32 v49, v31  }
0xb7: {  	vm9 =	vlt.s32 v21, v30;
	v52 =	vmpcnt.ones.xlane vm8;
	v31 =	vadd.s32 v50, v31  }
0xb8: {  	vm10 =	vlt.s32 v20, v30;
	v53 =	vmpcnt.ones.xlane vm9;
	v31 =	vadd.s32 v51, v31  }
0xb9: {  	vm11 =	vlt.s32 v19, v30;
	v54 =	vmpcnt.ones.xlane vm10;
	v31 =	vadd.s32 v52, v31  }
0xba: {  	vm12 =	vlt.s32 v17, v30;
	v55 =	vmpcnt.ones.xlane vm11;
	v31 =	vadd.s32 v53, v31  }
0xbb: {  	vm13 =	vlt.s32 v18, v30;
	v56 =	vmpcnt.ones.xlane vm12;
	v31 =	vadd.s32 v54, v31  }
0xbc: {  	v57 =	vmpcnt.ones.xlane vm13;
	v31 =	vadd.s32 v55, v31  }
0xbd: {  	v31 =	vadd.s32 v56, v31  }
0xbe: {  	v31 =	vadd.s32 v57, v31  }
0xbf: {  	vm14 =	vgt.s32 v31, $0x31  }
0xc0: {  	v29 =	vsel vm14, v29, v30  }
0xc1: {  	v30 =	vor.u32 $0x4000, v29  }
0xc2: {  	vm15 =	vlt.s32 v28, v30;
	vm4 =	vlt.s32 v25, v30  }
0xc3: {  	vm5 =	vlt.s32 v26, v30;
	v31 =	vmpcnt.ones.xlane vm15;
	v58 =	vmpcnt.ones.xlane vm4  }
0xc4: {  	vm6 =	vlt.s32 v27, v30;
	v59 =	vmpcnt.ones.xlane vm5  }
0xc5: {  	vm7 =	vlt.s32 v24, v30;
	v60 =	vmpcnt.ones.xlane vm6;
	v31 =	vadd.s32 v31, v58  }
0xc6: {  	vm8 =	vlt.s32 v23, v30;
	v61 =	vmpcnt.ones.xlane vm7;
	v31 =	vadd.s32 v59, v31  }
0xc7: {  	vm9 =	vlt.s32 v22, v30;
	v62 =	vmpcnt.ones.xlane vm8;
	v31 =	vadd.s32 v60, v31  }
0xc8: {  	vm10 =	vlt.s32 v21, v30;
	v63 =	vmpcnt.ones.xlane vm9;
	v31 =	vadd.s32 v61, v31  }
0xc9: {  	vm11 =	vlt.s32 v20, v30;
	v36 =	vmpcnt.ones.xlane vm10;
	v31 =	vadd.s32 v62, v31  }
0xca: {  	vm12 =	vlt.s32 v19, v30;
	v37 =	vmpcnt.ones.xlane vm11;
	v31 =	vadd.s32 v63, v31  }
0xcb: {  	vm13 =	vlt.s32 v17, v30;
	v38 =	vmpcnt.ones.xlane vm12;
	v31 =	vadd.s32 v36, v31  }
0xcc: {  	vm14 =	vlt.s32 v18, v30;
	v39 =	vmpcnt.ones.xlane vm13;
	v31 =	vadd.s32 v37, v31  }
0xcd: {  	v40 =	vmpcnt.ones.xlane vm14;
	v31 =	vadd.s32 v38, v31  }
0xce: {  	v31 =	vadd.s32 v39, v31  }
0xcf: {  	v31 =	vadd.s32 v40, v31  }
0xd0: {  	vm15 =	vgt.s32 v31, $0x31  }
0xd1: {  	v29 =	vsel vm15, v29, v30  }
0xd2: {  	v30 =	vor.u32 $0x2000, v29  }
0xd3: {  	vm4 =	vlt.s32 v28, v30;
	vm5 =	vlt.s32 v25, v30  }
0xd4: {  	vm6 =	vlt.s32 v26, v30;
	v31 =	vmpcnt.ones.xlane vm4;
	v41 =	vmpcnt.ones.xlane vm5  }
0xd5: {  	vm7 =	vlt.s32 v27, v30;
	v42 =	vmpcnt.ones.xlane vm6  }
0xd6: {  	vm8 =	vlt.s32 v24, v30;
	v43 =	vmpcnt.ones.xlane vm7;
	v31 =	vadd.s32 v31, v41  }
0xd7: {  	vm9 =	vlt.s32 v23, v30;
	v44 =	vmpcnt.ones.xlane vm8;
	v31 =	vadd.s32 v42, v31  }
0xd8: {  	vm10 =	vlt.s32 v22, v30;
	v45 =	vmpcnt.ones.xlane vm9;
	v31 =	vadd.s32 v43, v31  }
0xd9: {  	vm11 =	vlt.s32 v21, v30;
	v46 =	vmpcnt.ones.xlane vm10;
	v31 =	vadd.s32 v44, v31  }
0xda: {  	vm12 =	vlt.s32 v20, v30;
	v47 =	vmpcnt.ones.xlane vm11;
	v31 =	vadd.s32 v45, v31  }
0xdb: {  	vm13 =	vlt.s32 v19, v30;
	v48 =	vmpcnt.ones.xlane vm12;
	v31 =	vadd.s32 v46, v31  }
0xdc: {  	vm14 =	vlt.s32 v17, v30;
	v49 =	vmpcnt.ones.xlane vm13;
	v31 =	vadd.s32 v47, v31  }
0xdd: {  	vm15 =	vlt.s32 v18, v30;
	v50 =	vmpcnt.ones.xlane vm14;
	v31 =	vadd.s32 v48, v31  }
0xde: {  	v51 =	vmpcnt.ones.xlane vm15;
	v31 =	vadd.s32 v49, v31  }
0xdf: {  	v31 =	vadd.s32 v50, v31  }
0xe0: {  	v31 =	vadd.s32 v51, v31  }
0xe1: {  	vm4 =	vgt.s32 v31, $0x31  }
0xe2: {  	v29 =	vsel vm4, v29, v30  }
0xe3: {  	v30 =	vor.u32 $0x1000, v29  }
0xe4: {  	vm5 =	vlt.s32 v28, v30;
	vm6 =	vlt.s32 v25, v30  }
0xe5: {  	vm7 =	vlt.s32 v26, v30;
	v31 =	vmpcnt.ones.xlane vm5;
	v52 =	vmpcnt.ones.xlane vm6  }
0xe6: {  	vm8 =	vlt.s32 v27, v30;
	v53 =	vmpcnt.ones.xlane vm7  }
0xe7: {  	vm9 =	vlt.s32 v24, v30;
	v54 =	vmpcnt.ones.xlane vm8;
	v31 =	vadd.s32 v31, v52  }
0xe8: {  	vm10 =	vlt.s32 v23, v30;
	v55 =	vmpcnt.ones.xlane vm9;
	v31 =	vadd.s32 v53, v31  }
0xe9: {  	vm11 =	vlt.s32 v22, v30;
	v56 =	vmpcnt.ones.xlane vm10;
	v31 =	vadd.s32 v54, v31  }
0xea: {  	vm12 =	vlt.s32 v21, v30;
	v57 =	vmpcnt.ones.xlane vm11;
	v31 =	vadd.s32 v55, v31  }
0xeb: {  	vm13 =	vlt.s32 v20, v30;
	v58 =	vmpcnt.ones.xlane vm12;
	v31 =	vadd.s32 v56, v31  }
0xec: {  	vm14 =	vlt.s32 v19, v30;
	v59 =	vmpcnt.ones.xlane vm13;
	v31 =	vadd.s32 v57, v31  }
0xed: {  	vm15 =	vlt.s32 v17, v30;
	v60 =	vmpcnt.ones.xlane vm14;
	v31 =	vadd.s32 v58, v31  }
0xee: {  	vm4 =	vlt.s32 v18, v30;
	v61 =	vmpcnt.ones.xlane vm15;
	v31 =	vadd.s32 v59, v31  }
0xef: {  	v62 =	vmpcnt.ones.xlane vm4;
	v31 =	vadd.s32 v60, v31  }
0xf0: {  	v31 =	vadd.s32 v61, v31  }
0xf1: {  	v31 =	vadd.s32 v62, v31  }
0xf2: {  	vm5 =	vgt.s32 v31, $0x31  }
0xf3: {  	v29 =	vsel vm5, v29, v30  }
0xf4: {  	v30 =	vor.u32 $0x800, v29  }
0xf5: {  	vm6 =	vlt.s32 v28, v30;
	vm7 =	vlt.s32 v25, v30  }
0xf6: {  	vm8 =	vlt.s32 v26, v30;
	v31 =	vmpcnt.ones.xlane vm6;
	v63 =	vmpcnt.ones.xlane vm7  }
0xf7: {  	vm9 =	vlt.s32 v27, v30;
	v36 =	vmpcnt.ones.xlane vm8  }
0xf8: {  	vm10 =	vlt.s32 v24, v30;
	v37 =	vmpcnt.ones.xlane vm9;
	v31 =	vadd.s32 v31, v63  }
0xf9: {  	vm11 =	vlt.s32 v23, v30;
	v38 =	vmpcnt.ones.xlane vm10;
	v31 =	vadd.s32 v36, v31  }
0xfa: {  	vm12 =	vlt.s32 v22, v30;
	v39 =	vmpcnt.ones.xlane vm11;
	v31 =	vadd.s32 v37, v31  }
0xfb: {  	vm13 =	vlt.s32 v21, v30;
	v40 =	vmpcnt.ones.xlane vm12;
	v31 =	vadd.s32 v38, v31  }
0xfc: {  	vm14 =	vlt.s32 v20, v30;
	v41 =	vmpcnt.ones.xlane vm13;
	v31 =	vadd.s32 v39, v31  }
0xfd: {  	vm15 =	vlt.s32 v19, v30;
	v42 =	vmpcnt.ones.xlane vm14;
	v31 =	vadd.s32 v40, v31  }
0xfe: {  	vm4 =	vlt.s32 v17, v30;
	v43 =	vmpcnt.ones.xlane vm15;
	v31 =	vadd.s32 v41, v31  }
0xff: {  	vm5 =	vlt.s32 v18, v30;
	v44 =	vmpcnt.ones.xlane vm4;
	v31 =	vadd.s32 v42, v31  }
0x100: {  	v45 =	vmpcnt.ones.xlane vm5;
	v31 =	vadd.s32 v43, v31  }
0x101: {  	v31 =	vadd.s32 v44, v31  }
0x102: {  	v31 =	vadd.s32 v45, v31  }
0x103: {  	vm6 =	vgt.s32 v31, $0x31  }
0x104: {  	v29 =	vsel vm6, v29, v30  }
0x105: {  	v30 =	vor.u32 $0x400, v29  }
0x106: {  	vm7 =	vlt.s32 v28, v30;
	vm8 =	vlt.s32 v25, v30  }
0x107: {  	vm9 =	vlt.s32 v26, v30;
	v31 =	vmpcnt.ones.xlane vm7;
	v46 =	vmpcnt.ones.xlane vm8  }
0x108: {  	vm10 =	vlt.s32 v27, v30;
	v47 =	vmpcnt.ones.xlane vm9  }
0x109: {  	vm11 =	vlt.s32 v24, v30;
	v48 =	vmpcnt.ones.xlane vm10;
	v31 =	vadd.s32 v31, v46  }
0x10a: {  	vm12 =	vlt.s32 v23, v30;
	v49 =	vmpcnt.ones.xlane vm11;
	v31 =	vadd.s32 v47, v31  }
0x10b: {  	vm13 =	vlt.s32 v22, v30;
	v50 =	vmpcnt.ones.xlane vm12;
	v31 =	vadd.s32 v48, v31  }
0x10c: {  	vm14 =	vlt.s32 v21, v30;
	v51 =	vmpcnt.ones.xlane vm13;
	v31 =	vadd.s32 v49, v31  }
0x10d: {  	vm15 =	vlt.s32 v20, v30;
	v52 =	vmpcnt.ones.xlane vm14;
	v31 =	vadd.s32 v50, v31  }
0x10e: {  	vm4 =	vlt.s32 v19, v30;
	v53 =	vmpcnt.ones.xlane vm15;
	v31 =	vadd.s32 v51, v31  }
0x10f: {  	vm5 =	vlt.s32 v17, v30;
	v54 =	vmpcnt.ones.xlane vm4;
	v31 =	vadd.s32 v52, v31  }
0x110: {  	vm6 =	vlt.s32 v18, v30;
	v55 =	vmpcnt.ones.xlane vm5;
	v31 =	vadd.s32 v53, v31  }
0x111: {  	v56 =	vmpcnt.ones.xlane vm6;
	v31 =	vadd.s32 v54, v31  }
0x112: {  	v31 =	vadd.s32 v55, v31  }
0x113: {  	v31 =	vadd.s32 v56, v31  }
0x114: {  	vm7 =	vgt.s32 v31, $0x31  }
0x115: {  	v29 =	vsel vm7, v29, v30  }
0x116: {  	v30 =	vor.u32 $0x200, v29  }
0x117: {  	vm8 =	vlt.s32 v28, v30;
	vm9 =	vlt.s32 v25, v30  }
0x118: {  	vm10 =	vlt.s32 v26, v30;
	v31 =	vmpcnt.ones.xlane vm8;
	v57 =	vmpcnt.ones.xlane vm9  }
0x119: {  	vm11 =	vlt.s32 v27, v30;
	v58 =	vmpcnt.ones.xlane vm10  }
0x11a: {  	vm12 =	vlt.s32 v24, v30;
	v59 =	vmpcnt.ones.xlane vm11;
	v31 =	vadd.s32 v31, v57  }
0x11b: {  	vm13 =	vlt.s32 v23, v30;
	v60 =	vmpcnt.ones.xlane vm12;
	v31 =	vadd.s32 v58, v31  }
0x11c: {  	vm14 =	vlt.s32 v22, v30;
	v61 =	vmpcnt.ones.xlane vm13;
	v31 =	vadd.s32 v59, v31  }
0x11d: {  	vm15 =	vlt.s32 v21, v30;
	v62 =	vmpcnt.ones.xlane vm14;
	v31 =	vadd.s32 v60, v31  }
0x11e: {  	vm4 =	vlt.s32 v20, v30;
	v63 =	vmpcnt.ones.xlane vm15;
	v31 =	vadd.s32 v61, v31  }
0x11f: {  	vm5 =	vlt.s32 v19, v30;
	v36 =	vmpcnt.ones.xlane vm4;
	v31 =	vadd.s32 v62, v31  }
0x120: {  	vm6 =	vlt.s32 v17, v30;
	v37 =	vmpcnt.ones.xlane vm5;
	v31 =	vadd.s32 v63, v31  }
0x121: {  	vm7 =	vlt.s32 v18, v30;
	v38 =	vmpcnt.ones.xlane vm6;
	v31 =	vadd.s32 v36, v31  }
0x122: {  	v39 =	vmpcnt.ones.xlane vm7;
	v31 =	vadd.s32 v37, v31  }
0x123: {  	v31 =	vadd.s32 v38, v31  }
0x124: {  	v31 =	vadd.s32 v39, v31  }
0x125: {  	vm8 =	vgt.s32 v31, $0x31  }
0x126: {  	v29 =	vsel vm8, v29, v30  }
0x127: {  	v30 =	vor.u32 $0x100, v29  }
0x128: {  	vm9 =	vlt.s32 v28, v30;
	vm10 =	vlt.s32 v25, v30  }
0x129: {  	vm11 =	vlt.s32 v26, v30;
	v31 =	vmpcnt.ones.xlane vm9;
	v40 =	vmpcnt.ones.xlane vm10  }
0x12a: {  	vm12 =	vlt.s32 v27, v30;
	v41 =	vmpcnt.ones.xlane vm11  }
0x12b: {  	vm13 =	vlt.s32 v24, v30;
	v42 =	vmpcnt.ones.xlane vm12;
	v31 =	vadd.s32 v31, v40  }
0x12c: {  	vm14 =	vlt.s32 v23, v30;
	v43 =	vmpcnt.ones.xlane vm13;
	v31 =	vadd.s32 v41, v31  }
0x12d: {  	vm15 =	vlt.s32 v22, v30;
	v44 =	vmpcnt.ones.xlane vm14;
	v31 =	vadd.s32 v42, v31  }
0x12e: {  	vm4 =	vlt.s32 v21, v30;
	v45 =	vmpcnt.ones.xlane vm15;
	v31 =	vadd.s32 v43, v31  }
0x12f: {  	vm5 =	vlt.s32 v20, v30;
	v46 =	vmpcnt.ones.xlane vm4;
	v31 =	vadd.s32 v44, v31  }
0x130: {  	vm6 =	vlt.s32 v19, v30;
	v47 =	vmpcnt.ones.xlane vm5;
	v31 =	vadd.s32 v45, v31  }
0x131: {  	vm7 =	vlt.s32 v17, v30;
	v48 =	vmpcnt.ones.xlane vm6;
	v31 =	vadd.s32 v46, v31  }
0x132: {  	vm8 =	vlt.s32 v18, v30;
	v49 =	vmpcnt.ones.xlane vm7;
	v31 =	vadd.s32 v47, v31  }
0x133: {  	v50 =	vmpcnt.ones.xlane vm8;
	v31 =	vadd.s32 v48, v31  }
0x134: {  	v31 =	vadd.s32 v49, v31  }
0x135: {  	v31 =	vadd.s32 v50, v31  }
0x136: {  	vm9 =	vgt.s32 v31, $0x31  }
0x137: {  	v29 =	vsel vm9, v29, v30  }
0x138: {  	v30 =	vor.u32 $0x80, v29  }
0x139: {  	vm10 =	vlt.s32 v28, v30;
	vm11 =	vlt.s32 v25, v30  }
0x13a: {  	vm12 =	vlt.s32 v26, v30;
	v31 =	vmpcnt.ones.xlane vm10;
	v51 =	vmpcnt.ones.xlane vm11  }
0x13b: {  	vm13 =	vlt.s32 v27, v30;
	v52 =	vmpcnt.ones.xlane vm12  }
0x13c: {  	vm14 =	vlt.s32 v24, v30;
	v53 =	vmpcnt.ones.xlane vm13;
	v31 =	vadd.s32 v31, v51  }
0x13d: {  	vm15 =	vlt.s32 v23, v30;
	v54 =	vmpcnt.ones.xlane vm14;
	v31 =	vadd.s32 v52, v31  }
0x13e: {  	vm4 =	vlt.s32 v22, v30;
	v55 =	vmpcnt.ones.xlane vm15;
	v31 =	vadd.s32 v53, v31  }
0x13f: {  	vm5 =	vlt.s32 v21, v30;
	v56 =	vmpcnt.ones.xlane vm4;
	v31 =	vadd.s32 v54, v31  }
0x140: {  	vm6 =	vlt.s32 v20, v30;
	v57 =	vmpcnt.ones.xlane vm5;
	v31 =	vadd.s32 v55, v31  }
0x141: {  	vm7 =	vlt.s32 v19, v30;
	v58 =	vmpcnt.ones.xlane vm6;
	v31 =	vadd.s32 v56, v31  }
0x142: {  	vm8 =	vlt.s32 v17, v30;
	v59 =	vmpcnt.ones.xlane vm7;
	v31 =	vadd.s32 v57, v31  }
0x143: {  	vm9 =	vlt.s32 v18, v30;
	v60 =	vmpcnt.ones.xlane vm8;
	v31 =	vadd.s32 v58, v31  }
0x144: {  	v61 =	vmpcnt.ones.xlane vm9;
	v31 =	vadd.s32 v59, v31  }
0x145: {  	v31 =	vadd.s32 v60, v31  }
0x146: {  	v31 =	vadd.s32 v61, v31  }
0x147: {  	vm10 =	vgt.s32 v31, $0x31  }
0x148: {  	v29 =	vsel vm10, v29, v30  }
0x149: {  	v30 =	vor.u32 $0x40, v29  }
0x14a: {  	vm11 =	vlt.s32 v28, v30;
	vm12 =	vlt.s32 v25, v30  }
0x14b: {  	vm13 =	vlt.s32 v26, v30;
	v31 =	vmpcnt.ones.xlane vm11;
	v62 =	vmpcnt.ones.xlane vm12  }
0x14c: {  	vm14 =	vlt.s32 v27, v30;
	v63 =	vmpcnt.ones.xlane vm13  }
0x14d: {  	vm15 =	vlt.s32 v24, v30;
	v36 =	vmpcnt.ones.xlane vm14;
	v31 =	vadd.s32 v31, v62  }
0x14e: {  	vm4 =	vlt.s32 v23, v30;
	v37 =	vmpcnt.ones.xlane vm15;
	v31 =	vadd.s32 v63, v31  }
0x14f: {  	vm5 =	vlt.s32 v22, v30;
	v38 =	vmpcnt.ones.xlane vm4;
	v31 =	vadd.s32 v36, v31  }
0x150: {  	vm6 =	vlt.s32 v21, v30;
	v39 =	vmpcnt.ones.xlane vm5;
	v31 =	vadd.s32 v37, v31  }
0x151: {  	vm7 =	vlt.s32 v20, v30;
	v40 =	vmpcnt.ones.xlane vm6;
	v31 =	vadd.s32 v38, v31  }
0x152: {  	vm8 =	vlt.s32 v19, v30;
	v41 =	vmpcnt.ones.xlane vm7;
	v31 =	vadd.s32 v39, v31  }
0x153: {  	vm9 =	vlt.s32 v17, v30;
	v42 =	vmpcnt.ones.xlane vm8;
	v31 =	vadd.s32 v40, v31  }
0x154: {  	vm10 =	vlt.s32 v18, v30;
	v43 =	vmpcnt.ones.xlane vm9;
	v31 =	vadd.s32 v41, v31  }
0x155: {  	v44 =	vmpcnt.ones.xlane vm10;
	v31 =	vadd.s32 v42, v31  }
0x156: {  	v31 =	vadd.s32 v43, v31  }
0x157: {  	v31 =	vadd.s32 v44, v31  }
0x158: {  	vm11 =	vgt.s32 v31, $0x31  }
0x159: {  	v29 =	vsel vm11, v29, v30  }
0x15a: {  	v30 =	vor.u32 $0x20, v29  }
0x15b: {  	vm12 =	vlt.s32 v28, v30;
	vm13 =	vlt.s32 v25, v30  }
0x15c: {  	vm14 =	vlt.s32 v26, v30;
	v31 =	vmpcnt.ones.xlane vm12;
	v45 =	vmpcnt.ones.xlane vm13  }
0x15d: {  	vm15 =	vlt.s32 v27, v30;
	v46 =	vmpcnt.ones.xlane vm14  }
0x15e: {  	vm4 =	vlt.s32 v24, v30;
	v47 =	vmpcnt.ones.xlane vm15;
	v31 =	vadd.s32 v31, v45  }
0x15f: {  	vm5 =	vlt.s32 v23, v30;
	v48 =	vmpcnt.ones.xlane vm4;
	v31 =	vadd.s32 v46, v31  }
0x160: {  	vm6 =	vlt.s32 v22, v30;
	v49 =	vmpcnt.ones.xlane vm5;
	v31 =	vadd.s32 v47, v31  }
0x161: {  	vm7 =	vlt.s32 v21, v30;
	v50 =	vmpcnt.ones.xlane vm6;
	v31 =	vadd.s32 v48, v31  }
0x162: {  	vm8 =	vlt.s32 v20, v30;
	v51 =	vmpcnt.ones.xlane vm7;
	v31 =	vadd.s32 v49, v31  }
0x163: {  	vm9 =	vlt.s32 v19, v30;
	v52 =	vmpcnt.ones.xlane vm8;
	v31 =	vadd.s32 v50, v31  }
0x164: {  	vm10 =	vlt.s32 v17, v30;
	v53 =	vmpcnt.ones.xlane vm9;
	v31 =	vadd.s32 v51, v31  }
0x165: {  	vm11 =	vlt.s32 v18, v30;
	v54 =	vmpcnt.ones.xlane vm10;
	v31 =	vadd.s32 v52, v31  }
0x166: {  	v55 =	vmpcnt.ones.xlane vm11;
	v31 =	vadd.s32 v53, v31  }
0x167: {  	v31 =	vadd.s32 v54, v31  }
0x168: {  	v31 =	vadd.s32 v55, v31  }
0x169: {  	vm12 =	vgt.s32 v31, $0x31  }
0x16a: {  	v29 =	vsel vm12, v29, v30  }
0x16b: {  	v30 =	vor.u32 $0x10, v29  }
0x16c: {  	vm13 =	vlt.s32 v28, v30;
	vm14 =	vlt.s32 v25, v30  }
0x16d: {  	vm15 =	vlt.s32 v26, v30;
	v31 =	vmpcnt.ones.xlane vm13;
	v56 =	vmpcnt.ones.xlane vm14  }
0x16e: {  	vm4 =	vlt.s32 v27, v30;
	v57 =	vmpcnt.ones.xlane vm15  }
0x16f: {  	vm5 =	vlt.s32 v24, v30;
	v58 =	vmpcnt.ones.xlane vm4;
	v31 =	vadd.s32 v31, v56  }
0x170: {  	vm6 =	vlt.s32 v23, v30;
	v59 =	vmpcnt.ones.xlane vm5;
	v31 =	vadd.s32 v57, v31  }
0x171: {  	vm7 =	vlt.s32 v22, v30;
	v60 =	vmpcnt.ones.xlane vm6;
	v31 =	vadd.s32 v58, v31  }
0x172: {  	vm8 =	vlt.s32 v21, v30;
	v61 =	vmpcnt.ones.xlane vm7;
	v31 =	vadd.s32 v59, v31  }
0x173: {  	vm9 =	vlt.s32 v20, v30;
	v62 =	vmpcnt.ones.xlane vm8;
	v31 =	vadd.s32 v60, v31  }
0x174: {  	vm10 =	vlt.s32 v19, v30;
	v63 =	vmpcnt.ones.xlane vm9;
	v31 =	vadd.s32 v61, v31  }
0x175: {  	vm11 =	vlt.s32 v17, v30;
	v36 =	vmpcnt.ones.xlane vm10;
	v31 =	vadd.s32 v62, v31  }
0x176: {  	vm12 =	vlt.s32 v18, v30;
	v37 =	vmpcnt.ones.xlane vm11;
	v31 =	vadd.s32 v63, v31  }
0x177: {  	v38 =	vmpcnt.ones.xlane vm12;
	v31 =	vadd.s32 v36, v31  }
0x178: {  	v31 =	vadd.s32 v37, v31  }
0x179: {  	v31 =	vadd.s32 v38, v31  }
0x17a: {  	vm13 =	vgt.s32 v31, $0x31  }
0x17b: {  	v29 =	vsel vm13, v29, v30  }
0x17c: {  	v30 =	vor.u32 $0x8, v29  }
0x17d: {  	vm14 =	vlt.s32 v28, v30;
	vm15 =	vlt.s32 v25, v30  }
0x17e: {  	vm4 =	vlt.s32 v26, v30;
	v31 =	vmpcnt.ones.xlane vm14;
	v39 =	vmpcnt.ones.xlane vm15  }
0x17f: {  	vm5 =	vlt.s32 v27, v30;
	v40 =	vmpcnt.ones.xlane vm4  }
0x180: {  	vm6 =	vlt.s32 v24, v30;
	v41 =	vmpcnt.ones.xlane vm5;
	v31 =	vadd.s32 v31, v39  }
0x181: {  	vm7 =	vlt.s32 v23, v30;
	v42 =	vmpcnt.ones.xlane vm6;
	v31 =	vadd.s32 v40, v31  }
0x182: {  	vm8 =	vlt.s32 v22, v30;
	v43 =	vmpcnt.ones.xlane vm7;
	v31 =	vadd.s32 v41, v31  }
0x183: {  	vm9 =	vlt.s32 v21, v30;
	v44 =	vmpcnt.ones.xlane vm8;
	v31 =	vadd.s32 v42, v31  }
0x184: {  	vm10 =	vlt.s32 v20, v30;
	v45 =	vmpcnt.ones.xlane vm9;
	v31 =	vadd.s32 v43, v31  }
0x185: {  	vm11 =	vlt.s32 v19, v30;
	v46 =	vmpcnt.ones.xlane vm10;
	v31 =	vadd.s32 v44, v31  }
0x186: {  	vm12 =	vlt.s32 v17, v30;
	v47 =	vmpcnt.ones.xlane vm11;
	v31 =	vadd.s32 v45, v31  }
0x187: {  	vm13 =	vlt.s32 v18, v30;
	v48 =	vmpcnt.ones.xlane vm12;
	v31 =	vadd.s32 v46, v31  }
0x188: {  	v49 =	vmpcnt.ones.xlane vm13;
	v31 =	vadd.s32 v47, v31  }
0x189: {  	v31 =	vadd.s32 v48, v31  }
0x18a: {  	v31 =	vadd.s32 v49, v31  }
0x18b: {  	vm14 =	vgt.s32 v31, $0x31  }
0x18c: {  	v29 =	vsel vm14, v29, v30  }
0x18d: {  	v30 =	vor.u32 $0x4, v29  }
0x18e: {  	vm15 =	vlt.s32 v28, v30;
	vm4 =	vlt.s32 v25, v30  }
0x18f: {  	vm5 =	vlt.s32 v26, v30;
	v31 =	vmpcnt.ones.xlane vm15;
	v50 =	vmpcnt.ones.xlane vm4  }
0x190: {  	vm6 =	vlt.s32 v27, v30;
	v51 =	vmpcnt.ones.xlane vm5  }
0x191: {  	vm7 =	vlt.s32 v24, v30;
	v52 =	vmpcnt.ones.xlane vm6;
	v31 =	vadd.s32 v31, v50  }
0x192: {  	vm8 =	vlt.s32 v23, v30;
	v53 =	vmpcnt.ones.xlane vm7;
	v31 =	vadd.s32 v51, v31  }
0x193: {  	vm9 =	vlt.s32 v22, v30;
	v54 =	vmpcnt.ones.xlane vm8;
	v31 =	vadd.s32 v52, v31  }
0x194: {  	vm10 =	vlt.s32 v21, v30;
	v55 =	vmpcnt.ones.xlane vm9;
	v31 =	vadd.s32 v53, v31  }
0x195: {  	vm11 =	vlt.s32 v20, v30;
	v56 =	vmpcnt.ones.xlane vm10;
	v31 =	vadd.s32 v54, v31  }
0x196: {  	vm12 =	vlt.s32 v19, v30;
	v57 =	vmpcnt.ones.xlane vm11;
	v31 =	vadd.s32 v55, v31  }
0x197: {  	vm13 =	vlt.s32 v17, v30;
	v58 =	vmpcnt.ones.xlane vm12;
	v31 =	vadd.s32 v56, v31  }
0x198: {  	vm14 =	vlt.s32 v18, v30;
	v59 =	vmpcnt.ones.xlane vm13;
	v31 =	vadd.s32 v57, v31  }
0x199: {  	v60 =	vmpcnt.ones.xlane vm14;
	v31 =	vadd.s32 v58, v31  }
0x19a: {  	v31 =	vadd.s32 v59, v31  }
0x19b: {  	v31 =	vadd.s32 v60, v31  }
0x19c: {  	vm15 =	vgt.s32 v31, $0x31  }
0x19d: {  	v29 =	vsel vm15, v29, v30  }
0x19e: {  	v30 =	vor.u32 $0x2, v29  }
0x19f: {  	vm4 =	vlt.s32 v28, v30;
	vm5 =	vlt.s32 v25, v30  }
0x1a0: {  	vm6 =	vlt.s32 v26, v30;
	v31 =	vmpcnt.ones.xlane vm4;
	v61 =	vmpcnt.ones.xlane vm5  }
0x1a1: {  	vm7 =	vlt.s32 v27, v30;
	v62 =	vmpcnt.ones.xlane vm6  }
0x1a2: {  	vm8 =	vlt.s32 v24, v30;
	v63 =	vmpcnt.ones.xlane vm7;
	v31 =	vadd.s32 v31, v61  }
0x1a3: {  	vm9 =	vlt.s32 v23, v30;
	v36 =	vmpcnt.ones.xlane vm8;
	v31 =	vadd.s32 v62, v31  }
0x1a4: {  	vm10 =	vlt.s32 v22, v30;
	v37 =	vmpcnt.ones.xlane vm9;
	v31 =	vadd.s32 v63, v31  }
0x1a5: {  	vm11 =	vlt.s32 v21, v30;
	v38 =	vmpcnt.ones.xlane vm10;
	v31 =	vadd.s32 v36, v31  }
0x1a6: {  	vm12 =	vlt.s32 v20, v30;
	v39 =	vmpcnt.ones.xlane vm11;
	v31 =	vadd.s32 v37, v31  }
0x1a7: {  	vm13 =	vlt.s32 v19, v30;
	v40 =	vmpcnt.ones.xlane vm12;
	v31 =	vadd.s32 v38, v31  }
0x1a8: {  	vm14 =	vlt.s32 v17, v30;
	v41 =	vmpcnt.ones.xlane vm13;
	v31 =	vadd.s32 v39, v31  }
0x1a9: {  	vm15 =	vlt.s32 v18, v30;
	v42 =	vmpcnt.ones.xlane vm14;
	v31 =	vadd.s32 v40, v31  }
0x1aa: {  	v43 =	vmpcnt.ones.xlane vm15;
	v31 =	vadd.s32 v41, v31  }
0x1ab: {  	v31 =	vadd.s32 v42, v31  }
0x1ac: {  	v31 =	vadd.s32 v43, v31  }
0x1ad: {  	vm4 =	vgt.s32 v31, $0x31  }
0x1ae: {  	v29 =	vsel vm4, v29, v30  }
0x1af: {  	v30 =	vor.u32 $0x1, v29  }
0x1b0: {  	vm5 =	vlt.s32 v28, v30;
	vm6 =	vlt.s32 v25, v30  }
0x1b1: {  	vm7 =	vlt.s32 v26, v30;
	v31 =	vmpcnt.ones.xlane vm5;
	v44 =	vmpcnt.ones.xlane vm6  }
0x1b2: {  	vm8 =	vlt.s32 v27, v30;
	v45 =	vmpcnt.ones.xlane vm7  }
0x1b3: {  	vm9 =	vlt.s32 v24, v30;
	v46 =	vmpcnt.ones.xlane vm8;
	v31 =	vadd.s32 v31, v44  }
0x1b4: {  	vm10 =	vlt.s32 v23, v30;
	v47 =	vmpcnt.ones.xlane vm9;
	v31 =	vadd.s32 v45, v31  }
0x1b5: {  	vm11 =	vlt.s32 v22, v30;
	v48 =	vmpcnt.ones.xlane vm10;
	v31 =	vadd.s32 v46, v31  }
0x1b6: {  	vm12 =	vlt.s32 v21, v30;
	v49 =	vmpcnt.ones.xlane vm11;
	v31 =	vadd.s32 v47, v31  }
0x1b7: {  	vm13 =	vlt.s32 v20, v30;
	v50 =	vmpcnt.ones.xlane vm12;
	v31 =	vadd.s32 v48, v31  }
0x1b8: {  	vm14 =	vlt.s32 v19, v30;
	v51 =	vmpcnt.ones.xlane vm13;
	v31 =	vadd.s32 v49, v31  }
0x1b9: {  	vm15 =	vlt.s32 v17, v30;
	v52 =	vmpcnt.ones.xlane vm14;
	v31 =	vadd.s32 v50, v31  }
0x1ba: {  	vm4 =	vlt.s32 v18, v30;
	v53 =	vmpcnt.ones.xlane vm15;
	v31 =	vadd.s32 v51, v31  }
0x1bb: {  	v54 =	vmpcnt.ones.xlane vm4;
	v31 =	vadd.s32 v52, v31  }
0x1bc: {  	v31 =	vadd.s32 v53, v31  }
0x1bd: {  	v31 =	vadd.s32 v54, v31  }
0x1be: {  	vm5 =	vgt.s32 v31, $0x31  }
0x1bf: {  	v29 =	vsel vm5, v29, v30;
	v30 =	vadd.f32 $0.0e+00, v28  }
0x1c0: {  	vm0 =	vlt.s32 v28, v29;
	vm6 =	vlt.s32 v25, v29  }
0x1c1: {  	v28 =	vnsel vm0, $0x0, v30;
	v25 =	vnsel vm6, $0x0, v25  }
0x1c2: {  	vm7 =	vlt.s32 v26, v29;
	v25 =	vadd.f32 v25, v28  }
0x1c3: {  	v26 =	vnsel vm7, $0x0, v26  }
0x1c4: {  	vm3 =	vlt.s32 v27, v29;
	v25 =	vadd.f32 v25, v26  }
0x1c5: {  	v27 =	vnsel vm3, $0x0, v27  }
0x1c6: {  	vm8 =	vlt.s32 v24, v29;
	v25 =	vadd.f32 v25, v27  }
0x1c7: {  	vm9 =	vlt.s32 v23, v29;
	vm10 =	vlt.s32 v22, v29;
	v24 =	vnsel vm8, $0x0, v24  }
0x1c8: {  	vm11 =	vlt.s32 v21, v29;
	vm12 =	vlt.s32 v20, v29;
	v24 =	vadd.f32 v25, v24  }
0x1c9: {  	vm13 =	vlt.s32 v19, v29;
	vm14 =	vlt.s32 v17, v29;
	v23 =	vnsel vm9, $0x0, v23  }
0x1ca: {  	v55 =	vmpcnt.ones.xlane vm0;
	v28 =	vmpcnt.ones.xlane vm6;
	v23 =	vadd.f32 v24, v23  }
0x1cb: {  	vm15 =	vlt.s32 v18, v29;
	v22 =	vnsel vm10, $0x0, v22;
	v27 =	vmpcnt.ones.xlane vm7  }
0x1cc: {  	v56 =	vmpcnt.ones.xlane vm3;
	v26 =	vadd.s32 v55, v28;
	v22 =	vadd.f32 v23, v22  }
0x1cd: {  	v21 =	vnsel vm11, $0x0, v21;
	v26 =	vadd.s32 v27, v26;
	v27 =	vmpcnt.ones.xlane vm8  }
0x1ce: {  	v58 =	vmpcnt.ones.xlane vm9;
	v57 =	vadd.s32 v56, v26;
	v21 =	vadd.f32 v22, v21  }
0x1cf: {  	v59 =	vmpcnt.ones.xlane vm10;
	v20 =	vnsel vm12, $0x0, v20;
	v24 =	vadd.s32 v27, v57  }
0x1d0: {  	v60 =	vmpcnt.ones.xlane vm11;
	v24 =	vadd.s32 v58, v24;
	v20 =	vadd.f32 v21, v20  }
0x1d1: {  	v61 =	vmpcnt.ones.xlane vm12;
	v19 =	vnsel vm13, $0x0, v19;
	v23 =	vadd.s32 v59, v24  }
0x1d2: {  	v22 =	vadd.s32 v60, v23;
	v19 =	vadd.f32 v20, v19;
	v20 =	vmpcnt.ones.xlane vm13  }
0x1d3: {  	v17 =	vnsel vm14, $0x0, v17;
	v63 =	vmpcnt.ones.xlane vm14;
	v62 =	vadd.s32 v61, v22  }
0x1d4: {  	v20 =	vadd.s32 v20, v62;
	v17 =	vadd.f32 v19, v17;
	v19 =	vmpcnt.ones.xlane vm15  }
0x1d5: {  	v18 =	vnsel vm15, $0x0, v18;
	v20 =	vadd.s32 v63, v20  }
0x1d6: {  	v18 =	vadd.f32 v17, v18;
	v17 =	vadd.s32 v19, v20  }
.LBB2_32:
0x1d7: {  	_ = 	snop  }
0x1d8: {  	(xrf2) =	vadd.scan.msk.f32 $0xffff, v18;
	_ =	sdelay $0x2  }
0x1d9: {  	p1 =	seq.s32 s18, $0x1  }
0x1da: {  	s19 =	simm.s32 @p1 $0x80  }
0x1db: {  	s20 =	simm.s32 @p1 $0x400;
	s21 =	simm.s32 @p1 $0x8000;
	p2 =	sne.s32 @!p1 s18, $0x0  }
0x1dc: {  	[tilespmem:s21], [sflag:$0x2] =	stream.strided.gather @p1 [hbm4b:s5+s19], $0x8000, s20, s19, $0x38;
	[tilespmem:$0x19180] =	vst v63  }
0x1dd: {  	v19 =	vmov s18;
	s18 =	sadd.s32 $0x1, s18;
	p1 =	por p2, p1  }
0x1de: {  	v17 =	vsub.s32 $0x32, v17;
	s19 =	simm.s32 @!p1 $0x80;
	s20 =	simm.s32 @!p1 $0x400;
	s21 =	simm.s32 @!p1 $0x0  }
0x1df: {  	v17 =	vcvt.s32.f32 v17;
	[tilespmem:s21], [sflag:$0x1] =	stream.strided.gather @!p1 [hbm4b:s6+s19], $0x8000, s20, s19, $0x38;
	[tilespmem:$0x19180] =	vst v63  }
0x1e0: {  	p1 =	sne.s32 s18, $0x4;
	v18, _, _ =	vpop (xrf2)  }
.Ltmp4:
0x1e1: {  	v17 =	vmul.f32 v29, v17;
	v18 =	vbroadcast v18, $0xF;
	(pc) =	sbr.rel @!p1 .LBB2_33-.Ltmp4, $4  }
0x1e2: {  	_ = 	snop  }
0x1e3: {  	v17 =	vadd.f32 v17, v18  }
0x1e4: {  	vm0 =	veq.s32 v19, v0  }
0x1e5: {  	p0 =	por !p0, !p0;
	v16 =	vsel vm0, v17, v16  }
.LBB2_4:
0x1e6: {  	s19 =	sand.u32 $0x1, s18  }
0x1e7: {  	p1 =	seq.s32 s19, $0x1  }
0x1e8: {  	s20 =	simm.s32 @!p1 $0x1  }
0x1e9: {  	_ =	swait.ge @!p1 [sflag:s20], $0x8000  }
0x1ea: {  	p2 =	seq.s32 s19, $0x0;
	[sflag:s20] =	ssyncset.done @!p1 $0x0  }
0x1eb: {  	s19 =	simm.s32 $0x1;
	s21 =	simm.s32 @!p2 $0x2;
	[sflag:s20] =	ssyncadd.s32 @!p1 $0xFFFF8000  }
0x1ec: {  	s19 =	simm.s32 @!p0 $0x0;
	_ =	swait.ge @!p2 [sflag:s21], $0x8000  }
0x1ed: {  	s19 =	sshll.u32 s19, $0xF;
	[sflag:s21] =	ssyncset.done @!p2 $0x0  }
0x1ee: {  	s20 =	sor.u32 $0x80, s19;
	[sflag:s21] =	ssyncadd.s32 @!p2 $0xFFFF8000  }
0x1ef: {  	v17 =	vld [tilespmem:s20+$0xFFFFFF90]  }
0x1f0: {  	v18 =	vld [tilespmem:s20+$0xFFFFFFB0]  }
0x1f1: {  	v20 =	vld [tilespmem:s20+$0xFFFFFF80]  }
0x1f2: {  	v19 =	vld [tilespmem:s20+$0xFFFFFFC0]  }
0x1f3: {  	v21 =	vld [tilespmem:s20+$0x70]  }
0x1f4: {  	v22 =	vld [tilespmem:s20+$0x60]  }
0x1f5: {  	v23 =	vld [tilespmem:s20+$0x50]  }
0x1f6: {  	v25 =	vld [tilespmem:s20+$0x30];
	v20 =	vshrl.u32 v20, $0x13  }
0x1f7: {  	v24 =	vld [tilespmem:s20+$0x40];
	v20 =	vand.u32 $0xFF0, v20  }
0x1f8: {  	v26 =	vld [tilespmem:s20+$0x20];
	v20 =	vor.u32 v0, v20  }
0x1f9: {  	v27 =	vld [tilespmem:s20+$0x10];
	v21 =	vshrl.u32 v21, $0x13  }
0x1fa: {  	v28 =	vld [tilespmem:s20+$0x0];
	v22 =	vshrl.u32 v22, $0x13;
	v21 =	vand.u32 $0xFF0, v21  }
0x1fb: {  	v31 =	vld [tilespmem:s20+$0xFFFFFFD0];
	v25 =	vshrl.u32 v25, $0x13;
	v22 =	vand.u32 $0xFF0, v22;
	v21 =	vor.u32 v0, v21  }
0x1fc: {  	v29 =	vld [tilespmem:s20+$0xFFFFFFF0];
	v24 =	vshrl.u32 v24, $0x13;
	v25 =	vand.u32 $0xFF0, v25;
	v22 =	vor.u32 v0, v22  }
0x1fd: {  	v23 =	vshrl.u32 v23, $0x13;
	v24 =	vand.u32 $0xFF0, v24;
	[tilespmem:v20+s12+$0x0] =	vst.idx.add.s32.msk $0xffff, v3;
	v20 =	vor.u32 v0, v25  }
0x1fe: {  	v30 =	vld [tilespmem:s20+$0xFFFFFFE0];
	v26 =	vshrl.u32 v26, $0x13;
	v23 =	vand.u32 $0xFF0, v23;
	v24 =	vor.u32 v0, v24  }
0x1ff: {  	v57 =	vld [tilespmem:s20+$0xFFFFFFA0];
	v19 =	vshrl.u32 v19, $0x13;
	v54 =	vand.u32 $0xFF0, v26;
	v23 =	vor.u32 v0, v23  }
0x200: {  	v60 =	vshrl.u32 v31, $0x13;
	v19 =	vand.u32 $0xFF0, v19;
	v56 =	vor.u32 v0, v54;
	[tilespmem:v21+s12+$0x0] =	vst.idx.add.s32.msk $0xffff, v3  }
0x201: {  	v18 =	vshrl.u32 v18, $0x13;
	v19 =	vor.u32 v0, v19;
	[tilespmem:v22+s12+$0x0] =	vst.idx.add.s32.msk $0xffff, v3;
	v22 =	vand.u32 $0xFF0, v60  }
0x202: {  	v55 =	vshrl.u32 v28, $0x13;
	v18 =	vand.u32 $0xFF0, v18;
	[tilespmem:v20+s12+$0x0] =	vst.idx.add.s32.msk $0xffff, v3;
	v20 =	vor.u32 v0, v22  }
0x203: {  	v58 =	vshrl.u32 v29, $0x13;
	v26 =	vand.u32 $0xFF0, v55;
	v18 =	vor.u32 v0, v18;
	[tilespmem:v24+s12+$0x0] =	vst.idx.add.s32.msk $0xffff, v3  }
0x204: {  	v59 =	vshrl.u32 v30, $0x13;
	v28 =	vand.u32 $0xFF0, v58;
	v26 =	vor.u32 v0, v26;
	[tilespmem:v23+s12+$0x0] =	vst.idx.add.s32.msk $0xffff, v3  }
0x205: {  	v62 =	vshrl.u32 v57, $0x13;
	v29 =	vand.u32 $0xFF0, v59;
	v28 =	vor.u32 v0, v28;
	[tilespmem:v56+s12+$0x0] =	vst.idx.add.s32.msk $0xffff, v3  }
0x206: {  	v17 =	vshrl.u32 v17, $0x13;
	v63 =	vand.u32 $0xFF0, v62;
	v61 =	vor.u32 v0, v29;
	[tilespmem:v19+s12+$0x0] =	vst.idx.add.s32.msk $0xffff, v3  }
0x207: {  	v17 =	vand.u32 $0xFF0, v17;
	v21 =	vor.u32 v0, v63;
	[tilespmem:v20+s12+$0x0] =	vst.idx.add.s32.msk $0xffff, v3;
	v20 =	vshrl.u32 v27, $0x13  }
0x208: {  	[tilespmem:v18+s12+$0x0] =	vst.idx.add.s32.msk $0xffff, v3;
	v18 =	vor.u32 v0, v17;
	v19 =	vand.u32 $0xFF0, v20  }
0x209: {  	[tilespmem:v26+s12+$0x0] =	vst.idx.add.s32.msk $0xffff, v3;
	v17 =	vor.u32 v0, v19  }
0x20a: {  	[tilespmem:v28+s12+$0x0] =	vst.idx.add.s32.msk $0xffff, v3  }
0x20b: {  	[tilespmem:v61+s12+$0x0] =	vst.idx.add.s32.msk $0xffff, v3  }
0x20c: {  	s19 =	sor.u32 $0x40, s19;
	s21 =	simm.s32 $0x0;
	[tilespmem:v21+s12+$0x0] =	vst.idx.add.s32.msk $0xffff, v3  }
.LBB2_5:
0x20d: {  	s21 =	sadd.s32 $0x10, s21;
	[tilespmem:v18+s12+$0x0] =	vst.idx.add.s32.msk $0xffff, v3;
	s20 =	sadd.s32 $0x100, s20  }
0x20e: {  	p1 =	slt.u32 s21, $0x7F0;
	[tilespmem:v17+s12+$0x0] =	vst.idx.add.s32.msk $0xffff, v3  }
0x20f: {  	v17 =	vld [tilespmem:s20+$0xFFFFFF90]  }
0x210: {  	v18 =	vld [tilespmem:s20+$0xFFFFFFB0]  }
0x211: {  	v19 =	vld [tilespmem:s20+$0xFFFFFFC0]  }
0x212: {  	v20 =	vld [tilespmem:s20+$0xFFFFFF80]  }
0x213: {  	v21 =	vld [tilespmem:s20+$0x70]  }
0x214: {  	v22 =	vld [tilespmem:s20+$0x60]  }
0x215: {  	v23 =	vld [tilespmem:s20+$0x50]  }
0x216: {  	v24 =	vld [tilespmem:s20+$0x40]  }
0x217: {  	v20 =	vshrl.u32 v20, $0x13;
	v25 =	vld [tilespmem:s20+$0x30]  }
0x218: {  	v20 =	vand.u32 $0xFF0, v20;
	v26 =	vld [tilespmem:s20+$0x20];
	v21 =	vshrl.u32 v21, $0x13  }
0x219: {  	v20 =	vor.u32 v0, v20;
	v27 =	vld [tilespmem:s20+$0x10];
	v22 =	vshrl.u32 v22, $0x13;
	v21 =	vand.u32 $0xFF0, v21  }
0x21a: {  	v28 =	vld [tilespmem:s20+$0x0];
	v23 =	vshrl.u32 v23, $0x13;
	v22 =	vand.u32 $0xFF0, v22;
	v21 =	vor.u32 v0, v21  }
0x21b: {  	v29 =	vld [tilespmem:s20+$0xFFFFFFF0];
	v24 =	vshrl.u32 v24, $0x13;
	v23 =	vand.u32 $0xFF0, v23  }
0x21c: {  	v22 =	vor.u32 v0, v22;
	v30 =	vld [tilespmem:s20+$0xFFFFFFE0];
	v25 =	vshrl.u32 v25, $0x13;
	v24 =	vand.u32 $0xFF0, v24  }
0x21d: {  	v31 =	vld [tilespmem:s20+$0xFFFFFFD0];
	v26 =	vshrl.u32 v26, $0x13;
	v25 =	vand.u32 $0xFF0, v25;
	v24 =	vor.u32 v0, v24  }
0x21e: {  	[tilespmem:v20+s12+$0x0] =	vst.idx.add.s32.msk $0xffff, v3;
	v20 =	vshrl.u32 v27, $0x13;
	v26 =	vand.u32 $0xFF0, v26;
	v25 =	vor.u32 v0, v25  }
0x21f: {  	v23 =	vor.u32 v0, v23;
	v27 =	vshrl.u32 v28, $0x13;
	v26 =	vor.u32 v0, v26;
	[tilespmem:v21+s12+$0x0] =	vst.idx.add.s32.msk $0xffff, v3  }
0x220: {  	v20 =	vand.u32 $0xFF0, v20;
	v21 =	vld [tilespmem:s20+$0xFFFFFFA0];
	v28 =	vshrl.u32 v29, $0x13;
	v27 =	vand.u32 $0xFF0, v27  }
0x221: {  	v29 =	vshrl.u32 v30, $0x13;
	v28 =	vand.u32 $0xFF0, v28;
	v27 =	vor.u32 v0, v27;
	[tilespmem:v22+s12+$0x0] =	vst.idx.add.s32.msk $0xffff, v3  }
0x222: {  	v22 =	vshrl.u32 v31, $0x13;
	v29 =	vand.u32 $0xFF0, v29;
	v28 =	vor.u32 v0, v28;
	[tilespmem:v24+s12+$0x0] =	vst.idx.add.s32.msk $0xffff, v3  }
0x223: {  	v19 =	vshrl.u32 v19, $0x13;
	v22 =	vand.u32 $0xFF0, v22;
	v24 =	vor.u32 v0, v29;
	[tilespmem:v25+s12+$0x0] =	vst.idx.add.s32.msk $0xffff, v3  }
0x224: {  	v18 =	vshrl.u32 v18, $0x13;
	v19 =	vand.u32 $0xFF0, v19;
	v22 =	vor.u32 v0, v22;
	[tilespmem:v23+s12+$0x0] =	vst.idx.add.s32.msk $0xffff, v3  }
0x225: {  	v18 =	vand.u32 $0xFF0, v18;
	v19 =	vor.u32 v0, v19;
	v21 =	vshrl.u32 v21, $0x13;
	[tilespmem:v26+s12+$0x0] =	vst.idx.add.s32.msk $0xffff, v3  }
0x226: {  	v17 =	vshrl.u32 v17, $0x13;
	v23 =	vor.u32 v0, v18;
	v21 =	vand.u32 $0xFF0, v21;
	[tilespmem:v27+s12+$0x0] =	vst.idx.add.s32.msk $0xffff, v3  }
0x227: {  	v17 =	vand.u32 $0xFF0, v17;
	v21 =	vor.u32 v0, v21;
	[tilespmem:v28+s12+$0x0] =	vst.idx.add.s32.msk $0xffff, v3  }
.Ltmp5:
0x228: {  	v18 =	vor.u32 v0, v17;
	v17 =	vor.u32 v0, v20;
	[tilespmem:v24+s12+$0x0] =	vst.idx.add.s32.msk $0xffff, v3;
	(pc) =	sbr.rel @p1 .LBB2_5-.Ltmp5, $4  }
0x229: {  	[tilespmem:v22+s12+$0x0] =	vst.idx.add.s32.msk $0xffff, v3  }
0x22a: {  	[tilespmem:v19+s12+$0x0] =	vst.idx.add.s32.msk $0xffff, v3  }
0x22b: {  	[tilespmem:v23+s12+$0x0] =	vst.idx.add.s32.msk $0xffff, v3  }
0x22c: {  	s23 =	simm.s32 $0x18040;
	[tilespmem:v21+s12+$0x0] =	vst.idx.add.s32.msk $0xffff, v3  }
0x22d: {  	_ =	sdelay $0x3  }
0x22e: {  	[tilespmem:v18+s12+$0x0] =	vst.idx.add.s32.msk $0xffff, v3  }
0x22f: {  	[tilespmem:v17+s12+$0x0] =	vst.idx.add.s32.msk $0xffff, v3  }
0x230: {  	v17 =	vld [tilespmem:s23+$0x30]  }
0x231: {  	v18 =	vld [tilespmem:s23+$0xFFFFFFD0]  }
0x232: {  	v19 =	vld [tilespmem:s23+$0xFFFFFFE0]  }
0x233: {  	v20 =	vld [tilespmem:s23+$0xFFFFFFF0]  }
0x234: {  	v21 =	vld [tilespmem:s23+$0x0]  }
0x235: {  	(xrf0) =	vadd.scan.msk.s32 $0xffff, v17  }
0x236: {  	(xrf0) =	vadd.scan.msk.s32 $0xffff, v18  }
0x237: {  	v23 =	vld [tilespmem:s23+$0x10];
	[tilespmem:s23+$0xFFFFFFD0] =	vst v2;
	(xrf0) =	vadd.scan.msk.s32 $0xffff, v19  }
0x238: {  	s20 =	simm.s32 $0x0;
	v25 =	vld [tilespmem:s23+$0xFFFFFFC0];
	[tilespmem:s23+$0xFFFFFFC0] =	vst v2;
	(xrf0) =	vadd.scan.msk.s32 $0xffff, v20  }
0x239: {  	s21 =	simm.s32 $0x1;
	s22 =	simm.s32 $0x2;
	s28 =	simm.s32 $0x4;
	v22 =	vmov s20;
	[tilespmem:s23+$0xFFFFFFE0] =	vst v2;
	(xrf0) =	vadd.scan.msk.s32 $0xffff, v21;
	v21 =	vld [tilespmem:s23+$0x20]  }
0x23a: {  	s26 =	simm.s32 $0x3;
	s31 =	simm.s32 $0x6;
	v24 =	vmov s22;
	v26 =	vmov s28;
	[tilespmem:s23+$0x0] =	vst v2;
	v17 =	vmov s21  }
0x23b: {  	s29 =	simm.s32 $0x7;
	[tilespmem:s23+$0x10] =	vst v2;
	v28 =	vmov s31;
	v18 =	vmov s26;
	v17 =	vand.u32 $0xFFFFFFF9, v17  }
0x23c: {  	v19 =	vand.u32 $0xFFFFFFFA, v24;
	v24 =	vbroadcast v17, $0x0;
	v17 =	vmov s29;
	(xrf0) =	vadd.scan.msk.s32 $0xffff, v23;
	v23, _, _ =	vpop (xrf0)  }
0x23d: {  	s30 =	simm.s32 $0x5;
	[tilespmem:s23+$0xFFFFFFF0] =	vst v2;
	v18 =	vand.u32 $0xFFFFFFFB, v18;
	v27 =	vbroadcast v19, $0x0;
	v23 =	vbroadcast v23, $0xF  }
0x23e: {  	v19 =	vmov s30;
	v20 =	vand.u32 $0xFFFFFFFC, v26;
	v18 =	vbroadcast v18, $0x0;
	(xrf0) =	vadd.scan.msk.s32 $0xffff, v21  }
0x23f: {  	[tilespmem:s23+$0x30] =	vst v2;
	v19 =	vand.u32 $0xFFFFFFFD, v19;
	v20 =	vbroadcast v20, $0x0;
	v26, _, _ =	vpop (xrf0);
	(xrf0) =	vadd.scan.msk.s32 $0xffff, v25  }
0x240: {  	s22 =	simm.s32 $0x19000;
	v28 =	vand.u32 $0xFFFFFFFE, v28;
	[tilespmem:s23+$0x20] =	vst v2;
	v19 =	vbroadcast v19, $0x0;
	v26 =	vbroadcast v26, $0xF;
	v29, _, _ =	vpop (xrf0)  }
0x241: {  	v22 =	vand.u32 $0xFFFFFFF8, v22;
	v29 =	vbroadcast v29, $0xF;
	[tilespmem:v17+s22+$0x0] =	vst.idx.msk $0x1, v23;
	v21 =	vbroadcast v28, $0x0;
	v23, _, _ =	vpop (xrf0)  }
0x242: {  	s21 =	simm.s32 $0x180C0;
	v17 =	vbroadcast v22, $0x0;
	[tilespmem:v24+s22+$0x0] =	vst.idx.msk $0x1, v26;
	v24, _, _ =	vpop (xrf0);
	v23 =	vbroadcast v23, $0xF  }
0x243: {  	s24 =	simm.s32 $0x10;
	s23 =	simm.s32 $0x8;
	v22 =	vld [tilespmem:s21+$0x30];
	[tilespmem:v27+s22+$0x0] =	vst.idx.msk $0x1, v29;
	v24 =	vbroadcast v24, $0xF;
	v25, _, _ =	vpop (xrf0)  }
.LBB2_7:
0x244: {  	p1 =	slt.u32 s24, $0xF8;
	v26 =	vld [tilespmem:s21+$0xFFFFFFD0];
	[tilespmem:v18+s22+$0x0] =	vst.idx.msk $0x1, v23;
	v18 =	vbroadcast v25, $0xF;
	v23, _, _ =	vpop (xrf0)  }
0x245: {  	v25 =	vld [tilespmem:s21+$0xFFFFFFE0];
	[tilespmem:v20+s22+$0x0] =	vst.idx.msk $0x1, v24;
	v20 =	vbroadcast v23, $0xF;
	v23, _, _ =	vpop (xrf0)  }
0x246: {  	s25 =	sadd.s32 $0x1, s23;
	v24 =	vld [tilespmem:s21+$0xFFFFFFF0];
	v23 =	vbroadcast v23, $0xF;
	[tilespmem:v19+s22+$0x0] =	vst.idx.msk $0x1, v18  }
0x247: {  	v27 =	vmov s23;
	s26 =	sadd.s32 $0x3, s23;
	v18 =	vmov s25;
	s25 =	sadd.s32 $0x2, s23;
	v19 =	vld [tilespmem:s21+$0x0];
	[tilespmem:v21+s22+$0x0] =	vst.idx.msk $0x1, v20  }
0x248: {  	v20 =	vmov s25;
	v21 =	vmov s26;
	s25 =	sadd.s32 $0x4, s23;
	s26 =	sadd.s32 $0x5, s23;
	v28 =	vld [tilespmem:s21+$0x10];
	(xrf0) =	vadd.scan.msk.s32 $0xffff, v22;
	[tilespmem:v17+s22+$0x0] =	vst.idx.msk $0x1, v23  }
0x249: {  	v17 =	vmov s25;
	v22 =	vmov s26;
	s25 =	sadd.s32 $0x6, s23;
	[tilespmem:s21+$0xFFFFFFD0] =	vst v2;
	v23 =	vld [tilespmem:s21+$0x20];
	(xrf0) =	vadd.scan.msk.s32 $0xffff, v26  }
0x24a: {  	v18 =	vand.u32 $0xFFFFFFF9, v18;
	v29 =	vmov s25;
	v26 =	vld [tilespmem:s21+$0xFFFFFFC0];
	[tilespmem:s21+$0xFFFFFFC0] =	vst v2;
	(xrf0) =	vadd.scan.msk.s32 $0xffff, v25  }
0x24b: {  	v20 =	vand.u32 $0xFFFFFFFA, v20;
	v21 =	vand.u32 $0xFFFFFFFB, v21;
	s25 =	sadd.s32 $0x7, s23;
	s23 =	smov.u32 s24;
	[tilespmem:s21+$0xFFFFFFE0] =	vst v2;
	(xrf0) =	vadd.scan.msk.s32 $0xffff, v24  }
0x24c: {  	v25 =	vmov s25;
	v24 =	vbroadcast v18, $0x0;
	[tilespmem:s21+$0x0] =	vst v2;
	(xrf0) =	vadd.scan.msk.s32 $0xffff, v19  }
0x24d: {  	v30 =	vbroadcast v20, $0x0;
	v17 =	vand.u32 $0xFFFFFFFC, v17;
	[tilespmem:s21+$0x10] =	vst v2;
	(xrf0) =	vadd.scan.msk.s32 $0xffff, v28  }
0x24e: {  	v18 =	vbroadcast v21, $0x0;
	v19 =	vand.u32 $0xFFFFFFFD, v22;
	[tilespmem:s21+$0x20] =	vst v2;
	(xrf0) =	vadd.scan.msk.s32 $0xffff, v23;
	v21, _, _ =	vpop (xrf0)  }
.Ltmp6:
0x24f: {  	v20 =	vbroadcast v17, $0x0;
	[tilespmem:s21+$0xFFFFFFF0] =	vst v2;
	v17 =	vbroadcast v21, $0xF;
	(xrf0) =	vadd.scan.msk.s32 $0xffff, v26;
	v21, _, _ =	vpop (xrf0);
	(pc) =	sbr.rel @p1 .LBB2_7-.Ltmp6, $4  }
0x250: {  	v19 =	vbroadcast v19, $0x0;
	v22 =	vbroadcast v21, $0xF;
	v21 =	vand.u32 $0xFFFFFFFE, v29;
	[tilespmem:s21+$0x30] =	vst v2;
	v23, _, _ =	vpop (xrf0)  }
0x251: {  	v26 =	vand.u32 $0xFFFFFFF8, v27;
	v27 =	vbroadcast v23, $0xF;
	v21 =	vbroadcast v21, $0x0;
	[tilespmem:v25+s22+$0x0] =	vst.idx.msk $0x1, v17;
	v23, _, _ =	vpop (xrf0)  }
0x252: {  	s21 =	sadd.s32 $0x80, s21;
	v17 =	vbroadcast v26, $0x0;
	[tilespmem:v24+s22+$0x0] =	vst.idx.msk $0x1, v22;
	v23 =	vbroadcast v23, $0xF;
	v24, _, _ =	vpop (xrf0)  }
0x253: {  	s24 =	sadd.s32 $0x8, s24;
	v22 =	vld [tilespmem:s21+$0x30];
	[tilespmem:v30+s22+$0x0] =	vst.idx.msk $0x1, v27;
	v24 =	vbroadcast v24, $0xF;
	v25, _, _ =	vpop (xrf0)  }
0x254: {  	_ =	sdelay $0x3  }
0x255: {  	v26 =	vld [tilespmem:s21+$0xFFFFFFD0];
	[tilespmem:v18+s22+$0x0] =	vst.idx.msk $0x1, v23  }
0x256: {  	v39 =	vld [tilespmem:s21+$0xFFFFFFE0];
	[tilespmem:s21+$0xFFFFFFD0] =	vst v2  }
0x257: {  	v18 =	vbroadcast v25, $0xF;
	v38, _, _ =	vpop (xrf0);
	v47 =	vld [tilespmem:s21+$0xFFFFFFC0];
	[tilespmem:s21+$0xFFFFFFC0] =	vst v2  }
0x258: {  	v42 =	vld [tilespmem:s21+$0xFFFFFFF0];
	[tilespmem:s21+$0xFFFFFFE0] =	vst v2;
	v41, _, _ =	vpop (xrf0)  }
0x259: {  	v23 =	vbroadcast v41, $0xF;
	[tilespmem:v19+s22+$0x0] =	vst.idx.msk $0x1, v18;
	v18 =	vld [tilespmem:s21+$0x0]  }
0x25a: {  	v43 =	vld [tilespmem:s21+$0x10];
	[tilespmem:s21+$0x10] =	vst v2;
	(xrf0) =	vadd.scan.msk.s32 $0xffff, v22  }
0x25b: {  	[tilespmem:v17+s22+$0x0] =	vst.idx.msk $0x1, v23;
	v17 =	vld [tilespmem:s21+$0x20];
	(xrf0) =	vadd.scan.msk.s32 $0xffff, v26  }
0x25c: {  	s24 =	sadd.s32 $0x1, s23;
	s31 =	sadd.s32 $0x2, s23;
	[tilespmem:s21+$0xFFFFFFF0] =	vst v2;
	(xrf0) =	vadd.scan.msk.s32 $0xffff, v39  }
0x25d: {  	s25 =	sadd.s32 $0x3, s23;
	s26 =	sadd.s32 $0x4, s23;
	s30 =	sadd.s32 $0x5, s23;
	v40 =	vbroadcast v38, $0xF;
	v27 =	vmov s24;
	v44 =	vmov s31;
	(xrf0) =	vadd.scan.msk.s32 $0xffff, v42  }
0x25e: {  	v28 =	vmov s25;
	v45 =	vmov s26;
	v46 =	vmov s30;
	s24 =	sadd.s32 $0x7, s23;
	(xrf0) =	vadd.scan.msk.s32 $0xffff, v18  }
0x25f: {  	v19 =	vmov s23;
	v27 =	vand.u32 $0xFFFFFFF9, v27;
	v50 =	vmov s24;
	(xrf0) =	vadd.scan.msk.s32 $0xffff, v43  }
0x260: {  	[tilespmem:v21+s22+$0x0] =	vst.idx.msk $0x1, v40;
	v21 =	vand.u32 $0xFFFFFFFA, v44;
	v49 =	vbroadcast v27, $0x0;
	(xrf0) =	vadd.scan.msk.s32 $0xffff, v17;
	v17, _, _ =	vpop (xrf0)  }
0x261: {  	[tilespmem:s21+$0x30] =	vst v2;
	s31 =	sadd.s32 $0x6, s23;
	v48 =	vand.u32 $0xFFFFFFFB, v28;
	v18 =	vbroadcast v21, $0x0;
	v17 =	vbroadcast v17, $0xF  }
0x262: {  	[tilespmem:v20+s22+$0x0] =	vst.idx.msk $0x1, v24;
	v29 =	vmov s31;
	v51 =	vand.u32 $0xFFFFFFFC, v45;
	v52 =	vbroadcast v48, $0x0  }
0x263: {  	[tilespmem:s21+$0x0] =	vst v2;
	v53 =	vand.u32 $0xFFFFFFFD, v46;
	v21 =	vbroadcast v51, $0x0;
	(xrf0) =	vadd.scan.msk.s32 $0xffff, v47;
	v54, _, _ =	vpop (xrf0)  }
0x264: {  	s25 =	simm.s32 $0x19000;
	v55 =	vand.u32 $0xFFFFFFFE, v29;
	[tilespmem:s21+$0x20] =	vst v2;
	v22 =	vbroadcast v53, $0x0;
	v23 =	vbroadcast v54, $0xF;
	v56, _, _ =	vpop (xrf0)  }
0x265: {  	v19 =	vand.u32 $0xFFFFFFF8, v19;
	v25 =	vbroadcast v55, $0x0;
	v26 =	vbroadcast v56, $0xF;
	[tilespmem:v50+s25+$0x0] =	vst.idx.msk $0x1, v17;
	v17, _, _ =	vpop (xrf0)  }
0x266: {  	v19 =	vbroadcast v19, $0x0;
	[tilespmem:v49+s25+$0x0] =	vst.idx.msk $0x1, v23;
	v17 =	vbroadcast v17, $0xF;
	v57, _, _ =	vpop (xrf0)  }
0x267: {  	[tilespmem:v18+s25+$0x0] =	vst.idx.msk $0x1, v26;
	v18 =	vbroadcast v57, $0xF;
	v58, _, _ =	vpop (xrf0)  }
0x268: {  	[tilespmem:v52+s25+$0x0] =	vst.idx.msk $0x1, v17;
	v17 =	vbroadcast v58, $0xF;
	v59, _, _ =	vpop (xrf0)  }
0x269: {  	[tilespmem:v21+s25+$0x0] =	vst.idx.msk $0x1, v18;
	v18 =	vbroadcast v59, $0xF;
	v60, _, _ =	vpop (xrf0)  }
0x26a: {  	v20 =	vbroadcast v60, $0xF;
	[tilespmem:v22+s25+$0x0] =	vst.idx.msk $0x1, v17  }
0x26b: {  	[tilespmem:v25+s25+$0x0] =	vst.idx.msk $0x1, v18  }
0x26c: {  	[tilespmem:v19+s25+$0x0] =	vst.idx.msk $0x1, v20  }
0x26d: {  	v17 =	vld [tilespmem:s25+$0x0]  }
0x26e: {  	s26 =	simm.s32 $0x19010  }
0x26f: {  	v18 =	vld [tilespmem:s26+$0x0];
	_ =	sdelay $0x2  }
0x270: {  	(xrf0) =	vadd.scan.msk.s32 $0xffff, v17;
	_ =	sdelay $0x1  }
0x271: {  	(xrf0) =	vadd.scan.msk.s32 $0xffff, v18;
	_ =	sdelay $0x3  }
0x272: {  	s30 =	simm.s32 $0x19020;
	v18, _, _ =	vpop (xrf0)  }
0x273: {  	v17 =	vld [tilespmem:s30+$0x0];
	(v2sf) =	vpush v18, $0xF  }
0x274: {  	v19, _, _ =	vpop (xrf0)  }
0x275: {  	(v2sf) =	vpush v19, $0xF  }
0x276: {  	v18 =	vadd.s32 s20, v18  }
0x277: {  	vm0 =	vgt.s32 v18, $0x31  }
0x278: {  	(xrf0) =	vadd.scan.msk.s32 $0xffff, v17;
	v17 =	vmctz.xlane vm0  }
0x279: {  	v18 =	vsel vm0, $0x3F800000, v4  }
0x27a: {  	(xrf0) =	vmax.scan.msk.f32 $0xffff, v18;
	v17 =	vxor.u32 $0x80000000, v17  }
0x27b: {  	(xrf0) =	vmax.scan.msk.u32 $0xffff, v17;
	_ =	sdelay $0x2  }
0x27c: {  	v17, _, _ =	vpop (xrf0)  }
0x27d: {  	(v2sf) =	vpush v17, $0xF  }
0x27e: {  	v18, _, _ =	vpop (xrf0)  }
0x27f: {  	s31 =	simm.s32 $0x19030;
	(v2sf) =	vpush v18, $0xF;
	v18, _, _ =	vpop (xrf0)  }
0x280: {  	(v2sf) =	vpush v18, $0xF;
	v18 =	vld [tilespmem:s31+$0x0];
	s22 =	spop (v2sf)  }
0x281: {  	s21 =	sadd.s32 $0x0, s22  }
0x282: {  	s24 =	spop (v2sf);
	v19 =	vadd.s32 s21, v19  }
0x283: {  	s23 =	simm.s32 $0x19040;
	s21 =	sadd.s32 s21, s24;
	vm13 =	vgt.s32 v19, $0x31  }
0x284: {  	v19 =	vld [tilespmem:s23+$0x0];
	v17 =	vadd.s32 s21, v17;
	v61 =	vmctz.xlane vm13  }
0x285: {  	(xrf0) =	vadd.scan.msk.s32 $0xffff, v18;
	v18 =	vsel vm13, $0x3F800000, v4;
	vm14 =	vgt.s32 v17, $0x31  }
0x286: {  	(xrf0) =	vmax.scan.msk.f32 $0xffff, v18;
	v17 =	vmctz.xlane vm14;
	v20 =	vxor.u32 $0x80000000, v61  }
0x287: {  	(xrf0) =	vmax.scan.msk.u32 $0xffff, v20  }
0x288: {  	v17 =	vxor.u32 $0x80000000, v17  }
0x289: {  	v18 =	vsel vm14, $0x3F800000, v4;
	(xrf0) =	vadd.scan.msk.s32 $0xffff, v19  }
0x28a: {  	(xrf0) =	vmax.scan.msk.f32 $0xffff, v18  }
0x28b: {  	(xrf0) =	vmax.scan.msk.u32 $0xffff, v17;
	v17, _, _ =	vpop (xrf0)  }
0x28c: {  	s26 =	spop (v2sf);
	(v2sf) =	vpush v17, $0xF;
	v19, _, _ =	vpop (xrf0)  }
0x28d: {  	s26 =	sadd.s32 s21, s26;
	(v2sf) =	vpush v19, $0xF;
	v19, _, _ =	vpop (xrf0)  }
0x28e: {  	v17 =	vadd.s32 s26, v17;
	(v2sf) =	vpush v19, $0xF;
	_ =	sdelay $0x2  }
0x28f: {  	s25 =	simm.s32 $0x19050;
	s30 =	spop (v2sf);
	vm15 =	vgt.s32 v17, $0x31;
	v17, _, _ =	vpop (xrf0)  }
0x290: {  	v18 =	vld [tilespmem:s25+$0x0];
	s31 =	spop (v2sf);
	(v2sf) =	vpush v17, $0xF;
	v62, _, _ =	vpop (xrf0)  }
0x291: {  	(v2sf) =	vpush v62, $0xF;
	v63, _, _ =	vpop (xrf0)  }
0x292: {  	(v2sf) =	vpush v63, $0xF;
	_ =	sdelay $0x1  }
0x293: {  	v19 =	vmctz.xlane vm15  }
0x294: {  	p1 =	por $0x0, $0x0;
	s29 =	simm.s32 $0x60;
	s22 =	simm.s32 $0x30;
	(xrf0) =	vadd.scan.msk.s32 $0xffff, v18;
	v18 =	vsel vm15, $0x3F800000, v4  }
0x295: {  	s24 =	simm.s32 $0x20;
	p2 =	sgt.f32 s30, $0.0e+00;
	s28 =	sadd.s32 $0x0, s31;
	(xrf0) =	vmax.scan.msk.f32 $0xffff, v18;
	v19 =	vxor.u32 $0x80000000, v19  }
0x296: {  	s23 =	simm.s32 $0x40;
	s25 =	simm.s32 $0x10;
	s28 =	smov.u32 @p1 s20;
	(xrf0) =	vmax.scan.msk.u32 $0xffff, v19  }
0x297: {  	s21 =	simm.s32 $0x50;
	s20 =	smov.u32 @p2 s28;
	s28 =	simm.s32 $0x19060  }
.LBB2_9:
0x298: {  	v18 =	vld [tilespmem:s28+$0x0];
	p3 =	sne.s32 s29, $0xF0;
	s30 =	spop (v2sf)  }
0x299: {  	s26 =	sadd.s32 s26, s30;
	s30 =	spop (v2sf)  }
0x29a: {  	v20 =	vadd.s32 s26, v17;
	v17, _, _ =	vpop (xrf0);
	s31 =	spop (v2sf)  }
0x29b: {  	p1 =	por p1, p2;
	p2 =	sgt.f32 s30, $0.0e+00;
	(v2sf) =	vpush v17, $0xF;
	vm0 =	vgt.s32 v20, $0x31;
	v19, _, _ =	vpop (xrf0);
	s31 =	sadd.s32 s25, s31  }
.Ltmp7:
0x29c: {  	s25 =	smov.u32 s24;
	v20 =	vmctz.xlane vm0;
	(v2sf) =	vpush v19, $0xF;
	v19, _, _ =	vpop (xrf0);
	s31 =	smov.u32 @p1 s20;
	(pc) =	sbr.rel @p3 .LBB2_9-.Ltmp7, $4  }
0x29d: {  	s24 =	smov.u32 s22;
	s22 =	smov.u32 s23;
	(xrf0) =	vadd.scan.msk.s32 $0xffff, v18;
	v18 =	vsel vm0, $0x3F800000, v4;
	(v2sf) =	vpush v19, $0xF;
	s20 =	smov.u32 @p2 s31  }
0x29e: {  	s23 =	smov.u32 s21;
	s21 =	smov.u32 s29;
	v19 =	vxor.u32 $0x80000000, v20;
	(xrf0) =	vmax.scan.msk.f32 $0xffff, v18  }
0x29f: {  	(xrf0) =	vmax.scan.msk.u32 $0xffff, v19  }
0x2a0: {  	s28 =	sadd.s32 $0x10, s28;
	s29 =	sadd.s32 $0x10, s29  }
0x2a1: {  	_ =	sdelay $0x4  }
0x2a2: {  	s28 =	spop (v2sf)  }
0x2a3: {  	s26 =	sadd.s32 s26, s28  }
0x2a4: {  	s31 =	spop (v2sf);
	v17 =	vadd.s32 s26, v17  }
0x2a5: {  	s29 =	spop (v2sf)  }
0x2a6: {  	vm0 =	vgt.s32 v17, $0x31;
	s30 =	spop (v2sf)  }
0x2a7: {  	v18 =	vmctz.xlane vm0;
	v17, _, _ =	vpop (xrf0);
	s26 =	sadd.s32 s26, s30  }
0x2a8: {  	v19 =	vsel vm0, $0x3F800000, v4;
	v20 =	vadd.s32 s26, v17  }
0x2a9: {  	(xrf0) =	vmax.scan.msk.f32 $0xffff, v19;
	v18 =	vxor.u32 $0x80000000, v18;
	vm0 =	vgt.s32 v20, $0x31  }
0x2aa: {  	(v2sf) =	vpush v17, $0xF;
	(xrf0) =	vmax.scan.msk.u32 $0xffff, v18;
	v18 =	vmctz.xlane vm0;
	v17 =	vsel vm0, $0x3F800000, v4;
	_ =	sdelay $0x1  }
0x2ab: {  	v19, _, _ =	vpop (xrf0);
	(xrf0) =	vmax.scan.msk.f32 $0xffff, v17;
	v18 =	vxor.u32 $0x80000000, v18  }
0x2ac: {  	v17, _, _ =	vpop (xrf0);
	(xrf0) =	vmax.scan.msk.u32 $0xffff, v18  }
0x2ad: {  	(v2sf) =	vpush v19, $0xF  }
0x2ae: {  	(v2sf) =	vpush v17, $0xF  }
0x2af: {  	v17, _, _ =	vpop (xrf0)  }
0x2b0: {  	(v2sf) =	vpush v17, $0xF;
	v17, _, _ =	vpop (xrf0)  }
0x2b1: {  	(v2sf) =	vpush v17, $0xF;
	v17, _, _ =	vpop (xrf0)  }
0x2b2: {  	(v2sf) =	vpush v17, $0xF;
	v17, _, _ =	vpop (xrf0)  }
0x2b3: {  	(v2sf) =	vpush v17, $0xF;
	_ =	sdelay $0x4  }
0x2b4: {  	p1 =	por p1, p2  }
0x2b5: {  	p3 =	sgt.f32 s31, $0.0e+00;
	s25 =	sadd.s32 s25, s29;
	s26 =	spop (v2sf)  }
0x2b6: {  	s25 =	smov.u32 @p1 s20;
	s30 =	spop (v2sf)  }
0x2b7: {  	p1 =	por p1, p3;
	p2 =	sgt.f32 s26, $0.0e+00;
	s31 =	spop (v2sf)  }
0x2b8: {  	v21 =	vld [tilespmem:s19+$0x0];
	s20 =	smov.u32 @p3 s25;
	s24 =	sadd.s32 s24, s30;
	s30 =	spop (v2sf)  }
0x2b9: {  	v22 =	vld [tilespmem:s19+$0xFFFFFFF0];
	s24 =	smov.u32 @p1 s20;
	p1 =	por p1, p2;
	s31 =	spop (v2sf)  }
0x2ba: {  	v23 =	vld [tilespmem:s19+$0xFFFFFFC0];
	s20 =	smov.u32 @p2 s24;
	p3 =	sgt.f32 s30, $0.0e+00;
	s22 =	sadd.s32 s22, s31  }
0x2bb: {  	v24 =	vld [tilespmem:s19+$0xFFFFFFD0];
	s25 =	spop (v2sf);
	s22 =	smov.u32 @p1 s20  }
0x2bc: {  	v25 =	vld [tilespmem:s19+$0xFFFFFFE0];
	s26 =	spop (v2sf);
	p2 =	sgt.f32 s25, $0.0e+00;
	p1 =	por p1, p3  }
0x2bd: {  	v19 =	vld [tilespmem:s19+$0x20];
	s20 =	smov.u32 @p3 s22;
	s22 =	sadd.s32 s23, s26;
	s28 =	spop (v2sf)  }
0x2be: {  	v20 =	vld [tilespmem:s19+$0x10];
	s22 =	smov.u32 @p1 s20;
	p1 =	por p1, p2;
	s29 =	spop (v2sf)  }
0x2bf: {  	v18 =	vld [tilespmem:s19+$0x30];
	s20 =	smov.u32 @p2 s22;
	p3 =	sgt.f32 s28, $0.0e+00;
	s21 =	sadd.s32 s21, s29  }
0x2c0: {  	v26 =	vimm.s32 $0x0;
	s21 =	smov.u32 @p1 s20  }
0x2c1: {  	v27 =	vadd.s32 v1, v26;
	s20 =	smov.u32 @p3 s21  }
0x2c2: {  	v23 =	vand.u32 $0x7FFFFFFF, v23;
	v35 =	vand.u32 $0x7FFFFFFF, v21;
	v21 =	vand.u32 $0x7FFFFFFF, v22;
	s20 =	sshll.u32 s20, $0x17  }
0x2c3: {  	v28 =	vand.u32 $0x7FFFFFFF, v19;
	v19 =	vand.u32 $0x7FFFFFFF, v24;
	v32 =	vand.u32 $0x7FFFFFFF, v20;
	s30 =	sadd.s32 $0x800000, s20  }
0x2c4: {  	v20 =	vand.u32 $0x7FFFFFFF, v25;
	v18 =	vand.u32 $0x7FFFFFFF, v18;
	v17 =	vmov s30  }
0x2c5: {  	s31 =	sadd.s32 $0x80, s19;
	vm1 =	vgt.s32 v17, v23;
	vm2 =	vgt.s32 v17, v19;
	vm3 =	vgt.s32 v17, v20  }
0x2c6: {  	v25 =	vld [tilespmem:s31+$0x30];
	vm0 =	vgt.s32 v17, v21;
	vm6 =	vgt.s32 v17, v35;
	v22 =	vsel vm1, $0x1, v2  }
0x2c7: {  	v31 =	vld [tilespmem:s31+$0x20];
	vm7 =	vgt.s32 v17, v32;
	v24 =	vsel vm2, $0x1, v2;
	v22 =	vadd.s32 v22, v26  }
0x2c8: {  	v36 =	vld [tilespmem:s31+$0x10];
	vm5 =	vgt.s32 v17, v28;
	v26 =	vsel vm3, $0x1, v2;
	v24 =	vadd.s32 v24, v22  }
0x2c9: {  	v37 =	vld [tilespmem:s31+$0x0];
	vm8 =	vgt.s32 v17, v18;
	v29 =	vsel vm0, $0x1, v2;
	v26 =	vadd.s32 v26, v24  }
0x2ca: {  	v38 =	vld [tilespmem:s31+$0xFFFFFFF0];
	v33 =	vsel vm7, $0x1, v2;
	v30 =	vadd.s32 v29, v26;
	v29 =	vsel vm6, $0x1, v2  }
0x2cb: {  	v45 =	vld [tilespmem:s31+$0xFFFFFFE0];
	v34 =	vsel vm5, $0x1, v2;
	v63 =	vsel vm8, $0x1, v2;
	v29 =	vadd.s32 v29, v30  }
0x2cc: {  	v39 =	vld [tilespmem:s31+$0xFFFFFFC0];
	vm2 =	vmmov vm2;
	v46 =	vadd.s32 v1, v30;
	v33 =	vadd.s32 v33, v29  }
0x2cd: {  	v41 =	vld [tilespmem:s31+$0xFFFFFFD0];
	vm4 =	vmmov vm3;
	v40 =	vadd.s32 v1, v33;
	v33 =	vadd.s32 v34, v33  }
0x2ce: {  	v30 =	vadd.s32 v1, v22;
	[tilespmem:v27+s13+$0x0] =	vst.idx.msk vm1, v23;
	v23 =	vand.u32 $0x7FFFFFFF, v31;
	v43 =	vadd.s32 v1, v33  }
0x2cf: {  	v22 =	vand.u32 $0x7FFFFFFF, v25;
	v25 =	vand.u32 $0x7FFFFFFF, v37;
	v42 =	vadd.s32 v1, v29  }
0x2d0: {  	v27 =	vand.u32 $0x7FFFFFFF, v38;
	v31 =	vand.u32 $0x7FFFFFFF, v45;
	v34 =	vadd.s32 v1, v26  }
0x2d1: {  	v29 =	vadd.s32 v1, v24;
	v44 =	vadd.s32 v63, v33;
	v33 =	vand.u32 $0x7FFFFFFF, v39;
	[tilespmem:v46+s13+$0x0] =	vst.idx.msk vm6, v35  }
0x2d2: {  	v24 =	vand.u32 $0x7FFFFFFF, v36;
	[tilespmem:v40+s13+$0x0] =	vst.idx.msk vm5, v28;
	vm5 =	vgt.s32 v17, v33;
	v28 =	vand.u32 $0x7FFFFFFF, v41  }
0x2d3: {  	v26 =	vadd.s32 v1, v44;
	[tilespmem:v43+s13+$0x0] =	vst.idx.msk vm8, v18;
	v18 =	vsel vm5, $0x1, v2;
	vm1 =	vgt.s32 v17, v28  }
0x2d4: {  	s19 =	simm.s32 $0x8;
	s21 =	sadd.s32 $0x80, s31;
	vm3 =	vgt.s32 v17, v31;
	[tilespmem:v42+s13+$0x0] =	vst.idx.msk vm7, v32;
	v32 =	vadd.s32 v18, v44;
	v18 =	vsel vm1, $0x1, v2  }
.LBB2_11:
0x2d5: {  	v35 =	vld [tilespmem:s21+$0x30];
	s19 =	sadd.s32 $0x8, s19;
	v18 =	vadd.s32 v18, v32;
	v36 =	vsel vm3, $0x1, v2;
	[tilespmem:v34+s13+$0x0] =	vst.idx.msk vm0, v21;
	vm0 =	vgt.s32 v17, v27  }
0x2d6: {  	vm6 =	vgt.s32 v17, v25;
	v37 =	vld [tilespmem:s21+$0x20];
	p1 =	slt.u32 s19, $0x7F8;
	v34 =	vadd.s32 v36, v18;
	v21 =	vsel vm0, $0x1, v2;
	[tilespmem:v29+s13+$0x0] =	vst.idx.msk vm4, v20  }
0x2d7: {  	vm7 =	vgt.s32 v17, v24;
	v20 =	vsel vm6, $0x1, v2;
	v36 =	vld [tilespmem:s21+$0x10];
	v38 =	vadd.s32 v21, v34;
	[tilespmem:v30+s13+$0x0] =	vst.idx.msk vm2, v19  }
0x2d8: {  	v29 =	vsel vm7, $0x1, v2;
	v39 =	vld [tilespmem:s21+$0x0];
	[tilespmem:v26+s13+$0x0] =	vst.idx.msk vm5, v33;
	v26 =	vadd.s32 v20, v38;
	vm5 =	vgt.s32 v17, v23  }
0x2d9: {  	vm8 =	vgt.s32 v17, v22;
	v41 =	vmovc v25;
	v19 =	vmovc v28;
	v40 =	vld [tilespmem:s21+$0xFFFFFFF0];
	v42 =	vadd.s32 v29, v26;
	v33 =	vsel vm5, $0x1, v2  }
0x2da: {  	v30 =	vsel vm8, $0x1, v2;
	v21 =	vmovc v27;
	v20 =	vmovc v31;
	v25 =	vld [tilespmem:s21+$0xFFFFFFC0];
	v28 =	vadd.s32 v1, v42;
	v29 =	vadd.s32 v33, v42  }
0x2db: {  	v42 =	vadd.s32 v1, v26;
	v27 =	vld [tilespmem:s21+$0xFFFFFFD0];
	v31 =	vadd.s32 v1, v29;
	v43 =	vadd.s32 v30, v29  }
0x2dc: {  	v34 =	vadd.s32 v1, v34;
	v38 =	vadd.s32 v1, v38;
	v29 =	vadd.s32 v1, v18;
	v44 =	vld [tilespmem:s21+$0xFFFFFFE0]  }
0x2dd: {  	vm2 =	vmmov vm1;
	v30 =	vadd.s32 v1, v32;
	v26 =	vadd.s32 v1, v43  }
.Ltmp8:
0x2de: {  	vm4 =	vmmov vm3;
	v18 =	vand.u32 $0x7FFFFFFF, v37;
	v32 =	vand.u32 $0x7FFFFFFF, v35;
	(pc) =	sbr.rel @p1 .LBB2_11-.Ltmp8, $4  }
0x2df: {  	v35 =	vand.u32 $0x7FFFFFFF, v36;
	v33 =	vand.u32 $0x7FFFFFFF, v25;
	v25 =	vand.u32 $0x7FFFFFFF, v39;
	[tilespmem:v28+s13+$0x0] =	vst.idx.msk vm5, v23;
	v23 =	vmovc v18  }
0x2e0: {  	vm5 =	vgt.s32 v17, v33;
	v28 =	vand.u32 $0x7FFFFFFF, v27;
	v27 =	vand.u32 $0x7FFFFFFF, v40;
	[tilespmem:v31+s13+$0x0] =	vst.idx.msk vm8, v22;
	v22 =	vmovc v32  }
0x2e1: {  	v18 =	vsel vm5, $0x1, v2;
	vm1 =	vgt.s32 v17, v28;
	v31 =	vand.u32 $0x7FFFFFFF, v44;
	[tilespmem:v42+s13+$0x0] =	vst.idx.msk vm7, v24;
	v24 =	vmovc v35  }
0x2e2: {  	s21 =	sadd.s32 $0x80, s21;
	v32 =	vadd.s32 v18, v43;
	v18 =	vsel vm1, $0x1, v2;
	vm3 =	vgt.s32 v17, v31;
	[tilespmem:v38+s13+$0x0] =	vst.idx.msk vm6, v41  }
0x2e3: {  	v35 =	vadd.s32 v18, v32;
	v18 =	vsel vm3, $0x1, v2;
	vm6 =	vgt.s32 v17, v27  }
0x2e4: {  	vm7 =	vgt.s32 v17, v25;
	v36 =	vadd.s32 v18, v35;
	v18 =	vsel vm6, $0x1, v2  }
0x2e5: {  	vm8 =	vgt.s32 v17, v24;
	v37 =	vadd.s32 v18, v36;
	v18 =	vsel vm7, $0x1, v2  }
0x2e6: {  	vm9 =	vgt.s32 v17, v23;
	v38 =	vadd.s32 v18, v37;
	v18 =	vsel vm8, $0x1, v2  }
0x2e7: {  	vm10 =	vgt.s32 v17, v22;
	v39 =	vadd.s32 v18, v38;
	v18 =	vsel vm9, $0x1, v2  }
0x2e8: {  	v17 =	vadd.s32 v18, v39;
	v18 =	vsel vm10, $0x1, v2  }
0x2e9: {  	v18 =	vadd.s32 v18, v17  }
0x2ea: {  	v40 =	vxor.u32 $0x80000000, v18  }
0x2eb: {  	(xrf0) =	vmax.scan.msk.u32 $0xffff, v40;
	_ =	sdelay $0x5  }
0x2ec: {  	v40, _, _ =	vpop (xrf0)  }
0x2ed: {  	(v2sf) =	vpush v40, $0xF;
	_ =	sdelay $0xa  }
0x2ee: {  	vm1 =	vmmov vm1;
	v62 =	vadd.s32 v1, v35  }
0x2ef: {  	[tilespmem:v34+s13+$0x0] =	vst.idx.msk vm0, v21;
	v63 =	vadd.s32 v1, v32  }
0x2f0: {  	[tilespmem:v29+s13+$0x0] =	vst.idx.msk vm4, v20;
	v61 =	vadd.s32 v1, v36  }
0x2f1: {  	[tilespmem:v30+s13+$0x0] =	vst.idx.msk vm2, v19;
	v19 =	vadd.s32 v1, v37  }
0x2f2: {  	[tilespmem:v26+s13+$0x0] =	vst.idx.msk vm5, v33;
	v20 =	vadd.s32 v1, v38;
	s19 =	spop (v2sf)  }
0x2f3: {  	v39 =	vadd.s32 v1, v39;
	[tilespmem:v62+s13+$0x0] =	vst.idx.msk vm3, v31;
	s19 =	sxor.u32 $0x80000000, s19  }
0x2f4: {  	v17 =	vadd.s32 v1, v17;
	[tilespmem:v63+s13+$0x0] =	vst.idx.msk vm1, v28;
	p1 =	sgt.s32 s19, $0xC  }
.Ltmp9:
0x2f5: {  	[tilespmem:v61+s13+$0x0] =	vst.idx.msk vm6, v27;
	(pc) =	sbr.rel @!p1 .LBB2_35-.Ltmp9, $4  }
0x2f6: {  	[tilespmem:v19+s13+$0x0] =	vst.idx.msk vm7, v25  }
0x2f7: {  	[tilespmem:v20+s13+$0x0] =	vst.idx.msk vm8, v24  }
0x2f8: {  	[tilespmem:v39+s13+$0x0] =	vst.idx.msk vm9, v23  }
0x2f9: {  	vm15 =	vmmov vm3;
	v29 =	vmov s20;
	s20 =	simm.s32 $0x0;
	[tilespmem:v17+s13+$0x0] =	vst.idx.msk vm10, v22  }
0x2fa: {  	s21 =	simm.s32 $0x0  }
.LBB2_14:
0x2fb: {  	p3 =	sne.s32 s19, $0x1  }
.Ltmp10:
0x2fc: {  	_ = 	snop;
	(pc) =	sbr.rel @!p3 .LBB2_15-.Ltmp10, $3  }
0x2fd: {  	_ =	sdelay $0x1  }
0x2fe: {  	s22 =	sshrl.u32 s16, s21  }
0x2ff: {  	v19 =	vimm.s32 $0x0;
	v20 =	vadd.s32 s20, v1;
	p1 =	por $0x0, $0x0;
	p2 =	por $0x0, $0x0;
	v17 =	vor.u32 s22, v29;
	s22 =	simm.s32 $0x1  }
0x300: {  	p3 =	sne.s32 s19, $0x2  }
.Ltmp11:
0x301: {  	_ = 	snop;
	(pc) =	sbr.rel @!p3 .LBB2_17-.Ltmp11, $2  }
0x302: {  	_ =	sdelay $0x2  }
0x303: {  	v23 =	vld.idx.msk [tilespmem:v20+s13+$0x0], $0xffff;
	s23 =	simm.s32 $0x2;
	v20 =	vadd.s32 s22, v1;
	p1 =	por $0x1, $0x1  }
0x304: {  	_ = 	snop  }
0x305: {  	p3 =	sne.s32 s19, $0x3  }
.Ltmp12:
0x306: {  	_ = 	snop;
	(pc) =	sbr.rel @!p3 .LBB2_19-.Ltmp12, $4  }
0x307: {  	v21 =	vmov s20  }
0x308: {  	vm0 =	vlt.s32 v21, v18;
	vm1 =	vgt.s32 v17, v23  }
0x309: {  	vm0 =	vmand vm0, vm1  }
0x30a: {  	s24 =	simm.s32 $0x3;
	p2 =	por $0x1, $0x1;
	v21 =	vimm.s32 $0x0;
	v23 =	vld.idx.msk [tilespmem:v20+s13+$0x0], $0xffff;
	v20 =	vadd.s32 s23, v1;
	v22 =	vmpcnt.ones.xlane vm0  }
.LBB2_20:
0x30b: {  	s25 =	smov.u32 s24;
	s24 =	sadd.s32 $0x1, s24  }
0x30c: {  	p3 =	sne.s32 s19, s24  }
.Ltmp13:
0x30d: {  	v21 =	vadd.s32 v21, v22;
	(pc) =	sbr.rel @p3 .LBB2_20-.Ltmp13, $4  }
0x30e: {  	v22 =	vmov s22;
	s22 =	smov.u32 s23  }
0x30f: {  	s23 =	smov.u32 s25;
	vm0 =	vlt.s32 v22, v18;
	vm1 =	vgt.s32 v17, v23;
	v23 =	vld.idx.msk [tilespmem:v20+s13+$0x0], $0xffff  }
0x310: {  	v20 =	vadd.s32 s23, v1;
	vm0 =	vmand vm0, vm1  }
0x311: {  	v22 =	vmpcnt.ones.xlane vm0  }
0x312: {  	s24 =	smov.u32 s22;
	s22 =	smov.u32 s23  }
.LBB2_22:
0x313: {  	_ =	sdelay $0x3  }
0x314: {  	v20 =	vld.idx.msk [tilespmem:v20+s13+$0x0], $0xffff;
	v24 =	vmov @p1 s24  }
0x315: {  	vm0 =	vlt.s32 @p1 v24, v18;
	vm1 =	vgt.s32 @p1 v17, v23  }
0x316: {  	vm0 =	vmand @p1 vm0, vm1  }
0x317: {  	v23 =	vmpcnt.ones.xlane @p1 vm0  }
0x318: {  	v62 =	vmov s22;
	v21 =	vadd.s32 @p2 v21, v22  }
0x319: {  	v21 =	vpsel p2, v21, v19;
	vm14 =	vgt.s32 v17, v20;
	v20 =	vpsel p1, v23, v0  }
0x31a: {  	s21 =	sadd.s32 $0x1, s21;
	vm13 =	vlt.s32 v62, v18;
	v20 =	vadd.s32 @p1 v21, v20  }
0x31b: {  	vm0 =	vmand vm13, vm14;
	v19 =	vpsel p1, v20, v19;
	p1 =	sne.s32 s21, $0x17  }
.Ltmp14:
0x31c: {  	v63 =	vmpcnt.ones.xlane vm0;
	(pc) =	sbr.rel @p1 .LBB2_14-.Ltmp14, $4  }
.Ltmp15:
0x31d: {  	_ = 	snop;
	(pc) =	sbr.rel @!p1 .LBB2_23-.Ltmp15, $4  }
0x31e: {  	v19 =	vadd.s32 v19, v63  }
0x31f: {  	vm15 =	vgt.s32 v19, $0x31  }
0x320: {  	v29 =	vsel vm15, v29, v17  }
0x321: {  	_ = 	snop  }
.LBB2_15:
.Ltmp16:
0x322: {  	(pc) =	sbr.rel .LBB2_22-.Ltmp16, $2  }
0x323: {  	_ =	sdelay $0x2  }
0x324: {  	v21 =	vimm.s32 $0x0;
	s22 =	simm.s32 $0x0  }
.LBB2_17:
.Ltmp17:
0x325: {  	(pc) =	sbr.rel .LBB2_22-.Ltmp17, $2  }
0x326: {  	_ =	sdelay $0x2  }
0x327: {  	v21 =	vimm.s32 $0x0;
	s24 =	simm.s32 $0x0  }
.LBB2_19:
.Ltmp18:
0x328: {  	(pc) =	sbr.rel .LBB2_22-.Ltmp18, $2  }
0x329: {  	_ =	sdelay $0x2  }
0x32a: {  	v21 =	vimm.s32 $0x0;
	s24 =	simm.s32 $0x1;
	s22 =	simm.s32 $0x2  }
.LBB2_23:
0x32b: {  	p3 =	sne.s32 s19, $0x1  }
.Ltmp19:
0x32c: {  	_ = 	snop;
	(pc) =	sbr.rel @!p3 .LBB2_24-.Ltmp19, $3  }
0x32d: {  	_ =	sdelay $0x1  }
0x32e: {  	s22 =	simm.s32 $0x0  }
0x32f: {  	v19 =	vimm.f32 $0.0e+00;
	v17 =	vimm.s32 $0x0;
	s20 =	simm.s32 $0x1;
	p1 =	por $0x0, $0x0;
	p2 =	por $0x0, $0x0;
	v20 =	vadd.s32 s22, v1  }
0x330: {  	p3 =	sne.s32 s19, $0x2  }
.Ltmp20:
0x331: {  	_ = 	snop;
	(pc) =	sbr.rel @!p3 .LBB2_26-.Ltmp20, $2  }
0x332: {  	_ =	sdelay $0x2  }
0x333: {  	v25 =	vld.idx.msk [tilespmem:v20+s13+$0x0], $0xffff;
	s21 =	simm.s32 $0x2;
	v20 =	vadd.s32 s20, v1;
	p1 =	por $0x1, $0x1  }
0x334: {  	_ =	sdelay $0x1  }
0x335: {  	p3 =	sne.s32 s19, $0x3  }
.Ltmp21:
0x336: {  	v21 =	vmov s22;
	(pc) =	sbr.rel @!p3 .LBB2_28-.Ltmp21, $4  }
0x337: {  	vm0 =	vlt.s32 v21, v18;
	vm1 =	vgt.s32 v29, v25  }
0x338: {  	vm0 =	vmand vm0, vm1  }
0x339: {  	v23 =	vld.idx.msk [tilespmem:v20+s13+$0x0], $0xffff;
	v20 =	vadd.s32 s21, v1;
	v21 =	vnsel vm0, $0x0, v25  }
0x33a: {  	s22 =	simm.s32 $0x3;
	p2 =	por $0x1, $0x1;
	v22 =	vimm.s32 $0x0;
	v24 =	vmpcnt.ones.xlane vm0;
	v21 =	vadd.f32 v21, v19  }
.LBB2_29:
0x33b: {  	s23 =	smov.u32 s22;
	s22 =	sadd.s32 $0x1, s22  }
0x33c: {  	v22 =	vadd.s32 v22, v24;
	p3 =	sne.s32 s19, s22  }
.Ltmp22:
0x33d: {  	v25 =	vmov s20;
	s20 =	smov.u32 s21;
	(pc) =	sbr.rel @p3 .LBB2_29-.Ltmp22, $4  }
0x33e: {  	vm0 =	vlt.s32 v25, v18;
	vm1 =	vgt.s32 v29, v23;
	v24 =	vmov v23;
	s21 =	smov.u32 s23;
	v23 =	vld.idx.msk [tilespmem:v20+s13+$0x0], $0xffff  }
0x33f: {  	v20 =	vadd.s32 s21, v1;
	vm0 =	vmand vm0, vm1  }
0x340: {  	v25 =	vnsel vm0, $0x0, v24;
	v24 =	vmpcnt.ones.xlane vm0  }
0x341: {  	v21 =	vadd.f32 v25, v21  }
0x342: {  	_ = 	snop  }
0x343: {  	s22 =	smov.u32 s20;
	s20 =	smov.u32 s21;
	v25 =	vmov v23  }
.LBB2_31:
0x344: {  	_ =	sdelay $0x3  }
0x345: {  	v20 =	vld.idx.msk [tilespmem:v20+s13+$0x0], $0xffff  }
0x346: {  	v23 =	vmov @p1 s22  }
0x347: {  	vm1 =	vgt.s32 @p1 v29, v25;
	vm0 =	vlt.s32 @p1 v23, v18  }
0x348: {  	v62 =	vmov s20;
	vm0 =	vmand @p1 vm0, vm1  }
0x349: {  	v22 =	vadd.s32 @p2 v22, v24;
	vm14 =	vlt.s32 v62, v18;
	v23 =	vmovc @p1 v25;
	v24 =	vmpcnt.ones.xlane @p1 vm0  }
.Ltmp23:
0x34a: {  	v22 =	vpsel p2, v22, v17;
	v23 =	vnsel @p1 vm0, $0x0, v23;
	vm15 =	vgt.s32 v29, v20;
	(pc) =	sbr.rel .LBB2_32-.Ltmp23, $4  }
0x34b: {  	v21 =	vadd.f32 @p1 v23, v21;
	v18 =	vpsel p1, v24, v0;
	vm0 =	vmand vm14, vm15  }
0x34c: {  	v18 =	vadd.s32 @p1 v22, v18;
	v63 =	vmpcnt.ones.xlane vm0  }
0x34d: {  	v19 =	vpsel p1, v21, v19;
	v20 =	vnsel vm0, $0x0, v20;
	v17 =	vpsel p1, v18, v17  }
0x34e: {  	v18 =	vadd.f32 v20, v19;
	v17 =	vadd.s32 v17, v63  }
.LBB2_24:
.Ltmp24:
0x34f: {  	(pc) =	sbr.rel .LBB2_31-.Ltmp24, $2  }
0x350: {  	_ =	sdelay $0x2  }
0x351: {  	v22 =	vimm.s32 $0x0;
	s20 =	simm.s32 $0x0;
	v21 =	vimm.f32 $0.0e+00  }
.LBB2_26:
.Ltmp25:
0x352: {  	(pc) =	sbr.rel .LBB2_31-.Ltmp25, $2  }
0x353: {  	_ =	sdelay $0x2  }
0x354: {  	v22 =	vimm.s32 $0x0;
	v21 =	vimm.f32 $0.0e+00  }
.LBB2_28:
.Ltmp26:
0x355: {  	(pc) =	sbr.rel .LBB2_31-.Ltmp26, $2  }
0x356: {  	_ =	sdelay $0x2  }
0x357: {  	v22 =	vimm.s32 $0x0;
	s22 =	simm.s32 $0x1;
	s20 =	simm.s32 $0x2;
	v25 =	vmov v23  }
.LBB2_34:
0x358: {  	_ =	sfence.sel $0x180000  }
0x359: {  	[bflag:$0x0] =	sbarrier.arrive $0xFFFF  }
0x35a: {  	p0 =	sne.s32 s1, $0x0;
	_ =	strace $0x90000047  }
0x35b: {  	s0 =	sadd.s32 @!p0 $0x100000, s0;
	[bflag:$0x2] =	sbarrier.arrive $0xFFFF  }
0x35c: {  	[sflag:s0] =	ssyncadd.tile.s32 @!p0 $0x1;
	_ =	shalt  }
.Lfunc_end2:
_tile_overlayer_lowered:
.L_overlay_start_2:
0x35d: {  	(tag) =	ssettag $0x2  }
0x35e: {  	s0 =	rddreg [dreg:$0x0];
	s2 =	stileid.u32  }
0x35f: {  	s1 =	rddreg [dreg:$0x1];
	p0 =	sne.s32 s2, $0x0  }
0x360: {  	s3 =	rddreg [dreg:$0x2];
	[bflag:$0x3] =	sbarrier.arrive $0xFFFF;
	s2 =	simm.s32 @!p0 $0x1C03  }
0x361: {  	[timem:s3], [sflag:s2] =	dma.local @!p0 [hbm:s0], s1  }
0x362: {  	s0 =	simm.s32 @!p0 $0x3  }
0x363: {  	_ =	swait.ge @!p0 [sflag:s0], s1  }
0x364: {  	s1 =	ssub.s32 @!p0 $0x0, s1;
	[sflag:s0] =	ssyncset.done @!p0 $0x0  }
0x365: {  	[sflag:s0] =	ssyncadd.s32 @!p0 s1  }
0x366: {  	[bflag:$0x3] =	sbarrier.arrive $0xFFFF  }
0x367: {  	_ =	shalt  }

</sc_bundles>
